<compile_context>
chip_gen: v7x
topology: tpu7x:2x2x1
jax: 0.10.2.dev20260603
libtpu: 0.0.44.dev20260713+nightly
codegen_flags: <defaults>
</compile_context>

<pallas_src>
import jax
import jax.numpy as jnp
import numpy as np
from jax import lax
from jax.experimental import pallas as pl
from jax.experimental.pallas import tpu as pltpu
from jax.experimental.pallas import tpu_sc as plsc

K = 64
N = 8192
NV = N // 16
ROWS = 64
NC = 2
NS = 16
NW = NC * NS
ROWS_PER_W = ROWS // NW
POOL = N + 32

SENT_I = np.int32(-1)
MASK31 = np.int32(0x7FFFFFFF)


def _keyify(v_f32):
    b = lax.bitcast_convert_type(v_f32, jnp.int32)
    m = lax.shift_right_arithmetic(b, 31)
    return lax.bitcast_convert_type(b ^ (~m & MASK31), jnp.uint32)


def _unkeyify(key_u32):
    ki = lax.bitcast_convert_type(key_u32, jnp.int32)
    m = lax.shift_right_arithmetic(ki, 31)
    return lax.bitcast_convert_type(ki ^ (~m & MASK31), jnp.float32)


def _splat_u32(s_i32):
    return jnp.full((16,), s_i32.astype(jnp.uint32), dtype=jnp.uint32)


def _merge2(a, b):
    br = lax.rev(b, (0,))
    return jnp.sort(jnp.minimum(a, br)), jnp.sort(jnp.maximum(a, br))


def _sort64(o0, o1, o2, o3):
    s0, s1, s2, s3 = jnp.sort(o0), jnp.sort(o1), jnp.sort(o2), jnp.sort(o3)
    a0, a1 = _merge2(s0, s1)
    a2, a3 = _merge2(s2, s3)
    r3, r2 = lax.rev(a3, (0,)), lax.rev(a2, (0,))
    l0, l1 = jnp.minimum(a0, r3), jnp.minimum(a1, r2)
    h0, h1 = jnp.maximum(a0, r3), jnp.maximum(a1, r2)
    f0 = jnp.sort(jnp.minimum(l0, l1))
    f1 = jnp.sort(jnp.maximum(l0, l1))
    f2 = jnp.sort(jnp.minimum(h0, h1))
    f3 = jnp.sort(jnp.maximum(h0, h1))
    return f0, f1, f2, f3


def _body(x_hbm, out_hbm, rowbuf, poolA, poolB, hist, hist16,
          counts, outk, outv, sem0, sem1):
    wid = lax.axis_index("s") * NC + lax.axis_index("c")
    lanes = lax.iota(jnp.int32, 16)
    laneoff256 = lanes * 256
    laneoff16 = lanes * 16
    zeros16 = jnp.zeros((16,), jnp.int32)
    ones16 = jnp.ones((16,), jnp.int32)
    sentv = jnp.full((16,), SENT_I, jnp.int32)

    @plsc.parallel_loop(0, 256, unroll=8)
    def _(i):
        hist[pl.ds(i * 16, 16)] = zeros16
    for l in range(16):
        hist16[pl.ds(l * 16, 16)] = zeros16

    def compact(src_ref, nb, keep_fn, dst_ref, trash_base, unroll=1):
        @plsc.parallel_loop(0, nb, unroll=unroll, carry=zeros16)
        def offv(i, offv):
            key = lax.bitcast_convert_type(src_ref[pl.ds(i * 16, 16)],
                                           jnp.uint32)
            keep = keep_fn(key)
            km = jnp.where(keep, 1, 0).astype(jnp.int32)
            excl = plsc.cumsum(km) - km
            idx = jnp.where(keep, offv + excl, trash_base + lanes)
            plsc.store_scatter(dst_ref, [idx],
                               lax.bitcast_convert_type(key, jnp.int32))
            pc = plsc.all_reduce_population_count(keep)
            return offv + pc
        n = jnp.max(offv)
        plsc.store_scatter(dst_ref, [jnp.full((16,), n, jnp.int32) + lanes],
                           sentv)
        return n

    row0 = wid * ROWS_PER_W
    cp0 = pltpu.make_async_copy(x_hbm.at[pl.ds(row0, 1)],
                                rowbuf.at[pl.ds(0, 1)], sem0)
    cp0.start()
    cp1 = pltpu.make_async_copy(x_hbm.at[pl.ds(row0 + 1, 1)],
                                rowbuf.at[pl.ds(1, 1)], sem1)
    cp1.start()
    cp0.wait()

    def row_body(r, _):
        row = row0 + r

        @pl.when(r == 1)
        def _():
            cp1.wait()

        @plsc.parallel_loop(0, NV, unroll=4)
        def _(i):
            key = _keyify(rowbuf[r, pl.ds(i * 16, 16)])
            d = jnp.right_shift(key, np.uint32(24)).astype(jnp.int32)
            plsc.addupdate_scatter(hist, [laneoff256 + d], ones16)

        def sum_iter(j, _):
            acc = zeros16
            for l in range(16):
                acc = acc + hist[pl.ds(l * 256 + j * 16, 16)]
                hist[pl.ds(l * 256 + j * 16, 16)] = zeros16
            counts[pl.ds(j * 16, 16)] = acc
            return 0
        lax.fori_loop(0, 16, sum_iter, 0)

        def scan_iter(j, carry):
            acc, B, G, found = carry
            c = counts[pl.ds(j * 16, 16)]
            tot = jnp.sum(c)
            incl = plsc.cumsum(c)
            maskv = (acc + incl) >= K
            nbef = jnp.sum(jnp.where(maskv, 0, 1))
            excl_at = acc + jnp.sum(jnp.where(lanes == nbef, incl - c, 0))
            hit = jnp.logical_and(acc + tot >= K, jnp.logical_not(found))
            B = jnp.where(hit, j * 16 + nbef, B)
            G = jnp.where(hit, excl_at, G)
            found = jnp.logical_or(found, acc + tot >= K)
            return acc + tot, B, G, found
        _, B0, G0, _ = lax.fori_loop(
            0, 16, scan_iter,
            (jnp.int32(0), jnp.int32(0), jnp.int32(0), jnp.bool_(False)))

        S = G0
        K_need = jnp.int32(K) - S
        Tp = B0

        thr = _unkeyify(_splat_u32(B0 * 16777216 + 16777215))

        @plsc.parallel_loop(0, NV, unroll=4, carry=zeros16)
        def offv(i, offv):
            v = rowbuf[r, pl.ds(i * 16, 16)]
            keep = v >= thr
            km = jnp.where(keep, 1, 0).astype(jnp.int32)
            excl = plsc.cumsum(km) - km
            idx = jnp.where(keep, offv + excl, N + lanes)
            plsc.store_scatter(poolA, [idx],
                               lax.bitcast_convert_type(_keyify(v),
                                                        jnp.int32))
            pc = plsc.all_reduce_population_count(keep)
            return offv + pc
        n = jnp.max(offv)
        plsc.store_scatter(poolA, [jnp.full((16,), n, jnp.int32) + lanes],
                           sentv)

        src, dst = poolA, poolB
        T = None
        Sf = None
        for t in range(1, 7):
            shift = 24 - 4 * t
            pshift = shift + 4
            nb = (n + 15) >> 4

            @plsc.parallel_loop(0, nb)
            def _(i, src=src, shift=shift, pshift=pshift, Tp=Tp):
                key = lax.bitcast_convert_type(src[pl.ds(i * 16, 16)],
                                               jnp.uint32)
                eq = jnp.right_shift(key, np.uint32(pshift)) == _splat_u32(Tp)
                d = (jnp.right_shift(key, np.uint32(shift))
                     & np.uint32(0xF)).astype(jnp.int32)
                plsc.addupdate_scatter(hist16, [laneoff16 + d],
                                       jnp.where(eq, 1, 0).astype(jnp.int32))

            acc = zeros16
            for l in range(16):
                acc = acc + hist16[pl.ds(l * 16, 16)]
                hist16[pl.ds(l * 16, 16)] = zeros16

            incl = plsc.cumsum(acc)
            maskv = incl >= K_need
            B = jnp.sum(jnp.where(maskv, 0, 1))
            G = jnp.sum(jnp.where(lanes == B, incl - acc, 0))
            S = S + G
            K_need = K_need - G
            Tp = Tp * 16 + B

            if t < 6:
                def keep_fn(key, shift=shift, Tp=Tp):
                    return jnp.right_shift(key, np.uint32(shift)) <= \
                        _splat_u32(Tp)
                n = compact(src, nb, keep_fn, dst, N)
                src, dst = dst, src
            else:
                T = Tp

                def keep_lt(key, T=T):
                    return key < _splat_u32(T)
                Sf = compact(src, nb, keep_lt, outk, K)

        Tv = _splat_u32(T)
        os_ = []
        for q in range(4):
            o = lax.bitcast_convert_type(outk[pl.ds(q * 16, 16)], jnp.uint32)
            gidx = lanes + q * 16
            os_.append(jnp.where(gidx < jnp.full((16,), Sf, jnp.int32),
                                 o, Tv))
        f0, f1, f2, f3 = _sort64(*os_)
        outv[0, pl.ds(0, 16)] = _unkeyify(f0)
        outv[0, pl.ds(16, 16)] = _unkeyify(f1)
        outv[0, pl.ds(32, 16)] = _unkeyify(f2)
        outv[0, pl.ds(48, 16)] = _unkeyify(f3)
        pltpu.sync_copy(outv, out_hbm.at[pl.ds(row, 1)])
        return 0

    lax.fori_loop(0, ROWS_PER_W, row_body, 0)


@jax.jit
def kernel(x):
    mesh = plsc.VectorSubcoreMesh(core_axis_name="c", subcore_axis_name="s",
                                  num_cores=NC, num_subcores=NS)
    run = pl.kernel(
        _body,
        out_type=jax.ShapeDtypeStruct((ROWS, K), jnp.float32),
        mesh=mesh,
        compiler_params=pltpu.CompilerParams(
            needs_layout_passes=False,
            disable_bounds_checks=True,
            disable_semaphore_checks=True,
            skip_device_barrier=True,
        ),
        scratch_types=[
            pltpu.VMEM((ROWS_PER_W, N), jnp.float32),
            pltpu.VMEM((POOL,), jnp.int32),
            pltpu.VMEM((POOL,), jnp.int32),
            pltpu.VMEM((4096,), jnp.int32),
            pltpu.VMEM((256,), jnp.int32),
            pltpu.VMEM((256,), jnp.int32),
            pltpu.VMEM((K + 32,), jnp.int32),
            pltpu.VMEM((1, K), jnp.float32),
            pltpu.SemaphoreType.DMA,
            pltpu.SemaphoreType.DMA,
        ],
    )
    return run(x)

# --- scband reference (transcript-rebuilt; emitter-appended) ---
"""Pipeline reference for scband-top-k-28767690948757 (READ-ONLY COPY).

The authoritative reference and input builder live on the scoring server;
editing this copy changes nothing except your own understanding.
"""

import jax, jax.numpy as jnp
import numpy as np

K = 64

def setup_inputs(seed: int = 0) -> dict:
    key = jax.random.key(seed)
    x = jax.random.normal(key, (64, 8192), dtype=jnp.float32)
    return {"x": x}

def reference(x):
    # TopK layer with output='values': tf.math.top_k(x, k).values
    values, indices = jax.lax.top_k(x, K)
    return values

if __name__ == "__main__":
    import jax
    _d = setup_inputs()
    print(jax.jit(kernel)(*tuple(_d.values())))

</pallas_src>

<mosaic_0001>
#map = affine_map<(d0, d1) -> (0, 0)>
module attributes {stable_mosaic.version = 14 : i64} {
  func.func @_body(%arg0: i32, %arg1: i32, %arg2: memref<64x8192xf32, #tpu.memory_space<hbm>>, %arg3: memref<64x64xf32, #tpu.memory_space<hbm>>, %arg4: memref<2x8192xf32, #tpu.memory_space<vmem>>, %arg5: memref<8224xi32, #tpu.memory_space<vmem>>, %arg6: memref<8224xi32, #tpu.memory_space<vmem>>, %arg7: memref<4096xi32, #tpu.memory_space<vmem>>, %arg8: memref<256xi32, #tpu.memory_space<vmem>>, %arg9: memref<256xi32, #tpu.memory_space<vmem>>, %arg10: memref<96xi32, #tpu.memory_space<vmem>>, %arg11: memref<1x64xf32, #tpu.memory_space<vmem>>, %arg12: memref<!tpu.dma_semaphore, #tpu.memory_space<semaphore_mem>>, %arg13: memref<!tpu.dma_semaphore, #tpu.memory_space<semaphore_mem>>) attributes {dimension_semantics = [#tpu.dimension_semantics<core_parallel>, #tpu.dimension_semantics<subcore_parallel>], iteration_bounds = array<i64: 2, 16>, scalar_prefetch = 0 : i64, scratch_operands = 10 : i64, tpu.core_type = #tpu.core_type<sc_vector_subcore>, window_params = [{transform_indices = #map}, {transform_indices = #map}]} {
    %mul3A = arith.constant 2 : i32
    %mul3A_0 = arith.muli %arg1, %mul3A : i32
    %add3A = arith.addi %mul3A_0, %arg0 : i32
    %iota3A = tpu.iota {dimensions = array<i32: 0>} : vector<16xi32>
    %mul3A_1 = arith.constant 256 : i32
    %mul3A_2 = vector.broadcast %mul3A_1 : i32 to vector<16xi32>
    %mul3A_3 = arith.muli %iota3A, %mul3A_2 : vector<16xi32>
    %mul3A_4 = arith.constant 16 : i32
    %mul3A_5 = vector.broadcast %mul3A_4 : i32 to vector<16xi32>
    %mul3A_6 = arith.muli %iota3A, %mul3A_5 : vector<16xi32>
    %broadcast_in_dim3A = arith.constant 0 : i32
    %broadcast_in_dim3A_7 = vector.broadcast %broadcast_in_dim3A : i32 to vector<16xi32>
    %broadcast_in_dim3A_8 = arith.constant 1 : i32
    %broadcast_in_dim3A_9 = vector.broadcast %broadcast_in_dim3A_8 : i32 to vector<16xi32>
    %broadcast_in_dim3A_10 = arith.constant -1 : i32
    %broadcast_in_dim3A_11 = vector.broadcast %broadcast_in_dim3A_10 : i32 to vector<16xi32>
    %parallel_loop3A = arith.constant 0 : i32
    %parallel_loop3A_12 = arith.constant 256 : i32
    %parallel_loop3A_13 = arith.constant 1 : i32
    scf.for %parallel_loop3A_83 = %parallel_loop3A to %parallel_loop3A_12 step %parallel_loop3A_13  : i32 {
      %parallel_loop3A_84 = arith.constant 16 : i32
      %parallel_loop3A_85 = arith.muli %parallel_loop3A_83, %parallel_loop3A_84 : i32
      %parallel_loop3A_86 = arith.index_cast %parallel_loop3A_85 : i32 to index
      %parallel_loop3A_87 = tpu.vector_load %arg7[%parallel_loop3A_86] {strides = array<i32>} : memref<4096xi32, #tpu.memory_space<vmem>>, vector<16xi32>,
      tpu.vector_store %arg7[%parallel_loop3A_86], %broadcast_in_dim3A_7 {strides = array<i32>} : memref<4096xi32, #tpu.memory_space<vmem>>, vector<16xi32>,
    } {sc.loop_unroll_factor = 8 : i64, sc.parallel_access}
    %swap3A = arith.constant 0 : index
    %swap3A_14 = tpu.vector_load %arg8[%swap3A] {strides = array<i32>} : memref<256xi32, #tpu.memory_space<vmem>>, vector<16xi32>,
    tpu.vector_store %arg8[%swap3A], %broadcast_in_dim3A_7 {strides = array<i32>} : memref<256xi32, #tpu.memory_space<vmem>>, vector<16xi32>,
    %swap3A_15 = arith.constant 16 : index
    %swap3A_16 = tpu.vector_load %arg8[%swap3A_15] {strides = array<i32>} : memref<256xi32, #tpu.memory_space<vmem>>, vector<16xi32>,
    tpu.vector_store %arg8[%swap3A_15], %broadcast_in_dim3A_7 {strides = array<i32>} : memref<256xi32, #tpu.memory_space<vmem>>, vector<16xi32>,
    %swap3A_17 = arith.constant 32 : index
    %swap3A_18 = tpu.vector_load %arg8[%swap3A_17] {strides = array<i32>} : memref<256xi32, #tpu.memory_space<vmem>>, vector<16xi32>,
    tpu.vector_store %arg8[%swap3A_17], %broadcast_in_dim3A_7 {strides = array<i32>} : memref<256xi32, #tpu.memory_space<vmem>>, vector<16xi32>,
    %swap3A_19 = arith.constant 48 : index
    %swap3A_20 = tpu.vector_load %arg8[%swap3A_19] {strides = array<i32>} : memref<256xi32, #tpu.memory_space<vmem>>, vector<16xi32>,
    tpu.vector_store %arg8[%swap3A_19], %broadcast_in_dim3A_7 {strides = array<i32>} : memref<256xi32, #tpu.memory_space<vmem>>, vector<16xi32>,
    %swap3A_21 = arith.constant 64 : index
    %swap3A_22 = tpu.vector_load %arg8[%swap3A_21] {strides = array<i32>} : memref<256xi32, #tpu.memory_space<vmem>>, vector<16xi32>,
    tpu.vector_store %arg8[%swap3A_21], %broadcast_in_dim3A_7 {strides = array<i32>} : memref<256xi32, #tpu.memory_space<vmem>>, vector<16xi32>,
    %swap3A_23 = arith.constant 80 : index
    %swap3A_24 = tpu.vector_load %arg8[%swap3A_23] {strides = array<i32>} : memref<256xi32, #tpu.memory_space<vmem>>, vector<16xi32>,
    tpu.vector_store %arg8[%swap3A_23], %broadcast_in_dim3A_7 {strides = array<i32>} : memref<256xi32, #tpu.memory_space<vmem>>, vector<16xi32>,
    %swap3A_25 = arith.constant 96 : index
    %swap3A_26 = tpu.vector_load %arg8[%swap3A_25] {strides = array<i32>} : memref<256xi32, #tpu.memory_space<vmem>>, vector<16xi32>,
    tpu.vector_store %arg8[%swap3A_25], %broadcast_in_dim3A_7 {strides = array<i32>} : memref<256xi32, #tpu.memory_space<vmem>>, vector<16xi32>,
    %swap3A_27 = arith.constant 112 : index
    %swap3A_28 = tpu.vector_load %arg8[%swap3A_27] {strides = array<i32>} : memref<256xi32, #tpu.memory_space<vmem>>, vector<16xi32>,
    tpu.vector_store %arg8[%swap3A_27], %broadcast_in_dim3A_7 {strides = array<i32>} : memref<256xi32, #tpu.memory_space<vmem>>, vector<16xi32>,
    %swap3A_29 = arith.constant 128 : index
    %swap3A_30 = tpu.vector_load %arg8[%swap3A_29] {strides = array<i32>} : memref<256xi32, #tpu.memory_space<vmem>>, vector<16xi32>,
    tpu.vector_store %arg8[%swap3A_29], %broadcast_in_dim3A_7 {strides = array<i32>} : memref<256xi32, #tpu.memory_space<vmem>>, vector<16xi32>,
    %swap3A_31 = arith.constant 144 : index
    %swap3A_32 = tpu.vector_load %arg8[%swap3A_31] {strides = array<i32>} : memref<256xi32, #tpu.memory_space<vmem>>, vector<16xi32>,
    tpu.vector_store %arg8[%swap3A_31], %broadcast_in_dim3A_7 {strides = array<i32>} : memref<256xi32, #tpu.memory_space<vmem>>, vector<16xi32>,
    %swap3A_33 = arith.constant 160 : index
    %swap3A_34 = tpu.vector_load %arg8[%swap3A_33] {strides = array<i32>} : memref<256xi32, #tpu.memory_space<vmem>>, vector<16xi32>,
    tpu.vector_store %arg8[%swap3A_33], %broadcast_in_dim3A_7 {strides = array<i32>} : memref<256xi32, #tpu.memory_space<vmem>>, vector<16xi32>,
    %swap3A_35 = arith.constant 176 : index
    %swap3A_36 = tpu.vector_load %arg8[%swap3A_35] {strides = array<i32>} : memref<256xi32, #tpu.memory_space<vmem>>, vector<16xi32>,
    tpu.vector_store %arg8[%swap3A_35], %broadcast_in_dim3A_7 {strides = array<i32>} : memref<256xi32, #tpu.memory_space<vmem>>, vector<16xi32>,
    %swap3A_37 = arith.constant 192 : index
    %swap3A_38 = tpu.vector_load %arg8[%swap3A_37] {strides = array<i32>} : memref<256xi32, #tpu.memory_space<vmem>>, vector<16xi32>,
    tpu.vector_store %arg8[%swap3A_37], %broadcast_in_dim3A_7 {strides = array<i32>} : memref<256xi32, #tpu.memory_space<vmem>>, vector<16xi32>,
    %swap3A_39 = arith.constant 208 : index
    %swap3A_40 = tpu.vector_load %arg8[%swap3A_39] {strides = array<i32>} : memref<256xi32, #tpu.memory_space<vmem>>, vector<16xi32>,
    tpu.vector_store %arg8[%swap3A_39], %broadcast_in_dim3A_7 {strides = array<i32>} : memref<256xi32, #tpu.memory_space<vmem>>, vector<16xi32>,
    %swap3A_41 = arith.constant 224 : index
    %swap3A_42 = tpu.vector_load %arg8[%swap3A_41] {strides = array<i32>} : memref<256xi32, #tpu.memory_space<vmem>>, vector<16xi32>,
    tpu.vector_store %arg8[%swap3A_41], %broadcast_in_dim3A_7 {strides = array<i32>} : memref<256xi32, #tpu.memory_space<vmem>>, vector<16xi32>,
    %swap3A_43 = arith.constant 240 : index
    %swap3A_44 = tpu.vector_load %arg8[%swap3A_43] {strides = array<i32>} : memref<256xi32, #tpu.memory_space<vmem>>, vector<16xi32>,
    tpu.vector_store %arg8[%swap3A_43], %broadcast_in_dim3A_7 {strides = array<i32>} : memref<256xi32, #tpu.memory_space<vmem>>, vector<16xi32>,
    %mul3A_45 = arith.constant 2 : i32
    %mul3A_46 = arith.muli %add3A, %mul3A_45 : i32
    %dma_start3A = arith.constant 0 : i32
    %dma_start3A_47 = arith.constant 0 : i32
    %dma_start3A_48 = tpu.memref_slice %arg4[%dma_start3A, %dma_start3A_47] : memref<2x8192xf32, #tpu.memory_space<vmem>> -> memref<1x8192xf32, #tpu.memory_space<vmem>>
    %dma_start3A_49 = arith.constant 0 : i32
    %dma_start3A_50 = tpu.memref_slice %arg2[%mul3A_46, %dma_start3A_49] : memref<64x8192xf32, #tpu.memory_space<hbm>> -> memref<1x8192xf32, #tpu.memory_space<hbm>>
    %dma_start3A_51 = arith.constant 0 : i32
    %dma_start3A_52 = arith.constant 0 : i32
    %dma_start3A_53 = tpu.memref_slice %arg4[%dma_start3A_51, %dma_start3A_52] : memref<2x8192xf32, #tpu.memory_space<vmem>> -> memref<1x8192xf32, #tpu.memory_space<vmem>>
    %dma_start3A_54 = arith.constant 0 : i32
    %dma_start3A_55 = tpu.memref_slice %arg2[%mul3A_46, %dma_start3A_54] : memref<64x8192xf32, #tpu.memory_space<hbm>> -> memref<1x8192xf32, #tpu.memory_space<hbm>>
    tpu.enqueue_dma source(%dma_start3A_55 : memref<1x8192xf32, #tpu.memory_space<hbm>>) target(%dma_start3A_53 : memref<1x8192xf32, #tpu.memory_space<vmem>>) target_semaphore(%arg12 : memref<!tpu.dma_semaphore, #tpu.memory_space<semaphore_mem>>)
    %add3A_56 = arith.constant 1 : i32
    %add3A_57 = arith.addi %mul3A_46, %add3A_56 : i32
    %dma_start3A_58 = arith.constant 1 : i32
    %dma_start3A_59 = arith.constant 0 : i32
    %dma_start3A_60 = tpu.memref_slice %arg4[%dma_start3A_58, %dma_start3A_59] : memref<2x8192xf32, #tpu.memory_space<vmem>> -> memref<1x8192xf32, #tpu.memory_space<vmem>>
    %dma_start3A_61 = arith.constant 0 : i32
    %dma_start3A_62 = tpu.memref_slice %arg2[%add3A_57, %dma_start3A_61] : memref<64x8192xf32, #tpu.memory_space<hbm>> -> memref<1x8192xf32, #tpu.memory_space<hbm>>
    %dma_start3A_63 = arith.constant 1 : i32
    %dma_start3A_64 = arith.constant 0 : i32
    %dma_start3A_65 = tpu.memref_slice %arg4[%dma_start3A_63, %dma_start3A_64] : memref<2x8192xf32, #tpu.memory_space<vmem>> -> memref<1x8192xf32, #tpu.memory_space<vmem>>
    %dma_start3A_66 = arith.constant 0 : i32
    %dma_start3A_67 = tpu.memref_slice %arg2[%add3A_57, %dma_start3A_66] : memref<64x8192xf32, #tpu.memory_space<hbm>> -> memref<1x8192xf32, #tpu.memory_space<hbm>>
    tpu.enqueue_dma source(%dma_start3A_67 : memref<1x8192xf32, #tpu.memory_space<hbm>>) target(%dma_start3A_65 : memref<1x8192xf32, #tpu.memory_space<vmem>>) target_semaphore(%arg13 : memref<!tpu.dma_semaphore, #tpu.memory_space<semaphore_mem>>)
    %dma_wait3A = arith.constant 0 : i32
    %dma_wait3A_68 = arith.constant 0 : i32
    %dma_wait3A_69 = tpu.memref_slice %arg4[%dma_wait3A, %dma_wait3A_68] : memref<2x8192xf32, #tpu.memory_space<vmem>> -> memref<1x8192xf32, #tpu.memory_space<vmem>>
    %dma_wait3A_70 = arith.constant 0 : i32
    %dma_wait3A_71 = tpu.memref_slice %arg2[%mul3A_46, %dma_wait3A_70] : memref<64x8192xf32, #tpu.memory_space<hbm>> -> memref<1x8192xf32, #tpu.memory_space<hbm>>
    %dma_wait3A_72 = arith.constant 0 : i32
    %dma_wait3A_73 = arith.constant 0 : i32
    %dma_wait3A_74 = tpu.memref_slice %arg4[%dma_wait3A_72, %dma_wait3A_73] : memref<2x8192xf32, #tpu.memory_space<vmem>> -> memref<1x8192xf32, #tpu.memory_space<vmem>>
    %dma_wait3A_75 = arith.constant 0 : i32
    %dma_wait3A_76 = tpu.memref_slice %arg2[%mul3A_46, %dma_wait3A_75] : memref<64x8192xf32, #tpu.memory_space<hbm>> -> memref<1x8192xf32, #tpu.memory_space<hbm>>
    tpu.wait_dma2 semaphore(%arg12 : memref<!tpu.dma_semaphore, #tpu.memory_space<semaphore_mem>>) src(%dma_wait3A_76 : memref<1x8192xf32, #tpu.memory_space<hbm>>) dst(%dma_wait3A_74 : memref<1x8192xf32, #tpu.memory_space<vmem>>)
    %scan3A = arith.constant 0 : i32
    %scan3A_77 = arith.constant 0 : i32
    %scan3A_78 = arith.constant 2 : i32
    %scan3A_79 = arith.addi %scan3A_77, %scan3A_78 : i32
    %scan3A_80 = arith.constant 1 : i32
    %scan3A_81 = scf.for %scan3A_83 = %scan3A_77 to %scan3A_79 step %scan3A_80 iter_args(%scan3A_84 = %scan3A) -> (i32)  : i32 {
      %add3A_85 = arith.addi %mul3A_46, %scan3A_83 : i32
      %eq3A = arith.constant 1 : i32
      %eq3A_86 = arith.cmpi eq, %scan3A_83, %eq3A : i32
      %convert_element_type3A = arith.extui %eq3A_86 : i1 to i32
      %cond3A = arith.constant 0 : i32
      %cond3A_87 = arith.cmpi ne, %convert_element_type3A, %cond3A : i32
      scf.if %cond3A_87 {
        %dma_wait3A_1068 = arith.constant 1 : i32
        %dma_wait3A_1069 = arith.constant 0 : i32
        %dma_wait3A_1070 = tpu.memref_slice %arg4[%dma_wait3A_1068, %dma_wait3A_1069] : memref<2x8192xf32, #tpu.memory_space<vmem>> -> memref<1x8192xf32, #tpu.memory_space<vmem>>
        %dma_wait3A_1071 = arith.constant 0 : i32
        %dma_wait3A_1072 = tpu.memref_slice %arg2[%add3A_57, %dma_wait3A_1071] : memref<64x8192xf32, #tpu.memory_space<hbm>> -> memref<1x8192xf32, #tpu.memory_space<hbm>>
        %dma_wait3A_1073 = arith.constant 1 : i32
        %dma_wait3A_1074 = arith.constant 0 : i32
        %dma_wait3A_1075 = tpu.memref_slice %arg4[%dma_wait3A_1073, %dma_wait3A_1074] : memref<2x8192xf32, #tpu.memory_space<vmem>> -> memref<1x8192xf32, #tpu.memory_space<vmem>>
        %dma_wait3A_1076 = arith.constant 0 : i32
        %dma_wait3A_1077 = tpu.memref_slice %arg2[%add3A_57, %dma_wait3A_1076] : memref<64x8192xf32, #tpu.memory_space<hbm>> -> memref<1x8192xf32, #tpu.memory_space<hbm>>
        tpu.wait_dma2 semaphore(%arg13 : memref<!tpu.dma_semaphore, #tpu.memory_space<semaphore_mem>>) src(%dma_wait3A_1077 : memref<1x8192xf32, #tpu.memory_space<hbm>>) dst(%dma_wait3A_1075 : memref<1x8192xf32, #tpu.memory_space<vmem>>)
      } else {
      }
      %parallel_loop3A_88 = arith.constant 0 : i32
      %parallel_loop3A_89 = arith.constant 512 : i32
      %parallel_loop3A_90 = arith.constant 1 : i32
      scf.for %parallel_loop3A_1068 = %parallel_loop3A_88 to %parallel_loop3A_89 step %parallel_loop3A_90  : i32 {
        %parallel_loop3A_1069 = arith.constant 16 : i32
        %parallel_loop3A_1070 = arith.muli %parallel_loop3A_1068, %parallel_loop3A_1069 : i32
        %parallel_loop3A_1071 = arith.index_cast %scan3A_83 : i32 to index
        %parallel_loop3A_1072 = arith.index_cast %parallel_loop3A_1070 : i32 to index
        %parallel_loop3A_1073 = tpu.vector_load %arg4[%parallel_loop3A_1071, %parallel_loop3A_1072] {strides = array<i32>} : memref<2x8192xf32, #tpu.memory_space<vmem>>, vector<16xf32>,
        %parallel_loop3A_1074 = tpu.bitcast %parallel_loop3A_1073 : vector<16xf32> -> vector<16xi32>
        %parallel_loop3A_1075 = arith.constant 31 : i32
        %parallel_loop3A_1076 = vector.broadcast %parallel_loop3A_1075 : i32 to vector<16xi32>
        %parallel_loop3A_1077 = arith.shrsi %parallel_loop3A_1074, %parallel_loop3A_1076 : vector<16xi32>
        %parallel_loop3A_1078 = arith.constant dense<-1> : vector<16xi32>
        %parallel_loop3A_1079 = arith.xori %parallel_loop3A_1077, %parallel_loop3A_1078 : vector<16xi32>
        %parallel_loop3A_1080 = arith.constant 2147483647 : i32
        %parallel_loop3A_1081 = vector.broadcast %parallel_loop3A_1080 : i32 to vector<16xi32>
        %parallel_loop3A_1082 = arith.andi %parallel_loop3A_1079, %parallel_loop3A_1081 : vector<16xi32>
        %parallel_loop3A_1083 = arith.xori %parallel_loop3A_1074, %parallel_loop3A_1082 : vector<16xi32>
        %parallel_loop3A_1084 = tpu.bitcast %parallel_loop3A_1083 : vector<16xi32> -> vector<16xi32>
        %parallel_loop3A_1085 = arith.constant 24 : i32
        %parallel_loop3A_1086 = vector.broadcast %parallel_loop3A_1085 : i32 to vector<16xi32>
        %parallel_loop3A_1087 = arith.shrui %parallel_loop3A_1084, %parallel_loop3A_1086 : vector<16xi32>
        %parallel_loop3A_1088 = arith.addi %mul3A_3, %parallel_loop3A_1087 : vector<16xi32>
        tpu.vector_store_idx %arg7[%parallel_loop3A_1088], %broadcast_in_dim3A_9 {add = true} : memref<4096xi32, #tpu.memory_space<vmem>>[vector<16xi32>], vector<16xi32>,
      } {sc.loop_unroll_factor = 4 : i64, sc.parallel_access}
      %scan3A_91 = arith.constant 0 : i32
      %scan3A_92 = arith.constant 0 : i32
      %scan3A_93 = arith.constant 16 : i32
      %scan3A_94 = arith.addi %scan3A_92, %scan3A_93 : i32
      %scan3A_95 = arith.constant 1 : i32
      %scan3A_96 = scf.for %scan3A_1068 = %scan3A_92 to %scan3A_94 step %scan3A_95 iter_args(%scan3A_1069 = %scan3A_91) -> (i32)  : i32 {
        %mul3A_1070 = arith.constant 16 : i32
        %mul3A_1071 = arith.muli %scan3A_1068, %mul3A_1070 : i32
        %add3A_1072 = arith.constant 0 : i32
        %add3A_1073 = arith.addi %add3A_1072, %mul3A_1071 : i32
        %get3A_1074 = arith.index_cast %add3A_1073 : i32 to index
        %get3A_1075 = tpu.vector_load %arg7[%get3A_1074] {strides = array<i32>} : memref<4096xi32, #tpu.memory_space<vmem>>, vector<16xi32>,
        %add3A_1076 = arith.addi %broadcast_in_dim3A_7, %get3A_1075 : vector<16xi32>
        %mul3A_1077 = arith.constant 16 : i32
        %mul3A_1078 = arith.muli %scan3A_1068, %mul3A_1077 : i32
        %add3A_1079 = arith.constant 0 : i32
        %add3A_1080 = arith.addi %add3A_1079, %mul3A_1078 : i32
        %swap3A_1081 = arith.index_cast %add3A_1080 : i32 to index
        %swap3A_1082 = tpu.vector_load %arg7[%swap3A_1081] {strides = array<i32>} : memref<4096xi32, #tpu.memory_space<vmem>>, vector<16xi32>,
        tpu.vector_store %arg7[%swap3A_1081], %broadcast_in_dim3A_7 {strides = array<i32>} : memref<4096xi32, #tpu.memory_space<vmem>>, vector<16xi32>,
        %mul3A_1083 = arith.constant 16 : i32
        %mul3A_1084 = arith.muli %scan3A_1068, %mul3A_1083 : i32
        %add3A_1085 = arith.constant 256 : i32
        %add3A_1086 = arith.addi %add3A_1085, %mul3A_1084 : i32
        %get3A_1087 = arith.index_cast %add3A_1086 : i32 to index
        %get3A_1088 = tpu.vector_load %arg7[%get3A_1087] {strides = array<i32>} : memref<4096xi32, #tpu.memory_space<vmem>>, vector<16xi32>,
        %add3A_1089 = arith.addi %add3A_1076, %get3A_1088 : vector<16xi32>
        %mul3A_1090 = arith.constant 16 : i32
        %mul3A_1091 = arith.muli %scan3A_1068, %mul3A_1090 : i32
        %add3A_1092 = arith.constant 256 : i32
        %add3A_1093 = arith.addi %add3A_1092, %mul3A_1091 : i32
        %swap3A_1094 = arith.index_cast %add3A_1093 : i32 to index
        %swap3A_1095 = tpu.vector_load %arg7[%swap3A_1094] {strides = array<i32>} : memref<4096xi32, #tpu.memory_space<vmem>>, vector<16xi32>,
        tpu.vector_store %arg7[%swap3A_1094], %broadcast_in_dim3A_7 {strides = array<i32>} : memref<4096xi32, #tpu.memory_space<vmem>>, vector<16xi32>,
        %mul3A_1096 = arith.constant 16 : i32
        %mul3A_1097 = arith.muli %scan3A_1068, %mul3A_1096 : i32
        %add3A_1098 = arith.constant 512 : i32
        %add3A_1099 = arith.addi %add3A_1098, %mul3A_1097 : i32
        %get3A_1100 = arith.index_cast %add3A_1099 : i32 to index
        %get3A_1101 = tpu.vector_load %arg7[%get3A_1100] {strides = array<i32>} : memref<4096xi32, #tpu.memory_space<vmem>>, vector<16xi32>,
        %add3A_1102 = arith.addi %add3A_1089, %get3A_1101 : vector<16xi32>
        %mul3A_1103 = arith.constant 16 : i32
        %mul3A_1104 = arith.muli %scan3A_1068, %mul3A_1103 : i32
        %add3A_1105 = arith.constant 512 : i32
        %add3A_1106 = arith.addi %add3A_1105, %mul3A_1104 : i32
        %swap3A_1107 = arith.index_cast %add3A_1106 : i32 to index
        %swap3A_1108 = tpu.vector_load %arg7[%swap3A_1107] {strides = array<i32>} : memref<4096xi32, #tpu.memory_space<vmem>>, vector<16xi32>,
        tpu.vector_store %arg7[%swap3A_1107], %broadcast_in_dim3A_7 {strides = array<i32>} : memref<4096xi32, #tpu.memory_space<vmem>>, vector<16xi32>,
        %mul3A_1109 = arith.constant 16 : i32
        %mul3A_1110 = arith.muli %scan3A_1068, %mul3A_1109 : i32
        %add3A_1111 = arith.constant 768 : i32
        %add3A_1112 = arith.addi %add3A_1111, %mul3A_1110 : i32
        %get3A_1113 = arith.index_cast %add3A_1112 : i32 to index
        %get3A_1114 = tpu.vector_load %arg7[%get3A_1113] {strides = array<i32>} : memref<4096xi32, #tpu.memory_space<vmem>>, vector<16xi32>,
        %add3A_1115 = arith.addi %add3A_1102, %get3A_1114 : vector<16xi32>
        %mul3A_1116 = arith.constant 16 : i32
        %mul3A_1117 = arith.muli %scan3A_1068, %mul3A_1116 : i32
        %add3A_1118 = arith.constant 768 : i32
        %add3A_1119 = arith.addi %add3A_1118, %mul3A_1117 : i32
        %swap3A_1120 = arith.index_cast %add3A_1119 : i32 to index
        %swap3A_1121 = tpu.vector_load %arg7[%swap3A_1120] {strides = array<i32>} : memref<4096xi32, #tpu.memory_space<vmem>>, vector<16xi32>,
        tpu.vector_store %arg7[%swap3A_1120], %broadcast_in_dim3A_7 {strides = array<i32>} : memref<4096xi32, #tpu.memory_space<vmem>>, vector<16xi32>,
        %mul3A_1122 = arith.constant 16 : i32
        %mul3A_1123 = arith.muli %scan3A_1068, %mul3A_1122 : i32
        %add3A_1124 = arith.constant 1024 : i32
        %add3A_1125 = arith.addi %add3A_1124, %mul3A_1123 : i32
        %get3A_1126 = arith.index_cast %add3A_1125 : i32 to index
        %get3A_1127 = tpu.vector_load %arg7[%get3A_1126] {strides = array<i32>} : memref<4096xi32, #tpu.memory_space<vmem>>, vector<16xi32>,
        %add3A_1128 = arith.addi %add3A_1115, %get3A_1127 : vector<16xi32>
        %mul3A_1129 = arith.constant 16 : i32
        %mul3A_1130 = arith.muli %scan3A_1068, %mul3A_1129 : i32
        %add3A_1131 = arith.constant 1024 : i32
        %add3A_1132 = arith.addi %add3A_1131, %mul3A_1130 : i32
        %swap3A_1133 = arith.index_cast %add3A_1132 : i32 to index
        %swap3A_1134 = tpu.vector_load %arg7[%swap3A_1133] {strides = array<i32>} : memref<4096xi32, #tpu.memory_space<vmem>>, vector<16xi32>,
        tpu.vector_store %arg7[%swap3A_1133], %broadcast_in_dim3A_7 {strides = array<i32>} : memref<4096xi32, #tpu.memory_space<vmem>>, vector<16xi32>,
        %mul3A_1135 = arith.constant 16 : i32
        %mul3A_1136 = arith.muli %scan3A_1068, %mul3A_1135 : i32
        %add3A_1137 = arith.constant 1280 : i32
        %add3A_1138 = arith.addi %add3A_1137, %mul3A_1136 : i32
        %get3A_1139 = arith.index_cast %add3A_1138 : i32 to index
        %get3A_1140 = tpu.vector_load %arg7[%get3A_1139] {strides = array<i32>} : memref<4096xi32, #tpu.memory_space<vmem>>, vector<16xi32>,
        %add3A_1141 = arith.addi %add3A_1128, %get3A_1140 : vector<16xi32>
        %mul3A_1142 = arith.constant 16 : i32
        %mul3A_1143 = arith.muli %scan3A_1068, %mul3A_1142 : i32
        %add3A_1144 = arith.constant 1280 : i32
        %add3A_1145 = arith.addi %add3A_1144, %mul3A_1143 : i32
        %swap3A_1146 = arith.index_cast %add3A_1145 : i32 to index
        %swap3A_1147 = tpu.vector_load %arg7[%swap3A_1146] {strides = array<i32>} : memref<4096xi32, #tpu.memory_space<vmem>>, vector<16xi32>,
        tpu.vector_store %arg7[%swap3A_1146], %broadcast_in_dim3A_7 {strides = array<i32>} : memref<4096xi32, #tpu.memory_space<vmem>>, vector<16xi32>,
        %mul3A_1148 = arith.constant 16 : i32
        %mul3A_1149 = arith.muli %scan3A_1068, %mul3A_1148 : i32
        %add3A_1150 = arith.constant 1536 : i32
        %add3A_1151 = arith.addi %add3A_1150, %mul3A_1149 : i32
        %get3A_1152 = arith.index_cast %add3A_1151 : i32 to index
        %get3A_1153 = tpu.vector_load %arg7[%get3A_1152] {strides = array<i32>} : memref<4096xi32, #tpu.memory_space<vmem>>, vector<16xi32>,
        %add3A_1154 = arith.addi %add3A_1141, %get3A_1153 : vector<16xi32>
        %mul3A_1155 = arith.constant 16 : i32
        %mul3A_1156 = arith.muli %scan3A_1068, %mul3A_1155 : i32
        %add3A_1157 = arith.constant 1536 : i32
        %add3A_1158 = arith.addi %add3A_1157, %mul3A_1156 : i32
        %swap3A_1159 = arith.index_cast %add3A_1158 : i32 to index
        %swap3A_1160 = tpu.vector_load %arg7[%swap3A_1159] {strides = array<i32>} : memref<4096xi32, #tpu.memory_space<vmem>>, vector<16xi32>,
        tpu.vector_store %arg7[%swap3A_1159], %broadcast_in_dim3A_7 {strides = array<i32>} : memref<4096xi32, #tpu.memory_space<vmem>>, vector<16xi32>,
        %mul3A_1161 = arith.constant 16 : i32
        %mul3A_1162 = arith.muli %scan3A_1068, %mul3A_1161 : i32
        %add3A_1163 = arith.constant 1792 : i32
        %add3A_1164 = arith.addi %add3A_1163, %mul3A_1162 : i32
        %get3A_1165 = arith.index_cast %add3A_1164 : i32 to index
        %get3A_1166 = tpu.vector_load %arg7[%get3A_1165] {strides = array<i32>} : memref<4096xi32, #tpu.memory_space<vmem>>, vector<16xi32>,
        %add3A_1167 = arith.addi %add3A_1154, %get3A_1166 : vector<16xi32>
        %mul3A_1168 = arith.constant 16 : i32
        %mul3A_1169 = arith.muli %scan3A_1068, %mul3A_1168 : i32
        %add3A_1170 = arith.constant 1792 : i32
        %add3A_1171 = arith.addi %add3A_1170, %mul3A_1169 : i32
        %swap3A_1172 = arith.index_cast %add3A_1171 : i32 to index
        %swap3A_1173 = tpu.vector_load %arg7[%swap3A_1172] {strides = array<i32>} : memref<4096xi32, #tpu.memory_space<vmem>>, vector<16xi32>,
        tpu.vector_store %arg7[%swap3A_1172], %broadcast_in_dim3A_7 {strides = array<i32>} : memref<4096xi32, #tpu.memory_space<vmem>>, vector<16xi32>,
        %mul3A_1174 = arith.constant 16 : i32
        %mul3A_1175 = arith.muli %scan3A_1068, %mul3A_1174 : i32
        %add3A_1176 = arith.constant 2048 : i32
        %add3A_1177 = arith.addi %add3A_1176, %mul3A_1175 : i32
        %get3A_1178 = arith.index_cast %add3A_1177 : i32 to index
        %get3A_1179 = tpu.vector_load %arg7[%get3A_1178] {strides = array<i32>} : memref<4096xi32, #tpu.memory_space<vmem>>, vector<16xi32>,
        %add3A_1180 = arith.addi %add3A_1167, %get3A_1179 : vector<16xi32>
        %mul3A_1181 = arith.constant 16 : i32
        %mul3A_1182 = arith.muli %scan3A_1068, %mul3A_1181 : i32
        %add3A_1183 = arith.constant 2048 : i32
        %add3A_1184 = arith.addi %add3A_1183, %mul3A_1182 : i32
        %swap3A_1185 = arith.index_cast %add3A_1184 : i32 to index
        %swap3A_1186 = tpu.vector_load %arg7[%swap3A_1185] {strides = array<i32>} : memref<4096xi32, #tpu.memory_space<vmem>>, vector<16xi32>,
        tpu.vector_store %arg7[%swap3A_1185], %broadcast_in_dim3A_7 {strides = array<i32>} : memref<4096xi32, #tpu.memory_space<vmem>>, vector<16xi32>,
        %mul3A_1187 = arith.constant 16 : i32
        %mul3A_1188 = arith.muli %scan3A_1068, %mul3A_1187 : i32
        %add3A_1189 = arith.constant 2304 : i32
        %add3A_1190 = arith.addi %add3A_1189, %mul3A_1188 : i32
        %get3A_1191 = arith.index_cast %add3A_1190 : i32 to index
        %get3A_1192 = tpu.vector_load %arg7[%get3A_1191] {strides = array<i32>} : memref<4096xi32, #tpu.memory_space<vmem>>, vector<16xi32>,
        %add3A_1193 = arith.addi %add3A_1180, %get3A_1192 : vector<16xi32>
        %mul3A_1194 = arith.constant 16 : i32
        %mul3A_1195 = arith.muli %scan3A_1068, %mul3A_1194 : i32
        %add3A_1196 = arith.constant 2304 : i32
        %add3A_1197 = arith.addi %add3A_1196, %mul3A_1195 : i32
        %swap3A_1198 = arith.index_cast %add3A_1197 : i32 to index
        %swap3A_1199 = tpu.vector_load %arg7[%swap3A_1198] {strides = array<i32>} : memref<4096xi32, #tpu.memory_space<vmem>>, vector<16xi32>,
        tpu.vector_store %arg7[%swap3A_1198], %broadcast_in_dim3A_7 {strides = array<i32>} : memref<4096xi32, #tpu.memory_space<vmem>>, vector<16xi32>,
        %mul3A_1200 = arith.constant 16 : i32
        %mul3A_1201 = arith.muli %scan3A_1068, %mul3A_1200 : i32
        %add3A_1202 = arith.constant 2560 : i32
        %add3A_1203 = arith.addi %add3A_1202, %mul3A_1201 : i32
        %get3A_1204 = arith.index_cast %add3A_1203 : i32 to index
        %get3A_1205 = tpu.vector_load %arg7[%get3A_1204] {strides = array<i32>} : memref<4096xi32, #tpu.memory_space<vmem>>, vector<16xi32>,
        %add3A_1206 = arith.addi %add3A_1193, %get3A_1205 : vector<16xi32>
        %mul3A_1207 = arith.constant 16 : i32
        %mul3A_1208 = arith.muli %scan3A_1068, %mul3A_1207 : i32
        %add3A_1209 = arith.constant 2560 : i32
        %add3A_1210 = arith.addi %add3A_1209, %mul3A_1208 : i32
        %swap3A_1211 = arith.index_cast %add3A_1210 : i32 to index
        %swap3A_1212 = tpu.vector_load %arg7[%swap3A_1211] {strides = array<i32>} : memref<4096xi32, #tpu.memory_space<vmem>>, vector<16xi32>,
        tpu.vector_store %arg7[%swap3A_1211], %broadcast_in_dim3A_7 {strides = array<i32>} : memref<4096xi32, #tpu.memory_space<vmem>>, vector<16xi32>,
        %mul3A_1213 = arith.constant 16 : i32
        %mul3A_1214 = arith.muli %scan3A_1068, %mul3A_1213 : i32
        %add3A_1215 = arith.constant 2816 : i32
        %add3A_1216 = arith.addi %add3A_1215, %mul3A_1214 : i32
        %get3A_1217 = arith.index_cast %add3A_1216 : i32 to index
        %get3A_1218 = tpu.vector_load %arg7[%get3A_1217] {strides = array<i32>} : memref<4096xi32, #tpu.memory_space<vmem>>, vector<16xi32>,
        %add3A_1219 = arith.addi %add3A_1206, %get3A_1218 : vector<16xi32>
        %mul3A_1220 = arith.constant 16 : i32
        %mul3A_1221 = arith.muli %scan3A_1068, %mul3A_1220 : i32
        %add3A_1222 = arith.constant 2816 : i32
        %add3A_1223 = arith.addi %add3A_1222, %mul3A_1221 : i32
        %swap3A_1224 = arith.index_cast %add3A_1223 : i32 to index
        %swap3A_1225 = tpu.vector_load %arg7[%swap3A_1224] {strides = array<i32>} : memref<4096xi32, #tpu.memory_space<vmem>>, vector<16xi32>,
        tpu.vector_store %arg7[%swap3A_1224], %broadcast_in_dim3A_7 {strides = array<i32>} : memref<4096xi32, #tpu.memory_space<vmem>>, vector<16xi32>,
        %mul3A_1226 = arith.constant 16 : i32
        %mul3A_1227 = arith.muli %scan3A_1068, %mul3A_1226 : i32
        %add3A_1228 = arith.constant 3072 : i32
        %add3A_1229 = arith.addi %add3A_1228, %mul3A_1227 : i32
        %get3A_1230 = arith.index_cast %add3A_1229 : i32 to index
        %get3A_1231 = tpu.vector_load %arg7[%get3A_1230] {strides = array<i32>} : memref<4096xi32, #tpu.memory_space<vmem>>, vector<16xi32>,
        %add3A_1232 = arith.addi %add3A_1219, %get3A_1231 : vector<16xi32>
        %mul3A_1233 = arith.constant 16 : i32
        %mul3A_1234 = arith.muli %scan3A_1068, %mul3A_1233 : i32
        %add3A_1235 = arith.constant 3072 : i32
        %add3A_1236 = arith.addi %add3A_1235, %mul3A_1234 : i32
        %swap3A_1237 = arith.index_cast %add3A_1236 : i32 to index
        %swap3A_1238 = tpu.vector_load %arg7[%swap3A_1237] {strides = array<i32>} : memref<4096xi32, #tpu.memory_space<vmem>>, vector<16xi32>,
        tpu.vector_store %arg7[%swap3A_1237], %broadcast_in_dim3A_7 {strides = array<i32>} : memref<4096xi32, #tpu.memory_space<vmem>>, vector<16xi32>,
        %mul3A_1239 = arith.constant 16 : i32
        %mul3A_1240 = arith.muli %scan3A_1068, %mul3A_1239 : i32
        %add3A_1241 = arith.constant 3328 : i32
        %add3A_1242 = arith.addi %add3A_1241, %mul3A_1240 : i32
        %get3A_1243 = arith.index_cast %add3A_1242 : i32 to index
        %get3A_1244 = tpu.vector_load %arg7[%get3A_1243] {strides = array<i32>} : memref<4096xi32, #tpu.memory_space<vmem>>, vector<16xi32>,
        %add3A_1245 = arith.addi %add3A_1232, %get3A_1244 : vector<16xi32>
        %mul3A_1246 = arith.constant 16 : i32
        %mul3A_1247 = arith.muli %scan3A_1068, %mul3A_1246 : i32
        %add3A_1248 = arith.constant 3328 : i32
        %add3A_1249 = arith.addi %add3A_1248, %mul3A_1247 : i32
        %swap3A_1250 = arith.index_cast %add3A_1249 : i32 to index
        %swap3A_1251 = tpu.vector_load %arg7[%swap3A_1250] {strides = array<i32>} : memref<4096xi32, #tpu.memory_space<vmem>>, vector<16xi32>,
        tpu.vector_store %arg7[%swap3A_1250], %broadcast_in_dim3A_7 {strides = array<i32>} : memref<4096xi32, #tpu.memory_space<vmem>>, vector<16xi32>,
        %mul3A_1252 = arith.constant 16 : i32
        %mul3A_1253 = arith.muli %scan3A_1068, %mul3A_1252 : i32
        %add3A_1254 = arith.constant 3584 : i32
        %add3A_1255 = arith.addi %add3A_1254, %mul3A_1253 : i32
        %get3A_1256 = arith.index_cast %add3A_1255 : i32 to index
        %get3A_1257 = tpu.vector_load %arg7[%get3A_1256] {strides = array<i32>} : memref<4096xi32, #tpu.memory_space<vmem>>, vector<16xi32>,
        %add3A_1258 = arith.addi %add3A_1245, %get3A_1257 : vector<16xi32>
        %mul3A_1259 = arith.constant 16 : i32
        %mul3A_1260 = arith.muli %scan3A_1068, %mul3A_1259 : i32
        %add3A_1261 = arith.constant 3584 : i32
        %add3A_1262 = arith.addi %add3A_1261, %mul3A_1260 : i32
        %swap3A_1263 = arith.index_cast %add3A_1262 : i32 to index
        %swap3A_1264 = tpu.vector_load %arg7[%swap3A_1263] {strides = array<i32>} : memref<4096xi32, #tpu.memory_space<vmem>>, vector<16xi32>,
        tpu.vector_store %arg7[%swap3A_1263], %broadcast_in_dim3A_7 {strides = array<i32>} : memref<4096xi32, #tpu.memory_space<vmem>>, vector<16xi32>,
        %mul3A_1265 = arith.constant 16 : i32
        %mul3A_1266 = arith.muli %scan3A_1068, %mul3A_1265 : i32
        %add3A_1267 = arith.constant 3840 : i32
        %add3A_1268 = arith.addi %add3A_1267, %mul3A_1266 : i32
        %get3A_1269 = arith.index_cast %add3A_1268 : i32 to index
        %get3A_1270 = tpu.vector_load %arg7[%get3A_1269] {strides = array<i32>} : memref<4096xi32, #tpu.memory_space<vmem>>, vector<16xi32>,
        %add3A_1271 = arith.addi %add3A_1258, %get3A_1270 : vector<16xi32>
        %mul3A_1272 = arith.constant 16 : i32
        %mul3A_1273 = arith.muli %scan3A_1068, %mul3A_1272 : i32
        %add3A_1274 = arith.constant 3840 : i32
        %add3A_1275 = arith.addi %add3A_1274, %mul3A_1273 : i32
        %swap3A_1276 = arith.index_cast %add3A_1275 : i32 to index
        %swap3A_1277 = tpu.vector_load %arg7[%swap3A_1276] {strides = array<i32>} : memref<4096xi32, #tpu.memory_space<vmem>>, vector<16xi32>,
        tpu.vector_store %arg7[%swap3A_1276], %broadcast_in_dim3A_7 {strides = array<i32>} : memref<4096xi32, #tpu.memory_space<vmem>>, vector<16xi32>,
        %mul3A_1278 = arith.constant 16 : i32
        %mul3A_1279 = arith.muli %scan3A_1068, %mul3A_1278 : i32
        %swap3A_1280 = arith.index_cast %mul3A_1279 : i32 to index
        %swap3A_1281 = tpu.vector_load %arg9[%swap3A_1280] {strides = array<i32>} : memref<256xi32, #tpu.memory_space<vmem>>, vector<16xi32>,
        tpu.vector_store %arg9[%swap3A_1280], %add3A_1271 {strides = array<i32>} : memref<256xi32, #tpu.memory_space<vmem>>, vector<16xi32>,
        %scan3A_1282 = arith.constant 0 : i32
        scf.yield %scan3A_1282 : i32
      }
      %scan3A_97 = arith.constant 16 : i32
      %scan3A_98 = arith.constant 0 : i32
      %scan3A_99 = arith.constant 0 : i32
      %scan3A_100 = arith.constant 0 : i32
      %scan3A_101 = arith.constant false
      %scan3A_102 = arith.constant 0 : i32
      %scan3A_103 = arith.constant 16 : i32
      %scan3A_104 = arith.addi %scan3A_102, %scan3A_103 : i32
      %scan3A_105 = arith.constant 1 : i32
      %scan3A_106:4 = scf.for %scan3A_1068 = %scan3A_102 to %scan3A_104 step %scan3A_105 iter_args(%scan3A_1069 = %scan3A_98, %scan3A_1070 = %scan3A_99, %scan3A_1071 = %scan3A_100, %scan3A_1072 = %scan3A_101) -> (i32, i32, i32, i1)  : i32 {
        %mul3A_1073 = arith.constant 16 : i32
        %mul3A_1074 = arith.muli %scan3A_1068, %mul3A_1073 : i32
        %get3A_1075 = arith.index_cast %mul3A_1074 : i32 to index
        %get3A_1076 = tpu.vector_load %arg9[%get3A_1075] {strides = array<i32>} : memref<256xi32, #tpu.memory_space<vmem>>, vector<16xi32>,
        %reduce_sum3A_1077 = arith.constant true
        %reduce_sum3A_1078 = vector.broadcast %reduce_sum3A_1077 : i1 to vector<16xi1>
        %reduce_sum3A_1079 = tpu.scan <sum>, %get3A_1076 masked %reduce_sum3A_1078 : vector<16xi32>, vector<16xi1> -> vector<16xi32>
        %reduce_sum3A_1080 = vector.extract %reduce_sum3A_1079[15] : i32 from vector<16xi32>
        %broadcast_in_dim3A_1081 = arith.constant true
        %broadcast_in_dim3A_1082 = vector.broadcast %broadcast_in_dim3A_1081 : i1 to vector<16xi1>
        %masked_cumsum3A_1083 = tpu.scan <sum>, %get3A_1076 masked %broadcast_in_dim3A_1082 : vector<16xi32>, vector<16xi1> -> vector<16xi32>
        %add3A_1084 = vector.broadcast %scan3A_1069 : i32 to vector<16xi32>
        %add3A_1085 = arith.addi %add3A_1084, %masked_cumsum3A_1083 : vector<16xi32>
        %ge3A_1086 = arith.constant 64 : i32
        %ge3A_1087 = vector.broadcast %ge3A_1086 : i32 to vector<16xi32>
        %ge3A_1088 = arith.cmpi sge, %add3A_1085, %ge3A_1087 : vector<16xi32>
        %jit3A_1089 = arith.constant 0 : i32
        %jit3A_1090 = arith.constant 1 : i32
        %broadcast_in_dim3A_1091 = vector.broadcast %jit3A_1089 : i32 to vector<16xi32>
        %broadcast_in_dim3A_1092 = vector.broadcast %jit3A_1090 : i32 to vector<16xi32>
        %select_n3A_1093 = arith.select %ge3A_1088, %broadcast_in_dim3A_1091, %broadcast_in_dim3A_1092 : vector<16xi1>, vector<16xi32>
        %reduce_sum3A_1094 = arith.constant true
        %reduce_sum3A_1095 = vector.broadcast %reduce_sum3A_1094 : i1 to vector<16xi1>
        %reduce_sum3A_1096 = tpu.scan <sum>, %select_n3A_1093 masked %reduce_sum3A_1095 : vector<16xi32>, vector<16xi1> -> vector<16xi32>
        %reduce_sum3A_1097 = vector.extract %reduce_sum3A_1096[15] : i32 from vector<16xi32>
        %eq3A_1098 = vector.broadcast %reduce_sum3A_1097 : i32 to vector<16xi32>
        %eq3A_1099 = arith.cmpi eq, %iota3A, %eq3A_1098 : vector<16xi32>
        %sub3A_1100 = arith.subi %masked_cumsum3A_1083, %get3A_1076 : vector<16xi32>
        %jit3A_1101 = arith.constant 0 : i32
        %broadcast_in_dim3A_1102 = vector.broadcast %jit3A_1101 : i32 to vector<16xi32>
        %select_n3A_1103 = arith.select %eq3A_1099, %sub3A_1100, %broadcast_in_dim3A_1102 : vector<16xi1>, vector<16xi32>
        %reduce_sum3A_1104 = arith.constant true
        %reduce_sum3A_1105 = vector.broadcast %reduce_sum3A_1104 : i1 to vector<16xi1>
        %reduce_sum3A_1106 = tpu.scan <sum>, %select_n3A_1103 masked %reduce_sum3A_1105 : vector<16xi32>, vector<16xi1> -> vector<16xi32>
        %reduce_sum3A_1107 = vector.extract %reduce_sum3A_1106[15] : i32 from vector<16xi32>
        %add3A_1108 = arith.addi %scan3A_1069, %reduce_sum3A_1107 : i32
        %add3A_1109 = arith.addi %scan3A_1069, %reduce_sum3A_1080 : i32
        %ge3A_1110 = arith.constant 64 : i32
        %ge3A_1111 = arith.cmpi sge, %add3A_1109, %ge3A_1110 : i32
        %not3A_1112 = arith.constant true
        %not3A_1113 = arith.xori %scan3A_1072, %not3A_1112 : i1
        %and3A_1114 = arith.andi %ge3A_1111, %not3A_1113 : i1
        %mul3A_1115 = arith.constant 16 : i32
        %mul3A_1116 = arith.muli %scan3A_1068, %mul3A_1115 : i32
        %add3A_1117 = arith.addi %mul3A_1116, %reduce_sum3A_1097 : i32
        %select_n3A_1118 = arith.select %and3A_1114, %add3A_1117, %scan3A_1070 : i32
        %select_n3A_1119 = arith.select %and3A_1114, %add3A_1108, %scan3A_1071 : i32
        %add3A_1120 = arith.addi %scan3A_1069, %reduce_sum3A_1080 : i32
        %ge3A_1121 = arith.constant 64 : i32
        %ge3A_1122 = arith.cmpi sge, %add3A_1120, %ge3A_1121 : i32
        %or3A = arith.ori %scan3A_1072, %ge3A_1122 : i1
        %add3A_1123 = arith.addi %scan3A_1069, %reduce_sum3A_1080 : i32
        scf.yield %add3A_1123, %select_n3A_1118, %select_n3A_1119, %or3A : i32, i32, i32, i1
      }
      %scan3A_107 = arith.constant 16 : i32
      %sub3A = arith.constant 64 : i32
      %sub3A_108 = arith.subi %sub3A, %scan3A_106#2 : i32
      %mul3A_109 = arith.constant 16777216 : i32
      %mul3A_110 = arith.muli %scan3A_106#1, %mul3A_109 : i32
      %add3A_111 = arith.constant 16777215 : i32
      %add3A_112 = arith.addi %mul3A_110, %add3A_111 : i32
      %broadcast_in_dim3A_113 = vector.broadcast %add3A_112 : i32 to vector<16xi32>
      %bitcast_convert_type3A = tpu.bitcast %broadcast_in_dim3A_113 : vector<16xi32> -> vector<16xi32>
      %shift_right_arithmetic3A = arith.constant 31 : i32
      %shift_right_arithmetic3A_114 = vector.broadcast %shift_right_arithmetic3A : i32 to vector<16xi32>
      %shift_right_arithmetic3A_115 = arith.shrsi %bitcast_convert_type3A, %shift_right_arithmetic3A_114 : vector<16xi32>
      %not3A = arith.constant dense<-1> : vector<16xi32>
      %not3A_116 = arith.xori %shift_right_arithmetic3A_115, %not3A : vector<16xi32>
      %and3A = arith.constant 2147483647 : i32
      %and3A_117 = vector.broadcast %and3A : i32 to vector<16xi32>
      %and3A_118 = arith.andi %not3A_116, %and3A_117 : vector<16xi32>
      %xor3A = arith.xori %bitcast_convert_type3A, %and3A_118 : vector<16xi32>
      %bitcast_convert_type3A_119 = tpu.bitcast %xor3A : vector<16xi32> -> vector<16xf32>
      %parallel_loop3A_120 = arith.constant 0 : i32
      %parallel_loop3A_121 = arith.constant 512 : i32
      %parallel_loop3A_122 = arith.constant 1 : i32
      %parallel_loop3A_123 = scf.for %parallel_loop3A_1068 = %parallel_loop3A_120 to %parallel_loop3A_121 step %parallel_loop3A_122 iter_args(%parallel_loop3A_1069 = %broadcast_in_dim3A_7) -> (vector<16xi32>)  : i32 {
        %parallel_loop3A_1070 = arith.constant 16 : i32
        %parallel_loop3A_1071 = arith.muli %parallel_loop3A_1068, %parallel_loop3A_1070 : i32
        %parallel_loop3A_1072 = arith.index_cast %scan3A_83 : i32 to index
        %parallel_loop3A_1073 = arith.index_cast %parallel_loop3A_1071 : i32 to index
        %parallel_loop3A_1074 = tpu.vector_load %arg4[%parallel_loop3A_1072, %parallel_loop3A_1073] {strides = array<i32>} : memref<2x8192xf32, #tpu.memory_space<vmem>>, vector<16xf32>,
        %parallel_loop3A_1075 = arith.cmpf oge, %parallel_loop3A_1074, %bitcast_convert_type3A_119 : vector<16xf32>
        %parallel_loop3A_1076 = arith.constant 1 : i32
        %parallel_loop3A_1077 = arith.constant 0 : i32
        %parallel_loop3A_1078 = vector.broadcast %parallel_loop3A_1076 : i32 to vector<16xi32>
        %parallel_loop3A_1079 = vector.broadcast %parallel_loop3A_1077 : i32 to vector<16xi32>
        %parallel_loop3A_1080 = arith.select %parallel_loop3A_1075, %parallel_loop3A_1078, %parallel_loop3A_1079 : vector<16xi1>, vector<16xi32>
        %parallel_loop3A_1081 = arith.constant true
        %parallel_loop3A_1082 = vector.broadcast %parallel_loop3A_1081 : i1 to vector<16xi1>
        %parallel_loop3A_1083 = tpu.scan <sum>, %parallel_loop3A_1080 masked %parallel_loop3A_1082 : vector<16xi32>, vector<16xi1> -> vector<16xi32>
        %parallel_loop3A_1084 = arith.subi %parallel_loop3A_1083, %parallel_loop3A_1080 : vector<16xi32>
        %parallel_loop3A_1085 = arith.addi %parallel_loop3A_1069, %parallel_loop3A_1084 : vector<16xi32>
        %parallel_loop3A_1086 = arith.constant 8192 : i32
        %parallel_loop3A_1087 = vector.broadcast %parallel_loop3A_1086 : i32 to vector<16xi32>
        %parallel_loop3A_1088 = arith.addi %parallel_loop3A_1087, %iota3A : vector<16xi32>
        %parallel_loop3A_1089 = arith.select %parallel_loop3A_1075, %parallel_loop3A_1085, %parallel_loop3A_1088 : vector<16xi1>, vector<16xi32>
        %parallel_loop3A_1090 = tpu.bitcast %parallel_loop3A_1074 : vector<16xf32> -> vector<16xi32>
        %parallel_loop3A_1091 = arith.constant 31 : i32
        %parallel_loop3A_1092 = vector.broadcast %parallel_loop3A_1091 : i32 to vector<16xi32>
        %parallel_loop3A_1093 = arith.shrsi %parallel_loop3A_1090, %parallel_loop3A_1092 : vector<16xi32>
        %parallel_loop3A_1094 = arith.constant dense<-1> : vector<16xi32>
        %parallel_loop3A_1095 = arith.xori %parallel_loop3A_1093, %parallel_loop3A_1094 : vector<16xi32>
        %parallel_loop3A_1096 = arith.constant 2147483647 : i32
        %parallel_loop3A_1097 = vector.broadcast %parallel_loop3A_1096 : i32 to vector<16xi32>
        %parallel_loop3A_1098 = arith.andi %parallel_loop3A_1095, %parallel_loop3A_1097 : vector<16xi32>
        %parallel_loop3A_1099 = arith.xori %parallel_loop3A_1090, %parallel_loop3A_1098 : vector<16xi32>
        %parallel_loop3A_1100 = tpu.bitcast %parallel_loop3A_1099 : vector<16xi32> -> vector<16xi32>
        %parallel_loop3A_1101 = tpu.bitcast %parallel_loop3A_1100 : vector<16xi32> -> vector<16xi32>
        tpu.vector_store_idx %arg5[%parallel_loop3A_1089], %parallel_loop3A_1101 : memref<8224xi32, #tpu.memory_space<vmem>>[vector<16xi32>], vector<16xi32>,
        %parallel_loop3A_1102 = tpu.all_reduce %parallel_loop3A_1075 {dim = 0 : i64, kind = #tpu.reduction_kind<sum>} : vector<16xi1> -> vector<16xi32>
        %parallel_loop3A_1103 = arith.addi %parallel_loop3A_1069, %parallel_loop3A_1102 : vector<16xi32>
        scf.yield %parallel_loop3A_1103 : vector<16xi32>
      } {sc.loop_unroll_factor = 4 : i64, sc.parallel_access}
      %reduce_max3A = arith.constant true
      %reduce_max3A_124 = vector.broadcast %reduce_max3A : i1 to vector<16xi1>
      %reduce_max3A_125 = arith.constant -2147483648 : i32
      %reduce_max3A_126 = vector.broadcast %reduce_max3A_125 : i32 to vector<16xi32>
      %reduce_max3A_127 = arith.xori %parallel_loop3A_123, %reduce_max3A_126 : vector<16xi32>
      %reduce_max3A_128 = tpu.scan <max>, %reduce_max3A_127 masked %reduce_max3A_124 : vector<16xi32>, vector<16xi1> -> vector<16xi32>
      %reduce_max3A_129 = arith.xori %reduce_max3A_128, %reduce_max3A_126 : vector<16xi32>
      %reduce_max3A_130 = vector.extract %reduce_max3A_129[15] : i32 from vector<16xi32>
      %broadcast_in_dim3A_131 = vector.broadcast %reduce_max3A_130 : i32 to vector<16xi32>
      %add3A_132 = arith.addi %broadcast_in_dim3A_131, %iota3A : vector<16xi32>
      tpu.vector_store_idx %arg5[%add3A_132], %broadcast_in_dim3A_11 : memref<8224xi32, #tpu.memory_space<vmem>>[vector<16xi32>], vector<16xi32>,
      %add3A_133 = arith.constant 15 : i32
      %add3A_134 = arith.addi %reduce_max3A_130, %add3A_133 : i32
      %shift_right_arithmetic3A_135 = arith.constant 4 : i32
      %shift_right_arithmetic3A_136 = arith.shrsi %add3A_134, %shift_right_arithmetic3A_135 : i32
      %parallel_loop3A_137 = arith.constant 0 : i32
      %parallel_loop3A_138 = arith.constant 1 : i32
      scf.for %parallel_loop3A_1068 = %parallel_loop3A_137 to %shift_right_arithmetic3A_136 step %parallel_loop3A_138  : i32 {
        %parallel_loop3A_1069 = arith.constant 16 : i32
        %parallel_loop3A_1070 = arith.muli %parallel_loop3A_1068, %parallel_loop3A_1069 : i32
        %parallel_loop3A_1071 = arith.index_cast %parallel_loop3A_1070 : i32 to index
        %parallel_loop3A_1072 = tpu.vector_load %arg5[%parallel_loop3A_1071] {strides = array<i32>} : memref<8224xi32, #tpu.memory_space<vmem>>, vector<16xi32>,
        %parallel_loop3A_1073 = tpu.bitcast %parallel_loop3A_1072 : vector<16xi32> -> vector<16xi32>
        %parallel_loop3A_1074 = arith.constant 24 : i32
        %parallel_loop3A_1075 = vector.broadcast %parallel_loop3A_1074 : i32 to vector<16xi32>
        %parallel_loop3A_1076 = arith.shrui %parallel_loop3A_1073, %parallel_loop3A_1075 : vector<16xi32>
        %parallel_loop3A_1077 = vector.broadcast %scan3A_106#1 : i32 to vector<16xi32>
        %parallel_loop3A_1078 = arith.cmpi eq, %parallel_loop3A_1076, %parallel_loop3A_1077 : vector<16xi32>
        %parallel_loop3A_1079 = arith.constant 20 : i32
        %parallel_loop3A_1080 = vector.broadcast %parallel_loop3A_1079 : i32 to vector<16xi32>
        %parallel_loop3A_1081 = arith.shrui %parallel_loop3A_1073, %parallel_loop3A_1080 : vector<16xi32>
        %parallel_loop3A_1082 = arith.constant 15 : i32
        %parallel_loop3A_1083 = vector.broadcast %parallel_loop3A_1082 : i32 to vector<16xi32>
        %parallel_loop3A_1084 = arith.andi %parallel_loop3A_1081, %parallel_loop3A_1083 : vector<16xi32>
        %parallel_loop3A_1085 = arith.addi %mul3A_6, %parallel_loop3A_1084 : vector<16xi32>
        %parallel_loop3A_1086 = arith.constant 1 : i32
        %parallel_loop3A_1087 = arith.constant 0 : i32
        %parallel_loop3A_1088 = vector.broadcast %parallel_loop3A_1086 : i32 to vector<16xi32>
        %parallel_loop3A_1089 = vector.broadcast %parallel_loop3A_1087 : i32 to vector<16xi32>
        %parallel_loop3A_1090 = arith.select %parallel_loop3A_1078, %parallel_loop3A_1088, %parallel_loop3A_1089 : vector<16xi1>, vector<16xi32>
        tpu.vector_store_idx %arg8[%parallel_loop3A_1085], %parallel_loop3A_1090 {add = true} : memref<256xi32, #tpu.memory_space<vmem>>[vector<16xi32>], vector<16xi32>,
      } {sc.loop_unroll_factor = 1 : i64, sc.parallel_access}
      %get3A = arith.constant 0 : index
      %get3A_139 = tpu.vector_load %arg8[%get3A] {strides = array<i32>} : memref<256xi32, #tpu.memory_space<vmem>>, vector<16xi32>,
      %add3A_140 = arith.addi %broadcast_in_dim3A_7, %get3A_139 : vector<16xi32>
      %swap3A_141 = arith.constant 0 : index
      %swap3A_142 = tpu.vector_load %arg8[%swap3A_141] {strides = array<i32>} : memref<256xi32, #tpu.memory_space<vmem>>, vector<16xi32>,
      tpu.vector_store %arg8[%swap3A_141], %broadcast_in_dim3A_7 {strides = array<i32>} : memref<256xi32, #tpu.memory_space<vmem>>, vector<16xi32>,
      %get3A_143 = arith.constant 16 : index
      %get3A_144 = tpu.vector_load %arg8[%get3A_143] {strides = array<i32>} : memref<256xi32, #tpu.memory_space<vmem>>, vector<16xi32>,
      %add3A_145 = arith.addi %add3A_140, %get3A_144 : vector<16xi32>
      %swap3A_146 = arith.constant 16 : index
      %swap3A_147 = tpu.vector_load %arg8[%swap3A_146] {strides = array<i32>} : memref<256xi32, #tpu.memory_space<vmem>>, vector<16xi32>,
      tpu.vector_store %arg8[%swap3A_146], %broadcast_in_dim3A_7 {strides = array<i32>} : memref<256xi32, #tpu.memory_space<vmem>>, vector<16xi32>,
      %get3A_148 = arith.constant 32 : index
      %get3A_149 = tpu.vector_load %arg8[%get3A_148] {strides = array<i32>} : memref<256xi32, #tpu.memory_space<vmem>>, vector<16xi32>,
      %add3A_150 = arith.addi %add3A_145, %get3A_149 : vector<16xi32>
      %swap3A_151 = arith.constant 32 : index
      %swap3A_152 = tpu.vector_load %arg8[%swap3A_151] {strides = array<i32>} : memref<256xi32, #tpu.memory_space<vmem>>, vector<16xi32>,
      tpu.vector_store %arg8[%swap3A_151], %broadcast_in_dim3A_7 {strides = array<i32>} : memref<256xi32, #tpu.memory_space<vmem>>, vector<16xi32>,
      %get3A_153 = arith.constant 48 : index
      %get3A_154 = tpu.vector_load %arg8[%get3A_153] {strides = array<i32>} : memref<256xi32, #tpu.memory_space<vmem>>, vector<16xi32>,
      %add3A_155 = arith.addi %add3A_150, %get3A_154 : vector<16xi32>
      %swap3A_156 = arith.constant 48 : index
      %swap3A_157 = tpu.vector_load %arg8[%swap3A_156] {strides = array<i32>} : memref<256xi32, #tpu.memory_space<vmem>>, vector<16xi32>,
      tpu.vector_store %arg8[%swap3A_156], %broadcast_in_dim3A_7 {strides = array<i32>} : memref<256xi32, #tpu.memory_space<vmem>>, vector<16xi32>,
      %get3A_158 = arith.constant 64 : index
      %get3A_159 = tpu.vector_load %arg8[%get3A_158] {strides = array<i32>} : memref<256xi32, #tpu.memory_space<vmem>>, vector<16xi32>,
      %add3A_160 = arith.addi %add3A_155, %get3A_159 : vector<16xi32>
      %swap3A_161 = arith.constant 64 : index
      %swap3A_162 = tpu.vector_load %arg8[%swap3A_161] {strides = array<i32>} : memref<256xi32, #tpu.memory_space<vmem>>, vector<16xi32>,
      tpu.vector_store %arg8[%swap3A_161], %broadcast_in_dim3A_7 {strides = array<i32>} : memref<256xi32, #tpu.memory_space<vmem>>, vector<16xi32>,
      %get3A_163 = arith.constant 80 : index
      %get3A_164 = tpu.vector_load %arg8[%get3A_163] {strides = array<i32>} : memref<256xi32, #tpu.memory_space<vmem>>, vector<16xi32>,
      %add3A_165 = arith.addi %add3A_160, %get3A_164 : vector<16xi32>
      %swap3A_166 = arith.constant 80 : index
      %swap3A_167 = tpu.vector_load %arg8[%swap3A_166] {strides = array<i32>} : memref<256xi32, #tpu.memory_space<vmem>>, vector<16xi32>,
      tpu.vector_store %arg8[%swap3A_166], %broadcast_in_dim3A_7 {strides = array<i32>} : memref<256xi32, #tpu.memory_space<vmem>>, vector<16xi32>,
      %get3A_168 = arith.constant 96 : index
      %get3A_169 = tpu.vector_load %arg8[%get3A_168] {strides = array<i32>} : memref<256xi32, #tpu.memory_space<vmem>>, vector<16xi32>,
      %add3A_170 = arith.addi %add3A_165, %get3A_169 : vector<16xi32>
      %swap3A_171 = arith.constant 96 : index
      %swap3A_172 = tpu.vector_load %arg8[%swap3A_171] {strides = array<i32>} : memref<256xi32, #tpu.memory_space<vmem>>, vector<16xi32>,
      tpu.vector_store %arg8[%swap3A_171], %broadcast_in_dim3A_7 {strides = array<i32>} : memref<256xi32, #tpu.memory_space<vmem>>, vector<16xi32>,
      %get3A_173 = arith.constant 112 : index
      %get3A_174 = tpu.vector_load %arg8[%get3A_173] {strides = array<i32>} : memref<256xi32, #tpu.memory_space<vmem>>, vector<16xi32>,
      %add3A_175 = arith.addi %add3A_170, %get3A_174 : vector<16xi32>
      %swap3A_176 = arith.constant 112 : index
      %swap3A_177 = tpu.vector_load %arg8[%swap3A_176] {strides = array<i32>} : memref<256xi32, #tpu.memory_space<vmem>>, vector<16xi32>,
      tpu.vector_store %arg8[%swap3A_176], %broadcast_in_dim3A_7 {strides = array<i32>} : memref<256xi32, #tpu.memory_space<vmem>>, vector<16xi32>,
      %get3A_178 = arith.constant 128 : index
      %get3A_179 = tpu.vector_load %arg8[%get3A_178] {strides = array<i32>} : memref<256xi32, #tpu.memory_space<vmem>>, vector<16xi32>,
      %add3A_180 = arith.addi %add3A_175, %get3A_179 : vector<16xi32>
      %swap3A_181 = arith.constant 128 : index
      %swap3A_182 = tpu.vector_load %arg8[%swap3A_181] {strides = array<i32>} : memref<256xi32, #tpu.memory_space<vmem>>, vector<16xi32>,
      tpu.vector_store %arg8[%swap3A_181], %broadcast_in_dim3A_7 {strides = array<i32>} : memref<256xi32, #tpu.memory_space<vmem>>, vector<16xi32>,
      %get3A_183 = arith.constant 144 : index
      %get3A_184 = tpu.vector_load %arg8[%get3A_183] {strides = array<i32>} : memref<256xi32, #tpu.memory_space<vmem>>, vector<16xi32>,
      %add3A_185 = arith.addi %add3A_180, %get3A_184 : vector<16xi32>
      %swap3A_186 = arith.constant 144 : index
      %swap3A_187 = tpu.vector_load %arg8[%swap3A_186] {strides = array<i32>} : memref<256xi32, #tpu.memory_space<vmem>>, vector<16xi32>,
      tpu.vector_store %arg8[%swap3A_186], %broadcast_in_dim3A_7 {strides = array<i32>} : memref<256xi32, #tpu.memory_space<vmem>>, vector<16xi32>,
      %get3A_188 = arith.constant 160 : index
      %get3A_189 = tpu.vector_load %arg8[%get3A_188] {strides = array<i32>} : memref<256xi32, #tpu.memory_space<vmem>>, vector<16xi32>,
      %add3A_190 = arith.addi %add3A_185, %get3A_189 : vector<16xi32>
      %swap3A_191 = arith.constant 160 : index
      %swap3A_192 = tpu.vector_load %arg8[%swap3A_191] {strides = array<i32>} : memref<256xi32, #tpu.memory_space<vmem>>, vector<16xi32>,
      tpu.vector_store %arg8[%swap3A_191], %broadcast_in_dim3A_7 {strides = array<i32>} : memref<256xi32, #tpu.memory_space<vmem>>, vector<16xi32>,
      %get3A_193 = arith.constant 176 : index
      %get3A_194 = tpu.vector_load %arg8[%get3A_193] {strides = array<i32>} : memref<256xi32, #tpu.memory_space<vmem>>, vector<16xi32>,
      %add3A_195 = arith.addi %add3A_190, %get3A_194 : vector<16xi32>
      %swap3A_196 = arith.constant 176 : index
      %swap3A_197 = tpu.vector_load %arg8[%swap3A_196] {strides = array<i32>} : memref<256xi32, #tpu.memory_space<vmem>>, vector<16xi32>,
      tpu.vector_store %arg8[%swap3A_196], %broadcast_in_dim3A_7 {strides = array<i32>} : memref<256xi32, #tpu.memory_space<vmem>>, vector<16xi32>,
      %get3A_198 = arith.constant 192 : index
      %get3A_199 = tpu.vector_load %arg8[%get3A_198] {strides = array<i32>} : memref<256xi32, #tpu.memory_space<vmem>>, vector<16xi32>,
      %add3A_200 = arith.addi %add3A_195, %get3A_199 : vector<16xi32>
      %swap3A_201 = arith.constant 192 : index
      %swap3A_202 = tpu.vector_load %arg8[%swap3A_201] {strides = array<i32>} : memref<256xi32, #tpu.memory_space<vmem>>, vector<16xi32>,
      tpu.vector_store %arg8[%swap3A_201], %broadcast_in_dim3A_7 {strides = array<i32>} : memref<256xi32, #tpu.memory_space<vmem>>, vector<16xi32>,
      %get3A_203 = arith.constant 208 : index
      %get3A_204 = tpu.vector_load %arg8[%get3A_203] {strides = array<i32>} : memref<256xi32, #tpu.memory_space<vmem>>, vector<16xi32>,
      %add3A_205 = arith.addi %add3A_200, %get3A_204 : vector<16xi32>
      %swap3A_206 = arith.constant 208 : index
      %swap3A_207 = tpu.vector_load %arg8[%swap3A_206] {strides = array<i32>} : memref<256xi32, #tpu.memory_space<vmem>>, vector<16xi32>,
      tpu.vector_store %arg8[%swap3A_206], %broadcast_in_dim3A_7 {strides = array<i32>} : memref<256xi32, #tpu.memory_space<vmem>>, vector<16xi32>,
      %get3A_208 = arith.constant 224 : index
      %get3A_209 = tpu.vector_load %arg8[%get3A_208] {strides = array<i32>} : memref<256xi32, #tpu.memory_space<vmem>>, vector<16xi32>,
      %add3A_210 = arith.addi %add3A_205, %get3A_209 : vector<16xi32>
      %swap3A_211 = arith.constant 224 : index
      %swap3A_212 = tpu.vector_load %arg8[%swap3A_211] {strides = array<i32>} : memref<256xi32, #tpu.memory_space<vmem>>, vector<16xi32>,
      tpu.vector_store %arg8[%swap3A_211], %broadcast_in_dim3A_7 {strides = array<i32>} : memref<256xi32, #tpu.memory_space<vmem>>, vector<16xi32>,
      %get3A_213 = arith.constant 240 : index
      %get3A_214 = tpu.vector_load %arg8[%get3A_213] {strides = array<i32>} : memref<256xi32, #tpu.memory_space<vmem>>, vector<16xi32>,
      %add3A_215 = arith.addi %add3A_210, %get3A_214 : vector<16xi32>
      %swap3A_216 = arith.constant 240 : index
      %swap3A_217 = tpu.vector_load %arg8[%swap3A_216] {strides = array<i32>} : memref<256xi32, #tpu.memory_space<vmem>>, vector<16xi32>,
      tpu.vector_store %arg8[%swap3A_216], %broadcast_in_dim3A_7 {strides = array<i32>} : memref<256xi32, #tpu.memory_space<vmem>>, vector<16xi32>,
      %broadcast_in_dim3A_218 = arith.constant true
      %broadcast_in_dim3A_219 = vector.broadcast %broadcast_in_dim3A_218 : i1 to vector<16xi1>
      %masked_cumsum3A = tpu.scan <sum>, %add3A_215 masked %broadcast_in_dim3A_219 : vector<16xi32>, vector<16xi1> -> vector<16xi32>
      %ge3A = vector.broadcast %sub3A_108 : i32 to vector<16xi32>
      %ge3A_220 = arith.cmpi sge, %masked_cumsum3A, %ge3A : vector<16xi32>
      %jit3A = arith.constant 0 : i32
      %jit3A_221 = arith.constant 1 : i32
      %broadcast_in_dim3A_222 = vector.broadcast %jit3A : i32 to vector<16xi32>
      %broadcast_in_dim3A_223 = vector.broadcast %jit3A_221 : i32 to vector<16xi32>
      %select_n3A = arith.select %ge3A_220, %broadcast_in_dim3A_222, %broadcast_in_dim3A_223 : vector<16xi1>, vector<16xi32>
      %reduce_sum3A = arith.constant true
      %reduce_sum3A_224 = vector.broadcast %reduce_sum3A : i1 to vector<16xi1>
      %reduce_sum3A_225 = tpu.scan <sum>, %select_n3A masked %reduce_sum3A_224 : vector<16xi32>, vector<16xi1> -> vector<16xi32>
      %reduce_sum3A_226 = vector.extract %reduce_sum3A_225[15] : i32 from vector<16xi32>
      %eq3A_227 = vector.broadcast %reduce_sum3A_226 : i32 to vector<16xi32>
      %eq3A_228 = arith.cmpi eq, %iota3A, %eq3A_227 : vector<16xi32>
      %sub3A_229 = arith.subi %masked_cumsum3A, %add3A_215 : vector<16xi32>
      %jit3A_230 = arith.constant 0 : i32
      %broadcast_in_dim3A_231 = vector.broadcast %jit3A_230 : i32 to vector<16xi32>
      %select_n3A_232 = arith.select %eq3A_228, %sub3A_229, %broadcast_in_dim3A_231 : vector<16xi1>, vector<16xi32>
      %reduce_sum3A_233 = arith.constant true
      %reduce_sum3A_234 = vector.broadcast %reduce_sum3A_233 : i1 to vector<16xi1>
      %reduce_sum3A_235 = tpu.scan <sum>, %select_n3A_232 masked %reduce_sum3A_234 : vector<16xi32>, vector<16xi1> -> vector<16xi32>
      %reduce_sum3A_236 = vector.extract %reduce_sum3A_235[15] : i32 from vector<16xi32>
      %add3A_237 = arith.addi %scan3A_106#2, %reduce_sum3A_236 : i32
      %sub3A_238 = arith.subi %sub3A_108, %reduce_sum3A_236 : i32
      %mul3A_239 = arith.constant 16 : i32
      %mul3A_240 = arith.muli %scan3A_106#1, %mul3A_239 : i32
      %add3A_241 = arith.addi %mul3A_240, %reduce_sum3A_226 : i32
      %parallel_loop3A_242 = arith.constant 0 : i32
      %parallel_loop3A_243 = arith.constant 1 : i32
      %parallel_loop3A_244 = scf.for %parallel_loop3A_1068 = %parallel_loop3A_242 to %shift_right_arithmetic3A_136 step %parallel_loop3A_243 iter_args(%parallel_loop3A_1069 = %broadcast_in_dim3A_7) -> (vector<16xi32>)  : i32 {
        %parallel_loop3A_1070 = arith.constant 16 : i32
        %parallel_loop3A_1071 = arith.muli %parallel_loop3A_1068, %parallel_loop3A_1070 : i32
        %parallel_loop3A_1072 = arith.index_cast %parallel_loop3A_1071 : i32 to index
        %parallel_loop3A_1073 = tpu.vector_load %arg5[%parallel_loop3A_1072] {strides = array<i32>} : memref<8224xi32, #tpu.memory_space<vmem>>, vector<16xi32>,
        %parallel_loop3A_1074 = tpu.bitcast %parallel_loop3A_1073 : vector<16xi32> -> vector<16xi32>
        %parallel_loop3A_1075 = arith.constant 20 : i32
        %parallel_loop3A_1076 = vector.broadcast %parallel_loop3A_1075 : i32 to vector<16xi32>
        %parallel_loop3A_1077 = arith.shrui %parallel_loop3A_1074, %parallel_loop3A_1076 : vector<16xi32>
        %parallel_loop3A_1078 = vector.broadcast %add3A_241 : i32 to vector<16xi32>
        %parallel_loop3A_1079 = arith.cmpi ule, %parallel_loop3A_1077, %parallel_loop3A_1078 : vector<16xi32>
        %parallel_loop3A_1080 = arith.constant 1 : i32
        %parallel_loop3A_1081 = arith.constant 0 : i32
        %parallel_loop3A_1082 = vector.broadcast %parallel_loop3A_1080 : i32 to vector<16xi32>
        %parallel_loop3A_1083 = vector.broadcast %parallel_loop3A_1081 : i32 to vector<16xi32>
        %parallel_loop3A_1084 = arith.select %parallel_loop3A_1079, %parallel_loop3A_1082, %parallel_loop3A_1083 : vector<16xi1>, vector<16xi32>
        %parallel_loop3A_1085 = arith.constant true
        %parallel_loop3A_1086 = vector.broadcast %parallel_loop3A_1085 : i1 to vector<16xi1>
        %parallel_loop3A_1087 = tpu.scan <sum>, %parallel_loop3A_1084 masked %parallel_loop3A_1086 : vector<16xi32>, vector<16xi1> -> vector<16xi32>
        %parallel_loop3A_1088 = arith.subi %parallel_loop3A_1087, %parallel_loop3A_1084 : vector<16xi32>
        %parallel_loop3A_1089 = arith.addi %parallel_loop3A_1069, %parallel_loop3A_1088 : vector<16xi32>
        %parallel_loop3A_1090 = arith.constant 8192 : i32
        %parallel_loop3A_1091 = vector.broadcast %parallel_loop3A_1090 : i32 to vector<16xi32>
        %parallel_loop3A_1092 = arith.addi %parallel_loop3A_1091, %iota3A : vector<16xi32>
        %parallel_loop3A_1093 = arith.select %parallel_loop3A_1079, %parallel_loop3A_1089, %parallel_loop3A_1092 : vector<16xi1>, vector<16xi32>
        %parallel_loop3A_1094 = tpu.bitcast %parallel_loop3A_1074 : vector<16xi32> -> vector<16xi32>
        tpu.vector_store_idx %arg6[%parallel_loop3A_1093], %parallel_loop3A_1094 : memref<8224xi32, #tpu.memory_space<vmem>>[vector<16xi32>], vector<16xi32>,
        %parallel_loop3A_1095 = tpu.all_reduce %parallel_loop3A_1079 {dim = 0 : i64, kind = #tpu.reduction_kind<sum>} : vector<16xi1> -> vector<16xi32>
        %parallel_loop3A_1096 = arith.addi %parallel_loop3A_1069, %parallel_loop3A_1095 : vector<16xi32>
        scf.yield %parallel_loop3A_1096 : vector<16xi32>
      } {sc.loop_unroll_factor = 1 : i64, sc.parallel_access}
      %reduce_max3A_245 = arith.constant true
      %reduce_max3A_246 = vector.broadcast %reduce_max3A_245 : i1 to vector<16xi1>
      %reduce_max3A_247 = arith.constant -2147483648 : i32
      %reduce_max3A_248 = vector.broadcast %reduce_max3A_247 : i32 to vector<16xi32>
      %reduce_max3A_249 = arith.xori %parallel_loop3A_244, %reduce_max3A_248 : vector<16xi32>
      %reduce_max3A_250 = tpu.scan <max>, %reduce_max3A_249 masked %reduce_max3A_246 : vector<16xi32>, vector<16xi1> -> vector<16xi32>
      %reduce_max3A_251 = arith.xori %reduce_max3A_250, %reduce_max3A_248 : vector<16xi32>
      %reduce_max3A_252 = vector.extract %reduce_max3A_251[15] : i32 from vector<16xi32>
      %broadcast_in_dim3A_253 = vector.broadcast %reduce_max3A_252 : i32 to vector<16xi32>
      %add3A_254 = arith.addi %broadcast_in_dim3A_253, %iota3A : vector<16xi32>
      tpu.vector_store_idx %arg6[%add3A_254], %broadcast_in_dim3A_11 : memref<8224xi32, #tpu.memory_space<vmem>>[vector<16xi32>], vector<16xi32>,
      %add3A_255 = arith.constant 15 : i32
      %add3A_256 = arith.addi %reduce_max3A_252, %add3A_255 : i32
      %shift_right_arithmetic3A_257 = arith.constant 4 : i32
      %shift_right_arithmetic3A_258 = arith.shrsi %add3A_256, %shift_right_arithmetic3A_257 : i32
      %parallel_loop3A_259 = arith.constant 0 : i32
      %parallel_loop3A_260 = arith.constant 1 : i32
      scf.for %parallel_loop3A_1068 = %parallel_loop3A_259 to %shift_right_arithmetic3A_258 step %parallel_loop3A_260  : i32 {
        %parallel_loop3A_1069 = arith.constant 16 : i32
        %parallel_loop3A_1070 = arith.muli %parallel_loop3A_1068, %parallel_loop3A_1069 : i32
        %parallel_loop3A_1071 = arith.index_cast %parallel_loop3A_1070 : i32 to index
        %parallel_loop3A_1072 = tpu.vector_load %arg6[%parallel_loop3A_1071] {strides = array<i32>} : memref<8224xi32, #tpu.memory_space<vmem>>, vector<16xi32>,
        %parallel_loop3A_1073 = tpu.bitcast %parallel_loop3A_1072 : vector<16xi32> -> vector<16xi32>
        %parallel_loop3A_1074 = arith.constant 20 : i32
        %parallel_loop3A_1075 = vector.broadcast %parallel_loop3A_1074 : i32 to vector<16xi32>
        %parallel_loop3A_1076 = arith.shrui %parallel_loop3A_1073, %parallel_loop3A_1075 : vector<16xi32>
        %parallel_loop3A_1077 = vector.broadcast %add3A_241 : i32 to vector<16xi32>
        %parallel_loop3A_1078 = arith.cmpi eq, %parallel_loop3A_1076, %parallel_loop3A_1077 : vector<16xi32>
        %parallel_loop3A_1079 = arith.constant 16 : i32
        %parallel_loop3A_1080 = vector.broadcast %parallel_loop3A_1079 : i32 to vector<16xi32>
        %parallel_loop3A_1081 = arith.shrui %parallel_loop3A_1073, %parallel_loop3A_1080 : vector<16xi32>
        %parallel_loop3A_1082 = arith.constant 15 : i32
        %parallel_loop3A_1083 = vector.broadcast %parallel_loop3A_1082 : i32 to vector<16xi32>
        %parallel_loop3A_1084 = arith.andi %parallel_loop3A_1081, %parallel_loop3A_1083 : vector<16xi32>
        %parallel_loop3A_1085 = arith.addi %mul3A_6, %parallel_loop3A_1084 : vector<16xi32>
        %parallel_loop3A_1086 = arith.constant 1 : i32
        %parallel_loop3A_1087 = arith.constant 0 : i32
        %parallel_loop3A_1088 = vector.broadcast %parallel_loop3A_1086 : i32 to vector<16xi32>
        %parallel_loop3A_1089 = vector.broadcast %parallel_loop3A_1087 : i32 to vector<16xi32>
        %parallel_loop3A_1090 = arith.select %parallel_loop3A_1078, %parallel_loop3A_1088, %parallel_loop3A_1089 : vector<16xi1>, vector<16xi32>
        tpu.vector_store_idx %arg8[%parallel_loop3A_1085], %parallel_loop3A_1090 {add = true} : memref<256xi32, #tpu.memory_space<vmem>>[vector<16xi32>], vector<16xi32>,
      } {sc.loop_unroll_factor = 1 : i64, sc.parallel_access}
      %get3A_261 = arith.constant 0 : index
      %get3A_262 = tpu.vector_load %arg8[%get3A_261] {strides = array<i32>} : memref<256xi32, #tpu.memory_space<vmem>>, vector<16xi32>,
      %add3A_263 = arith.addi %broadcast_in_dim3A_7, %get3A_262 : vector<16xi32>
      %swap3A_264 = arith.constant 0 : index
      %swap3A_265 = tpu.vector_load %arg8[%swap3A_264] {strides = array<i32>} : memref<256xi32, #tpu.memory_space<vmem>>, vector<16xi32>,
      tpu.vector_store %arg8[%swap3A_264], %broadcast_in_dim3A_7 {strides = array<i32>} : memref<256xi32, #tpu.memory_space<vmem>>, vector<16xi32>,
      %get3A_266 = arith.constant 16 : index
      %get3A_267 = tpu.vector_load %arg8[%get3A_266] {strides = array<i32>} : memref<256xi32, #tpu.memory_space<vmem>>, vector<16xi32>,
      %add3A_268 = arith.addi %add3A_263, %get3A_267 : vector<16xi32>
      %swap3A_269 = arith.constant 16 : index
      %swap3A_270 = tpu.vector_load %arg8[%swap3A_269] {strides = array<i32>} : memref<256xi32, #tpu.memory_space<vmem>>, vector<16xi32>,
      tpu.vector_store %arg8[%swap3A_269], %broadcast_in_dim3A_7 {strides = array<i32>} : memref<256xi32, #tpu.memory_space<vmem>>, vector<16xi32>,
      %get3A_271 = arith.constant 32 : index
      %get3A_272 = tpu.vector_load %arg8[%get3A_271] {strides = array<i32>} : memref<256xi32, #tpu.memory_space<vmem>>, vector<16xi32>,
      %add3A_273 = arith.addi %add3A_268, %get3A_272 : vector<16xi32>
      %swap3A_274 = arith.constant 32 : index
      %swap3A_275 = tpu.vector_load %arg8[%swap3A_274] {strides = array<i32>} : memref<256xi32, #tpu.memory_space<vmem>>, vector<16xi32>,
      tpu.vector_store %arg8[%swap3A_274], %broadcast_in_dim3A_7 {strides = array<i32>} : memref<256xi32, #tpu.memory_space<vmem>>, vector<16xi32>,
      %get3A_276 = arith.constant 48 : index
      %get3A_277 = tpu.vector_load %arg8[%get3A_276] {strides = array<i32>} : memref<256xi32, #tpu.memory_space<vmem>>, vector<16xi32>,
      %add3A_278 = arith.addi %add3A_273, %get3A_277 : vector<16xi32>
      %swap3A_279 = arith.constant 48 : index
      %swap3A_280 = tpu.vector_load %arg8[%swap3A_279] {strides = array<i32>} : memref<256xi32, #tpu.memory_space<vmem>>, vector<16xi32>,
      tpu.vector_store %arg8[%swap3A_279], %broadcast_in_dim3A_7 {strides = array<i32>} : memref<256xi32, #tpu.memory_space<vmem>>, vector<16xi32>,
      %get3A_281 = arith.constant 64 : index
      %get3A_282 = tpu.vector_load %arg8[%get3A_281] {strides = array<i32>} : memref<256xi32, #tpu.memory_space<vmem>>, vector<16xi32>,
      %add3A_283 = arith.addi %add3A_278, %get3A_282 : vector<16xi32>
      %swap3A_284 = arith.constant 64 : index
      %swap3A_285 = tpu.vector_load %arg8[%swap3A_284] {strides = array<i32>} : memref<256xi32, #tpu.memory_space<vmem>>, vector<16xi32>,
      tpu.vector_store %arg8[%swap3A_284], %broadcast_in_dim3A_7 {strides = array<i32>} : memref<256xi32, #tpu.memory_space<vmem>>, vector<16xi32>,
      %get3A_286 = arith.constant 80 : index
      %get3A_287 = tpu.vector_load %arg8[%get3A_286] {strides = array<i32>} : memref<256xi32, #tpu.memory_space<vmem>>, vector<16xi32>,
      %add3A_288 = arith.addi %add3A_283, %get3A_287 : vector<16xi32>
      %swap3A_289 = arith.constant 80 : index
      %swap3A_290 = tpu.vector_load %arg8[%swap3A_289] {strides = array<i32>} : memref<256xi32, #tpu.memory_space<vmem>>, vector<16xi32>,
      tpu.vector_store %arg8[%swap3A_289], %broadcast_in_dim3A_7 {strides = array<i32>} : memref<256xi32, #tpu.memory_space<vmem>>, vector<16xi32>,
      %get3A_291 = arith.constant 96 : index
      %get3A_292 = tpu.vector_load %arg8[%get3A_291] {strides = array<i32>} : memref<256xi32, #tpu.memory_space<vmem>>, vector<16xi32>,
      %add3A_293 = arith.addi %add3A_288, %get3A_292 : vector<16xi32>
      %swap3A_294 = arith.constant 96 : index
      %swap3A_295 = tpu.vector_load %arg8[%swap3A_294] {strides = array<i32>} : memref<256xi32, #tpu.memory_space<vmem>>, vector<16xi32>,
      tpu.vector_store %arg8[%swap3A_294], %broadcast_in_dim3A_7 {strides = array<i32>} : memref<256xi32, #tpu.memory_space<vmem>>, vector<16xi32>,
      %get3A_296 = arith.constant 112 : index
      %get3A_297 = tpu.vector_load %arg8[%get3A_296] {strides = array<i32>} : memref<256xi32, #tpu.memory_space<vmem>>, vector<16xi32>,
      %add3A_298 = arith.addi %add3A_293, %get3A_297 : vector<16xi32>
      %swap3A_299 = arith.constant 112 : index
      %swap3A_300 = tpu.vector_load %arg8[%swap3A_299] {strides = array<i32>} : memref<256xi32, #tpu.memory_space<vmem>>, vector<16xi32>,
      tpu.vector_store %arg8[%swap3A_299], %broadcast_in_dim3A_7 {strides = array<i32>} : memref<256xi32, #tpu.memory_space<vmem>>, vector<16xi32>,
      %get3A_301 = arith.constant 128 : index
      %get3A_302 = tpu.vector_load %arg8[%get3A_301] {strides = array<i32>} : memref<256xi32, #tpu.memory_space<vmem>>, vector<16xi32>,
      %add3A_303 = arith.addi %add3A_298, %get3A_302 : vector<16xi32>
      %swap3A_304 = arith.constant 128 : index
      %swap3A_305 = tpu.vector_load %arg8[%swap3A_304] {strides = array<i32>} : memref<256xi32, #tpu.memory_space<vmem>>, vector<16xi32>,
      tpu.vector_store %arg8[%swap3A_304], %broadcast_in_dim3A_7 {strides = array<i32>} : memref<256xi32, #tpu.memory_space<vmem>>, vector<16xi32>,
      %get3A_306 = arith.constant 144 : index
      %get3A_307 = tpu.vector_load %arg8[%get3A_306] {strides = array<i32>} : memref<256xi32, #tpu.memory_space<vmem>>, vector<16xi32>,
      %add3A_308 = arith.addi %add3A_303, %get3A_307 : vector<16xi32>
      %swap3A_309 = arith.constant 144 : index
      %swap3A_310 = tpu.vector_load %arg8[%swap3A_309] {strides = array<i32>} : memref<256xi32, #tpu.memory_space<vmem>>, vector<16xi32>,
      tpu.vector_store %arg8[%swap3A_309], %broadcast_in_dim3A_7 {strides = array<i32>} : memref<256xi32, #tpu.memory_space<vmem>>, vector<16xi32>,
      %get3A_311 = arith.constant 160 : index
      %get3A_312 = tpu.vector_load %arg8[%get3A_311] {strides = array<i32>} : memref<256xi32, #tpu.memory_space<vmem>>, vector<16xi32>,
      %add3A_313 = arith.addi %add3A_308, %get3A_312 : vector<16xi32>
      %swap3A_314 = arith.constant 160 : index
      %swap3A_315 = tpu.vector_load %arg8[%swap3A_314] {strides = array<i32>} : memref<256xi32, #tpu.memory_space<vmem>>, vector<16xi32>,
      tpu.vector_store %arg8[%swap3A_314], %broadcast_in_dim3A_7 {strides = array<i32>} : memref<256xi32, #tpu.memory_space<vmem>>, vector<16xi32>,
      %get3A_316 = arith.constant 176 : index
      %get3A_317 = tpu.vector_load %arg8[%get3A_316] {strides = array<i32>} : memref<256xi32, #tpu.memory_space<vmem>>, vector<16xi32>,
      %add3A_318 = arith.addi %add3A_313, %get3A_317 : vector<16xi32>
      %swap3A_319 = arith.constant 176 : index
      %swap3A_320 = tpu.vector_load %arg8[%swap3A_319] {strides = array<i32>} : memref<256xi32, #tpu.memory_space<vmem>>, vector<16xi32>,
      tpu.vector_store %arg8[%swap3A_319], %broadcast_in_dim3A_7 {strides = array<i32>} : memref<256xi32, #tpu.memory_space<vmem>>, vector<16xi32>,
      %get3A_321 = arith.constant 192 : index
      %get3A_322 = tpu.vector_load %arg8[%get3A_321] {strides = array<i32>} : memref<256xi32, #tpu.memory_space<vmem>>, vector<16xi32>,
      %add3A_323 = arith.addi %add3A_318, %get3A_322 : vector<16xi32>
      %swap3A_324 = arith.constant 192 : index
      %swap3A_325 = tpu.vector_load %arg8[%swap3A_324] {strides = array<i32>} : memref<256xi32, #tpu.memory_space<vmem>>, vector<16xi32>,
      tpu.vector_store %arg8[%swap3A_324], %broadcast_in_dim3A_7 {strides = array<i32>} : memref<256xi32, #tpu.memory_space<vmem>>, vector<16xi32>,
      %get3A_326 = arith.constant 208 : index
      %get3A_327 = tpu.vector_load %arg8[%get3A_326] {strides = array<i32>} : memref<256xi32, #tpu.memory_space<vmem>>, vector<16xi32>,
      %add3A_328 = arith.addi %add3A_323, %get3A_327 : vector<16xi32>
      %swap3A_329 = arith.constant 208 : index
      %swap3A_330 = tpu.vector_load %arg8[%swap3A_329] {strides = array<i32>} : memref<256xi32, #tpu.memory_space<vmem>>, vector<16xi32>,
      tpu.vector_store %arg8[%swap3A_329], %broadcast_in_dim3A_7 {strides = array<i32>} : memref<256xi32, #tpu.memory_space<vmem>>, vector<16xi32>,
      %get3A_331 = arith.constant 224 : index
      %get3A_332 = tpu.vector_load %arg8[%get3A_331] {strides = array<i32>} : memref<256xi32, #tpu.memory_space<vmem>>, vector<16xi32>,
      %add3A_333 = arith.addi %add3A_328, %get3A_332 : vector<16xi32>
      %swap3A_334 = arith.constant 224 : index
      %swap3A_335 = tpu.vector_load %arg8[%swap3A_334] {strides = array<i32>} : memref<256xi32, #tpu.memory_space<vmem>>, vector<16xi32>,
      tpu.vector_store %arg8[%swap3A_334], %broadcast_in_dim3A_7 {strides = array<i32>} : memref<256xi32, #tpu.memory_space<vmem>>, vector<16xi32>,
      %get3A_336 = arith.constant 240 : index
      %get3A_337 = tpu.vector_load %arg8[%get3A_336] {strides = array<i32>} : memref<256xi32, #tpu.memory_space<vmem>>, vector<16xi32>,
      %add3A_338 = arith.addi %add3A_333, %get3A_337 : vector<16xi32>
      %swap3A_339 = arith.constant 240 : index
      %swap3A_340 = tpu.vector_load %arg8[%swap3A_339] {strides = array<i32>} : memref<256xi32, #tpu.memory_space<vmem>>, vector<16xi32>,
      tpu.vector_store %arg8[%swap3A_339], %broadcast_in_dim3A_7 {strides = array<i32>} : memref<256xi32, #tpu.memory_space<vmem>>, vector<16xi32>,
      %broadcast_in_dim3A_341 = arith.constant true
      %broadcast_in_dim3A_342 = vector.broadcast %broadcast_in_dim3A_341 : i1 to vector<16xi1>
      %masked_cumsum3A_343 = tpu.scan <sum>, %add3A_338 masked %broadcast_in_dim3A_342 : vector<16xi32>, vector<16xi1> -> vector<16xi32>
      %ge3A_344 = vector.broadcast %sub3A_238 : i32 to vector<16xi32>
      %ge3A_345 = arith.cmpi sge, %masked_cumsum3A_343, %ge3A_344 : vector<16xi32>
      %jit3A_346 = arith.constant 0 : i32
      %jit3A_347 = arith.constant 1 : i32
      %broadcast_in_dim3A_348 = vector.broadcast %jit3A_346 : i32 to vector<16xi32>
      %broadcast_in_dim3A_349 = vector.broadcast %jit3A_347 : i32 to vector<16xi32>
      %select_n3A_350 = arith.select %ge3A_345, %broadcast_in_dim3A_348, %broadcast_in_dim3A_349 : vector<16xi1>, vector<16xi32>
      %reduce_sum3A_351 = arith.constant true
      %reduce_sum3A_352 = vector.broadcast %reduce_sum3A_351 : i1 to vector<16xi1>
      %reduce_sum3A_353 = tpu.scan <sum>, %select_n3A_350 masked %reduce_sum3A_352 : vector<16xi32>, vector<16xi1> -> vector<16xi32>
      %reduce_sum3A_354 = vector.extract %reduce_sum3A_353[15] : i32 from vector<16xi32>
      %eq3A_355 = vector.broadcast %reduce_sum3A_354 : i32 to vector<16xi32>
      %eq3A_356 = arith.cmpi eq, %iota3A, %eq3A_355 : vector<16xi32>
      %sub3A_357 = arith.subi %masked_cumsum3A_343, %add3A_338 : vector<16xi32>
      %jit3A_358 = arith.constant 0 : i32
      %broadcast_in_dim3A_359 = vector.broadcast %jit3A_358 : i32 to vector<16xi32>
      %select_n3A_360 = arith.select %eq3A_356, %sub3A_357, %broadcast_in_dim3A_359 : vector<16xi1>, vector<16xi32>
      %reduce_sum3A_361 = arith.constant true
      %reduce_sum3A_362 = vector.broadcast %reduce_sum3A_361 : i1 to vector<16xi1>
      %reduce_sum3A_363 = tpu.scan <sum>, %select_n3A_360 masked %reduce_sum3A_362 : vector<16xi32>, vector<16xi1> -> vector<16xi32>
      %reduce_sum3A_364 = vector.extract %reduce_sum3A_363[15] : i32 from vector<16xi32>
      %add3A_365 = arith.addi %add3A_237, %reduce_sum3A_364 : i32
      %sub3A_366 = arith.subi %sub3A_238, %reduce_sum3A_364 : i32
      %mul3A_367 = arith.constant 16 : i32
      %mul3A_368 = arith.muli %add3A_241, %mul3A_367 : i32
      %add3A_369 = arith.addi %mul3A_368, %reduce_sum3A_354 : i32
      %parallel_loop3A_370 = arith.constant 0 : i32
      %parallel_loop3A_371 = arith.constant 1 : i32
      %parallel_loop3A_372 = scf.for %parallel_loop3A_1068 = %parallel_loop3A_370 to %shift_right_arithmetic3A_258 step %parallel_loop3A_371 iter_args(%parallel_loop3A_1069 = %broadcast_in_dim3A_7) -> (vector<16xi32>)  : i32 {
        %parallel_loop3A_1070 = arith.constant 16 : i32
        %parallel_loop3A_1071 = arith.muli %parallel_loop3A_1068, %parallel_loop3A_1070 : i32
        %parallel_loop3A_1072 = arith.index_cast %parallel_loop3A_1071 : i32 to index
        %parallel_loop3A_1073 = tpu.vector_load %arg6[%parallel_loop3A_1072] {strides = array<i32>} : memref<8224xi32, #tpu.memory_space<vmem>>, vector<16xi32>,
        %parallel_loop3A_1074 = tpu.bitcast %parallel_loop3A_1073 : vector<16xi32> -> vector<16xi32>
        %parallel_loop3A_1075 = arith.constant 16 : i32
        %parallel_loop3A_1076 = vector.broadcast %parallel_loop3A_1075 : i32 to vector<16xi32>
        %parallel_loop3A_1077 = arith.shrui %parallel_loop3A_1074, %parallel_loop3A_1076 : vector<16xi32>
        %parallel_loop3A_1078 = vector.broadcast %add3A_369 : i32 to vector<16xi32>
        %parallel_loop3A_1079 = arith.cmpi ule, %parallel_loop3A_1077, %parallel_loop3A_1078 : vector<16xi32>
        %parallel_loop3A_1080 = arith.constant 1 : i32
        %parallel_loop3A_1081 = arith.constant 0 : i32
        %parallel_loop3A_1082 = vector.broadcast %parallel_loop3A_1080 : i32 to vector<16xi32>
        %parallel_loop3A_1083 = vector.broadcast %parallel_loop3A_1081 : i32 to vector<16xi32>
        %parallel_loop3A_1084 = arith.select %parallel_loop3A_1079, %parallel_loop3A_1082, %parallel_loop3A_1083 : vector<16xi1>, vector<16xi32>
        %parallel_loop3A_1085 = arith.constant true
        %parallel_loop3A_1086 = vector.broadcast %parallel_loop3A_1085 : i1 to vector<16xi1>
        %parallel_loop3A_1087 = tpu.scan <sum>, %parallel_loop3A_1084 masked %parallel_loop3A_1086 : vector<16xi32>, vector<16xi1> -> vector<16xi32>
        %parallel_loop3A_1088 = arith.subi %parallel_loop3A_1087, %parallel_loop3A_1084 : vector<16xi32>
        %parallel_loop3A_1089 = arith.addi %parallel_loop3A_1069, %parallel_loop3A_1088 : vector<16xi32>
        %parallel_loop3A_1090 = arith.constant 8192 : i32
        %parallel_loop3A_1091 = vector.broadcast %parallel_loop3A_1090 : i32 to vector<16xi32>
        %parallel_loop3A_1092 = arith.addi %parallel_loop3A_1091, %iota3A : vector<16xi32>
        %parallel_loop3A_1093 = arith.select %parallel_loop3A_1079, %parallel_loop3A_1089, %parallel_loop3A_1092 : vector<16xi1>, vector<16xi32>
        %parallel_loop3A_1094 = tpu.bitcast %parallel_loop3A_1074 : vector<16xi32> -> vector<16xi32>
        tpu.vector_store_idx %arg5[%parallel_loop3A_1093], %parallel_loop3A_1094 : memref<8224xi32, #tpu.memory_space<vmem>>[vector<16xi32>], vector<16xi32>,
        %parallel_loop3A_1095 = tpu.all_reduce %parallel_loop3A_1079 {dim = 0 : i64, kind = #tpu.reduction_kind<sum>} : vector<16xi1> -> vector<16xi32>
        %parallel_loop3A_1096 = arith.addi %parallel_loop3A_1069, %parallel_loop3A_1095 : vector<16xi32>
        scf.yield %parallel_loop3A_1096 : vector<16xi32>
      } {sc.loop_unroll_factor = 1 : i64, sc.parallel_access}
      %reduce_max3A_373 = arith.constant true
      %reduce_max3A_374 = vector.broadcast %reduce_max3A_373 : i1 to vector<16xi1>
      %reduce_max3A_375 = arith.constant -2147483648 : i32
      %reduce_max3A_376 = vector.broadcast %reduce_max3A_375 : i32 to vector<16xi32>
      %reduce_max3A_377 = arith.xori %parallel_loop3A_372, %reduce_max3A_376 : vector<16xi32>
      %reduce_max3A_378 = tpu.scan <max>, %reduce_max3A_377 masked %reduce_max3A_374 : vector<16xi32>, vector<16xi1> -> vector<16xi32>
      %reduce_max3A_379 = arith.xori %reduce_max3A_378, %reduce_max3A_376 : vector<16xi32>
      %reduce_max3A_380 = vector.extract %reduce_max3A_379[15] : i32 from vector<16xi32>
      %broadcast_in_dim3A_381 = vector.broadcast %reduce_max3A_380 : i32 to vector<16xi32>
      %add3A_382 = arith.addi %broadcast_in_dim3A_381, %iota3A : vector<16xi32>
      tpu.vector_store_idx %arg5[%add3A_382], %broadcast_in_dim3A_11 : memref<8224xi32, #tpu.memory_space<vmem>>[vector<16xi32>], vector<16xi32>,
      %add3A_383 = arith.constant 15 : i32
      %add3A_384 = arith.addi %reduce_max3A_380, %add3A_383 : i32
      %shift_right_arithmetic3A_385 = arith.constant 4 : i32
      %shift_right_arithmetic3A_386 = arith.shrsi %add3A_384, %shift_right_arithmetic3A_385 : i32
      %parallel_loop3A_387 = arith.constant 0 : i32
      %parallel_loop3A_388 = arith.constant 1 : i32
      scf.for %parallel_loop3A_1068 = %parallel_loop3A_387 to %shift_right_arithmetic3A_386 step %parallel_loop3A_388  : i32 {
        %parallel_loop3A_1069 = arith.constant 16 : i32
        %parallel_loop3A_1070 = arith.muli %parallel_loop3A_1068, %parallel_loop3A_1069 : i32
        %parallel_loop3A_1071 = arith.index_cast %parallel_loop3A_1070 : i32 to index
        %parallel_loop3A_1072 = tpu.vector_load %arg5[%parallel_loop3A_1071] {strides = array<i32>} : memref<8224xi32, #tpu.memory_space<vmem>>, vector<16xi32>,
        %parallel_loop3A_1073 = tpu.bitcast %parallel_loop3A_1072 : vector<16xi32> -> vector<16xi32>
        %parallel_loop3A_1074 = arith.constant 16 : i32
        %parallel_loop3A_1075 = vector.broadcast %parallel_loop3A_1074 : i32 to vector<16xi32>
        %parallel_loop3A_1076 = arith.shrui %parallel_loop3A_1073, %parallel_loop3A_1075 : vector<16xi32>
        %parallel_loop3A_1077 = vector.broadcast %add3A_369 : i32 to vector<16xi32>
        %parallel_loop3A_1078 = arith.cmpi eq, %parallel_loop3A_1076, %parallel_loop3A_1077 : vector<16xi32>
        %parallel_loop3A_1079 = arith.constant 12 : i32
        %parallel_loop3A_1080 = vector.broadcast %parallel_loop3A_1079 : i32 to vector<16xi32>
        %parallel_loop3A_1081 = arith.shrui %parallel_loop3A_1073, %parallel_loop3A_1080 : vector<16xi32>
        %parallel_loop3A_1082 = arith.constant 15 : i32
        %parallel_loop3A_1083 = vector.broadcast %parallel_loop3A_1082 : i32 to vector<16xi32>
        %parallel_loop3A_1084 = arith.andi %parallel_loop3A_1081, %parallel_loop3A_1083 : vector<16xi32>
        %parallel_loop3A_1085 = arith.addi %mul3A_6, %parallel_loop3A_1084 : vector<16xi32>
        %parallel_loop3A_1086 = arith.constant 1 : i32
        %parallel_loop3A_1087 = arith.constant 0 : i32
        %parallel_loop3A_1088 = vector.broadcast %parallel_loop3A_1086 : i32 to vector<16xi32>
        %parallel_loop3A_1089 = vector.broadcast %parallel_loop3A_1087 : i32 to vector<16xi32>
        %parallel_loop3A_1090 = arith.select %parallel_loop3A_1078, %parallel_loop3A_1088, %parallel_loop3A_1089 : vector<16xi1>, vector<16xi32>
        tpu.vector_store_idx %arg8[%parallel_loop3A_1085], %parallel_loop3A_1090 {add = true} : memref<256xi32, #tpu.memory_space<vmem>>[vector<16xi32>], vector<16xi32>,
      } {sc.loop_unroll_factor = 1 : i64, sc.parallel_access}
      %get3A_389 = arith.constant 0 : index
      %get3A_390 = tpu.vector_load %arg8[%get3A_389] {strides = array<i32>} : memref<256xi32, #tpu.memory_space<vmem>>, vector<16xi32>,
      %add3A_391 = arith.addi %broadcast_in_dim3A_7, %get3A_390 : vector<16xi32>
      %swap3A_392 = arith.constant 0 : index
      %swap3A_393 = tpu.vector_load %arg8[%swap3A_392] {strides = array<i32>} : memref<256xi32, #tpu.memory_space<vmem>>, vector<16xi32>,
      tpu.vector_store %arg8[%swap3A_392], %broadcast_in_dim3A_7 {strides = array<i32>} : memref<256xi32, #tpu.memory_space<vmem>>, vector<16xi32>,
      %get3A_394 = arith.constant 16 : index
      %get3A_395 = tpu.vector_load %arg8[%get3A_394] {strides = array<i32>} : memref<256xi32, #tpu.memory_space<vmem>>, vector<16xi32>,
      %add3A_396 = arith.addi %add3A_391, %get3A_395 : vector<16xi32>
      %swap3A_397 = arith.constant 16 : index
      %swap3A_398 = tpu.vector_load %arg8[%swap3A_397] {strides = array<i32>} : memref<256xi32, #tpu.memory_space<vmem>>, vector<16xi32>,
      tpu.vector_store %arg8[%swap3A_397], %broadcast_in_dim3A_7 {strides = array<i32>} : memref<256xi32, #tpu.memory_space<vmem>>, vector<16xi32>,
      %get3A_399 = arith.constant 32 : index
      %get3A_400 = tpu.vector_load %arg8[%get3A_399] {strides = array<i32>} : memref<256xi32, #tpu.memory_space<vmem>>, vector<16xi32>,
      %add3A_401 = arith.addi %add3A_396, %get3A_400 : vector<16xi32>
      %swap3A_402 = arith.constant 32 : index
      %swap3A_403 = tpu.vector_load %arg8[%swap3A_402] {strides = array<i32>} : memref<256xi32, #tpu.memory_space<vmem>>, vector<16xi32>,
      tpu.vector_store %arg8[%swap3A_402], %broadcast_in_dim3A_7 {strides = array<i32>} : memref<256xi32, #tpu.memory_space<vmem>>, vector<16xi32>,
      %get3A_404 = arith.constant 48 : index
      %get3A_405 = tpu.vector_load %arg8[%get3A_404] {strides = array<i32>} : memref<256xi32, #tpu.memory_space<vmem>>, vector<16xi32>,
      %add3A_406 = arith.addi %add3A_401, %get3A_405 : vector<16xi32>
      %swap3A_407 = arith.constant 48 : index
      %swap3A_408 = tpu.vector_load %arg8[%swap3A_407] {strides = array<i32>} : memref<256xi32, #tpu.memory_space<vmem>>, vector<16xi32>,
      tpu.vector_store %arg8[%swap3A_407], %broadcast_in_dim3A_7 {strides = array<i32>} : memref<256xi32, #tpu.memory_space<vmem>>, vector<16xi32>,
      %get3A_409 = arith.constant 64 : index
      %get3A_410 = tpu.vector_load %arg8[%get3A_409] {strides = array<i32>} : memref<256xi32, #tpu.memory_space<vmem>>, vector<16xi32>,
      %add3A_411 = arith.addi %add3A_406, %get3A_410 : vector<16xi32>
      %swap3A_412 = arith.constant 64 : index
      %swap3A_413 = tpu.vector_load %arg8[%swap3A_412] {strides = array<i32>} : memref<256xi32, #tpu.memory_space<vmem>>, vector<16xi32>,
      tpu.vector_store %arg8[%swap3A_412], %broadcast_in_dim3A_7 {strides = array<i32>} : memref<256xi32, #tpu.memory_space<vmem>>, vector<16xi32>,
      %get3A_414 = arith.constant 80 : index
      %get3A_415 = tpu.vector_load %arg8[%get3A_414] {strides = array<i32>} : memref<256xi32, #tpu.memory_space<vmem>>, vector<16xi32>,
      %add3A_416 = arith.addi %add3A_411, %get3A_415 : vector<16xi32>
      %swap3A_417 = arith.constant 80 : index
      %swap3A_418 = tpu.vector_load %arg8[%swap3A_417] {strides = array<i32>} : memref<256xi32, #tpu.memory_space<vmem>>, vector<16xi32>,
      tpu.vector_store %arg8[%swap3A_417], %broadcast_in_dim3A_7 {strides = array<i32>} : memref<256xi32, #tpu.memory_space<vmem>>, vector<16xi32>,
      %get3A_419 = arith.constant 96 : index
      %get3A_420 = tpu.vector_load %arg8[%get3A_419] {strides = array<i32>} : memref<256xi32, #tpu.memory_space<vmem>>, vector<16xi32>,
      %add3A_421 = arith.addi %add3A_416, %get3A_420 : vector<16xi32>
      %swap3A_422 = arith.constant 96 : index
      %swap3A_423 = tpu.vector_load %arg8[%swap3A_422] {strides = array<i32>} : memref<256xi32, #tpu.memory_space<vmem>>, vector<16xi32>,
      tpu.vector_store %arg8[%swap3A_422], %broadcast_in_dim3A_7 {strides = array<i32>} : memref<256xi32, #tpu.memory_space<vmem>>, vector<16xi32>,
      %get3A_424 = arith.constant 112 : index
      %get3A_425 = tpu.vector_load %arg8[%get3A_424] {strides = array<i32>} : memref<256xi32, #tpu.memory_space<vmem>>, vector<16xi32>,
      %add3A_426 = arith.addi %add3A_421, %get3A_425 : vector<16xi32>
      %swap3A_427 = arith.constant 112 : index
      %swap3A_428 = tpu.vector_load %arg8[%swap3A_427] {strides = array<i32>} : memref<256xi32, #tpu.memory_space<vmem>>, vector<16xi32>,
      tpu.vector_store %arg8[%swap3A_427], %broadcast_in_dim3A_7 {strides = array<i32>} : memref<256xi32, #tpu.memory_space<vmem>>, vector<16xi32>,
      %get3A_429 = arith.constant 128 : index
      %get3A_430 = tpu.vector_load %arg8[%get3A_429] {strides = array<i32>} : memref<256xi32, #tpu.memory_space<vmem>>, vector<16xi32>,
      %add3A_431 = arith.addi %add3A_426, %get3A_430 : vector<16xi32>
      %swap3A_432 = arith.constant 128 : index
      %swap3A_433 = tpu.vector_load %arg8[%swap3A_432] {strides = array<i32>} : memref<256xi32, #tpu.memory_space<vmem>>, vector<16xi32>,
      tpu.vector_store %arg8[%swap3A_432], %broadcast_in_dim3A_7 {strides = array<i32>} : memref<256xi32, #tpu.memory_space<vmem>>, vector<16xi32>,
      %get3A_434 = arith.constant 144 : index
      %get3A_435 = tpu.vector_load %arg8[%get3A_434] {strides = array<i32>} : memref<256xi32, #tpu.memory_space<vmem>>, vector<16xi32>,
      %add3A_436 = arith.addi %add3A_431, %get3A_435 : vector<16xi32>
      %swap3A_437 = arith.constant 144 : index
      %swap3A_438 = tpu.vector_load %arg8[%swap3A_437] {strides = array<i32>} : memref<256xi32, #tpu.memory_space<vmem>>, vector<16xi32>,
      tpu.vector_store %arg8[%swap3A_437], %broadcast_in_dim3A_7 {strides = array<i32>} : memref<256xi32, #tpu.memory_space<vmem>>, vector<16xi32>,
      %get3A_439 = arith.constant 160 : index
      %get3A_440 = tpu.vector_load %arg8[%get3A_439] {strides = array<i32>} : memref<256xi32, #tpu.memory_space<vmem>>, vector<16xi32>,
      %add3A_441 = arith.addi %add3A_436, %get3A_440 : vector<16xi32>
      %swap3A_442 = arith.constant 160 : index
      %swap3A_443 = tpu.vector_load %arg8[%swap3A_442] {strides = array<i32>} : memref<256xi32, #tpu.memory_space<vmem>>, vector<16xi32>,
      tpu.vector_store %arg8[%swap3A_442], %broadcast_in_dim3A_7 {strides = array<i32>} : memref<256xi32, #tpu.memory_space<vmem>>, vector<16xi32>,
      %get3A_444 = arith.constant 176 : index
      %get3A_445 = tpu.vector_load %arg8[%get3A_444] {strides = array<i32>} : memref<256xi32, #tpu.memory_space<vmem>>, vector<16xi32>,
      %add3A_446 = arith.addi %add3A_441, %get3A_445 : vector<16xi32>
      %swap3A_447 = arith.constant 176 : index
      %swap3A_448 = tpu.vector_load %arg8[%swap3A_447] {strides = array<i32>} : memref<256xi32, #tpu.memory_space<vmem>>, vector<16xi32>,
      tpu.vector_store %arg8[%swap3A_447], %broadcast_in_dim3A_7 {strides = array<i32>} : memref<256xi32, #tpu.memory_space<vmem>>, vector<16xi32>,
      %get3A_449 = arith.constant 192 : index
      %get3A_450 = tpu.vector_load %arg8[%get3A_449] {strides = array<i32>} : memref<256xi32, #tpu.memory_space<vmem>>, vector<16xi32>,
      %add3A_451 = arith.addi %add3A_446, %get3A_450 : vector<16xi32>
      %swap3A_452 = arith.constant 192 : index
      %swap3A_453 = tpu.vector_load %arg8[%swap3A_452] {strides = array<i32>} : memref<256xi32, #tpu.memory_space<vmem>>, vector<16xi32>,
      tpu.vector_store %arg8[%swap3A_452], %broadcast_in_dim3A_7 {strides = array<i32>} : memref<256xi32, #tpu.memory_space<vmem>>, vector<16xi32>,
      %get3A_454 = arith.constant 208 : index
      %get3A_455 = tpu.vector_load %arg8[%get3A_454] {strides = array<i32>} : memref<256xi32, #tpu.memory_space<vmem>>, vector<16xi32>,
      %add3A_456 = arith.addi %add3A_451, %get3A_455 : vector<16xi32>
      %swap3A_457 = arith.constant 208 : index
      %swap3A_458 = tpu.vector_load %arg8[%swap3A_457] {strides = array<i32>} : memref<256xi32, #tpu.memory_space<vmem>>, vector<16xi32>,
      tpu.vector_store %arg8[%swap3A_457], %broadcast_in_dim3A_7 {strides = array<i32>} : memref<256xi32, #tpu.memory_space<vmem>>, vector<16xi32>,
      %get3A_459 = arith.constant 224 : index
      %get3A_460 = tpu.vector_load %arg8[%get3A_459] {strides = array<i32>} : memref<256xi32, #tpu.memory_space<vmem>>, vector<16xi32>,
      %add3A_461 = arith.addi %add3A_456, %get3A_460 : vector<16xi32>
      %swap3A_462 = arith.constant 224 : index
      %swap3A_463 = tpu.vector_load %arg8[%swap3A_462] {strides = array<i32>} : memref<256xi32, #tpu.memory_space<vmem>>, vector<16xi32>,
      tpu.vector_store %arg8[%swap3A_462], %broadcast_in_dim3A_7 {strides = array<i32>} : memref<256xi32, #tpu.memory_space<vmem>>, vector<16xi32>,
      %get3A_464 = arith.constant 240 : index
      %get3A_465 = tpu.vector_load %arg8[%get3A_464] {strides = array<i32>} : memref<256xi32, #tpu.memory_space<vmem>>, vector<16xi32>,
      %add3A_466 = arith.addi %add3A_461, %get3A_465 : vector<16xi32>
      %swap3A_467 = arith.constant 240 : index
      %swap3A_468 = tpu.vector_load %arg8[%swap3A_467] {strides = array<i32>} : memref<256xi32, #tpu.memory_space<vmem>>, vector<16xi32>,
      tpu.vector_store %arg8[%swap3A_467], %broadcast_in_dim3A_7 {strides = array<i32>} : memref<256xi32, #tpu.memory_space<vmem>>, vector<16xi32>,
      %broadcast_in_dim3A_469 = arith.constant true
      %broadcast_in_dim3A_470 = vector.broadcast %broadcast_in_dim3A_469 : i1 to vector<16xi1>
      %masked_cumsum3A_471 = tpu.scan <sum>, %add3A_466 masked %broadcast_in_dim3A_470 : vector<16xi32>, vector<16xi1> -> vector<16xi32>
      %ge3A_472 = vector.broadcast %sub3A_366 : i32 to vector<16xi32>
      %ge3A_473 = arith.cmpi sge, %masked_cumsum3A_471, %ge3A_472 : vector<16xi32>
      %jit3A_474 = arith.constant 0 : i32
      %jit3A_475 = arith.constant 1 : i32
      %broadcast_in_dim3A_476 = vector.broadcast %jit3A_474 : i32 to vector<16xi32>
      %broadcast_in_dim3A_477 = vector.broadcast %jit3A_475 : i32 to vector<16xi32>
      %select_n3A_478 = arith.select %ge3A_473, %broadcast_in_dim3A_476, %broadcast_in_dim3A_477 : vector<16xi1>, vector<16xi32>
      %reduce_sum3A_479 = arith.constant true
      %reduce_sum3A_480 = vector.broadcast %reduce_sum3A_479 : i1 to vector<16xi1>
      %reduce_sum3A_481 = tpu.scan <sum>, %select_n3A_478 masked %reduce_sum3A_480 : vector<16xi32>, vector<16xi1> -> vector<16xi32>
      %reduce_sum3A_482 = vector.extract %reduce_sum3A_481[15] : i32 from vector<16xi32>
      %eq3A_483 = vector.broadcast %reduce_sum3A_482 : i32 to vector<16xi32>
      %eq3A_484 = arith.cmpi eq, %iota3A, %eq3A_483 : vector<16xi32>
      %sub3A_485 = arith.subi %masked_cumsum3A_471, %add3A_466 : vector<16xi32>
      %jit3A_486 = arith.constant 0 : i32
      %broadcast_in_dim3A_487 = vector.broadcast %jit3A_486 : i32 to vector<16xi32>
      %select_n3A_488 = arith.select %eq3A_484, %sub3A_485, %broadcast_in_dim3A_487 : vector<16xi1>, vector<16xi32>
      %reduce_sum3A_489 = arith.constant true
      %reduce_sum3A_490 = vector.broadcast %reduce_sum3A_489 : i1 to vector<16xi1>
      %reduce_sum3A_491 = tpu.scan <sum>, %select_n3A_488 masked %reduce_sum3A_490 : vector<16xi32>, vector<16xi1> -> vector<16xi32>
      %reduce_sum3A_492 = vector.extract %reduce_sum3A_491[15] : i32 from vector<16xi32>
      %add3A_493 = arith.addi %add3A_365, %reduce_sum3A_492 : i32
      %sub3A_494 = arith.subi %sub3A_366, %reduce_sum3A_492 : i32
      %mul3A_495 = arith.constant 16 : i32
      %mul3A_496 = arith.muli %add3A_369, %mul3A_495 : i32
      %add3A_497 = arith.addi %mul3A_496, %reduce_sum3A_482 : i32
      %parallel_loop3A_498 = arith.constant 0 : i32
      %parallel_loop3A_499 = arith.constant 1 : i32
      %parallel_loop3A_500 = scf.for %parallel_loop3A_1068 = %parallel_loop3A_498 to %shift_right_arithmetic3A_386 step %parallel_loop3A_499 iter_args(%parallel_loop3A_1069 = %broadcast_in_dim3A_7) -> (vector<16xi32>)  : i32 {
        %parallel_loop3A_1070 = arith.constant 16 : i32
        %parallel_loop3A_1071 = arith.muli %parallel_loop3A_1068, %parallel_loop3A_1070 : i32
        %parallel_loop3A_1072 = arith.index_cast %parallel_loop3A_1071 : i32 to index
        %parallel_loop3A_1073 = tpu.vector_load %arg5[%parallel_loop3A_1072] {strides = array<i32>} : memref<8224xi32, #tpu.memory_space<vmem>>, vector<16xi32>,
        %parallel_loop3A_1074 = tpu.bitcast %parallel_loop3A_1073 : vector<16xi32> -> vector<16xi32>
        %parallel_loop3A_1075 = arith.constant 12 : i32
        %parallel_loop3A_1076 = vector.broadcast %parallel_loop3A_1075 : i32 to vector<16xi32>
        %parallel_loop3A_1077 = arith.shrui %parallel_loop3A_1074, %parallel_loop3A_1076 : vector<16xi32>
        %parallel_loop3A_1078 = vector.broadcast %add3A_497 : i32 to vector<16xi32>
        %parallel_loop3A_1079 = arith.cmpi ule, %parallel_loop3A_1077, %parallel_loop3A_1078 : vector<16xi32>
        %parallel_loop3A_1080 = arith.constant 1 : i32
        %parallel_loop3A_1081 = arith.constant 0 : i32
        %parallel_loop3A_1082 = vector.broadcast %parallel_loop3A_1080 : i32 to vector<16xi32>
        %parallel_loop3A_1083 = vector.broadcast %parallel_loop3A_1081 : i32 to vector<16xi32>
        %parallel_loop3A_1084 = arith.select %parallel_loop3A_1079, %parallel_loop3A_1082, %parallel_loop3A_1083 : vector<16xi1>, vector<16xi32>
        %parallel_loop3A_1085 = arith.constant true
        %parallel_loop3A_1086 = vector.broadcast %parallel_loop3A_1085 : i1 to vector<16xi1>
        %parallel_loop3A_1087 = tpu.scan <sum>, %parallel_loop3A_1084 masked %parallel_loop3A_1086 : vector<16xi32>, vector<16xi1> -> vector<16xi32>
        %parallel_loop3A_1088 = arith.subi %parallel_loop3A_1087, %parallel_loop3A_1084 : vector<16xi32>
        %parallel_loop3A_1089 = arith.addi %parallel_loop3A_1069, %parallel_loop3A_1088 : vector<16xi32>
        %parallel_loop3A_1090 = arith.constant 8192 : i32
        %parallel_loop3A_1091 = vector.broadcast %parallel_loop3A_1090 : i32 to vector<16xi32>
        %parallel_loop3A_1092 = arith.addi %parallel_loop3A_1091, %iota3A : vector<16xi32>
        %parallel_loop3A_1093 = arith.select %parallel_loop3A_1079, %parallel_loop3A_1089, %parallel_loop3A_1092 : vector<16xi1>, vector<16xi32>
        %parallel_loop3A_1094 = tpu.bitcast %parallel_loop3A_1074 : vector<16xi32> -> vector<16xi32>
        tpu.vector_store_idx %arg6[%parallel_loop3A_1093], %parallel_loop3A_1094 : memref<8224xi32, #tpu.memory_space<vmem>>[vector<16xi32>], vector<16xi32>,
        %parallel_loop3A_1095 = tpu.all_reduce %parallel_loop3A_1079 {dim = 0 : i64, kind = #tpu.reduction_kind<sum>} : vector<16xi1> -> vector<16xi32>
        %parallel_loop3A_1096 = arith.addi %parallel_loop3A_1069, %parallel_loop3A_1095 : vector<16xi32>
        scf.yield %parallel_loop3A_1096 : vector<16xi32>
      } {sc.loop_unroll_factor = 1 : i64, sc.parallel_access}
      %reduce_max3A_501 = arith.constant true
      %reduce_max3A_502 = vector.broadcast %reduce_max3A_501 : i1 to vector<16xi1>
      %reduce_max3A_503 = arith.constant -2147483648 : i32
      %reduce_max3A_504 = vector.broadcast %reduce_max3A_503 : i32 to vector<16xi32>
      %reduce_max3A_505 = arith.xori %parallel_loop3A_500, %reduce_max3A_504 : vector<16xi32>
      %reduce_max3A_506 = tpu.scan <max>, %reduce_max3A_505 masked %reduce_max3A_502 : vector<16xi32>, vector<16xi1> -> vector<16xi32>
      %reduce_max3A_507 = arith.xori %reduce_max3A_506, %reduce_max3A_504 : vector<16xi32>
      %reduce_max3A_508 = vector.extract %reduce_max3A_507[15] : i32 from vector<16xi32>
      %broadcast_in_dim3A_509 = vector.broadcast %reduce_max3A_508 : i32 to vector<16xi32>
      %add3A_510 = arith.addi %broadcast_in_dim3A_509, %iota3A : vector<16xi32>
      tpu.vector_store_idx %arg6[%add3A_510], %broadcast_in_dim3A_11 : memref<8224xi32, #tpu.memory_space<vmem>>[vector<16xi32>], vector<16xi32>,
      %add3A_511 = arith.constant 15 : i32
      %add3A_512 = arith.addi %reduce_max3A_508, %add3A_511 : i32
      %shift_right_arithmetic3A_513 = arith.constant 4 : i32
      %shift_right_arithmetic3A_514 = arith.shrsi %add3A_512, %shift_right_arithmetic3A_513 : i32
      %parallel_loop3A_515 = arith.constant 0 : i32
      %parallel_loop3A_516 = arith.constant 1 : i32
      scf.for %parallel_loop3A_1068 = %parallel_loop3A_515 to %shift_right_arithmetic3A_514 step %parallel_loop3A_516  : i32 {
        %parallel_loop3A_1069 = arith.constant 16 : i32
        %parallel_loop3A_1070 = arith.muli %parallel_loop3A_1068, %parallel_loop3A_1069 : i32
        %parallel_loop3A_1071 = arith.index_cast %parallel_loop3A_1070 : i32 to index
        %parallel_loop3A_1072 = tpu.vector_load %arg6[%parallel_loop3A_1071] {strides = array<i32>} : memref<8224xi32, #tpu.memory_space<vmem>>, vector<16xi32>,
        %parallel_loop3A_1073 = tpu.bitcast %parallel_loop3A_1072 : vector<16xi32> -> vector<16xi32>
        %parallel_loop3A_1074 = arith.constant 12 : i32
        %parallel_loop3A_1075 = vector.broadcast %parallel_loop3A_1074 : i32 to vector<16xi32>
        %parallel_loop3A_1076 = arith.shrui %parallel_loop3A_1073, %parallel_loop3A_1075 : vector<16xi32>
        %parallel_loop3A_1077 = vector.broadcast %add3A_497 : i32 to vector<16xi32>
        %parallel_loop3A_1078 = arith.cmpi eq, %parallel_loop3A_1076, %parallel_loop3A_1077 : vector<16xi32>
        %parallel_loop3A_1079 = arith.constant 8 : i32
        %parallel_loop3A_1080 = vector.broadcast %parallel_loop3A_1079 : i32 to vector<16xi32>
        %parallel_loop3A_1081 = arith.shrui %parallel_loop3A_1073, %parallel_loop3A_1080 : vector<16xi32>
        %parallel_loop3A_1082 = arith.constant 15 : i32
        %parallel_loop3A_1083 = vector.broadcast %parallel_loop3A_1082 : i32 to vector<16xi32>
        %parallel_loop3A_1084 = arith.andi %parallel_loop3A_1081, %parallel_loop3A_1083 : vector<16xi32>
        %parallel_loop3A_1085 = arith.addi %mul3A_6, %parallel_loop3A_1084 : vector<16xi32>
        %parallel_loop3A_1086 = arith.constant 1 : i32
        %parallel_loop3A_1087 = arith.constant 0 : i32
        %parallel_loop3A_1088 = vector.broadcast %parallel_loop3A_1086 : i32 to vector<16xi32>
        %parallel_loop3A_1089 = vector.broadcast %parallel_loop3A_1087 : i32 to vector<16xi32>
        %parallel_loop3A_1090 = arith.select %parallel_loop3A_1078, %parallel_loop3A_1088, %parallel_loop3A_1089 : vector<16xi1>, vector<16xi32>
        tpu.vector_store_idx %arg8[%parallel_loop3A_1085], %parallel_loop3A_1090 {add = true} : memref<256xi32, #tpu.memory_space<vmem>>[vector<16xi32>], vector<16xi32>,
      } {sc.loop_unroll_factor = 1 : i64, sc.parallel_access}
      %get3A_517 = arith.constant 0 : index
      %get3A_518 = tpu.vector_load %arg8[%get3A_517] {strides = array<i32>} : memref<256xi32, #tpu.memory_space<vmem>>, vector<16xi32>,
      %add3A_519 = arith.addi %broadcast_in_dim3A_7, %get3A_518 : vector<16xi32>
      %swap3A_520 = arith.constant 0 : index
      %swap3A_521 = tpu.vector_load %arg8[%swap3A_520] {strides = array<i32>} : memref<256xi32, #tpu.memory_space<vmem>>, vector<16xi32>,
      tpu.vector_store %arg8[%swap3A_520], %broadcast_in_dim3A_7 {strides = array<i32>} : memref<256xi32, #tpu.memory_space<vmem>>, vector<16xi32>,
      %get3A_522 = arith.constant 16 : index
      %get3A_523 = tpu.vector_load %arg8[%get3A_522] {strides = array<i32>} : memref<256xi32, #tpu.memory_space<vmem>>, vector<16xi32>,
      %add3A_524 = arith.addi %add3A_519, %get3A_523 : vector<16xi32>
      %swap3A_525 = arith.constant 16 : index
      %swap3A_526 = tpu.vector_load %arg8[%swap3A_525] {strides = array<i32>} : memref<256xi32, #tpu.memory_space<vmem>>, vector<16xi32>,
      tpu.vector_store %arg8[%swap3A_525], %broadcast_in_dim3A_7 {strides = array<i32>} : memref<256xi32, #tpu.memory_space<vmem>>, vector<16xi32>,
      %get3A_527 = arith.constant 32 : index
      %get3A_528 = tpu.vector_load %arg8[%get3A_527] {strides = array<i32>} : memref<256xi32, #tpu.memory_space<vmem>>, vector<16xi32>,
      %add3A_529 = arith.addi %add3A_524, %get3A_528 : vector<16xi32>
      %swap3A_530 = arith.constant 32 : index
      %swap3A_531 = tpu.vector_load %arg8[%swap3A_530] {strides = array<i32>} : memref<256xi32, #tpu.memory_space<vmem>>, vector<16xi32>,
      tpu.vector_store %arg8[%swap3A_530], %broadcast_in_dim3A_7 {strides = array<i32>} : memref<256xi32, #tpu.memory_space<vmem>>, vector<16xi32>,
      %get3A_532 = arith.constant 48 : index
      %get3A_533 = tpu.vector_load %arg8[%get3A_532] {strides = array<i32>} : memref<256xi32, #tpu.memory_space<vmem>>, vector<16xi32>,
      %add3A_534 = arith.addi %add3A_529, %get3A_533 : vector<16xi32>
      %swap3A_535 = arith.constant 48 : index
      %swap3A_536 = tpu.vector_load %arg8[%swap3A_535] {strides = array<i32>} : memref<256xi32, #tpu.memory_space<vmem>>, vector<16xi32>,
      tpu.vector_store %arg8[%swap3A_535], %broadcast_in_dim3A_7 {strides = array<i32>} : memref<256xi32, #tpu.memory_space<vmem>>, vector<16xi32>,
      %get3A_537 = arith.constant 64 : index
      %get3A_538 = tpu.vector_load %arg8[%get3A_537] {strides = array<i32>} : memref<256xi32, #tpu.memory_space<vmem>>, vector<16xi32>,
      %add3A_539 = arith.addi %add3A_534, %get3A_538 : vector<16xi32>
      %swap3A_540 = arith.constant 64 : index
      %swap3A_541 = tpu.vector_load %arg8[%swap3A_540] {strides = array<i32>} : memref<256xi32, #tpu.memory_space<vmem>>, vector<16xi32>,
      tpu.vector_store %arg8[%swap3A_540], %broadcast_in_dim3A_7 {strides = array<i32>} : memref<256xi32, #tpu.memory_space<vmem>>, vector<16xi32>,
      %get3A_542 = arith.constant 80 : index
      %get3A_543 = tpu.vector_load %arg8[%get3A_542] {strides = array<i32>} : memref<256xi32, #tpu.memory_space<vmem>>, vector<16xi32>,
      %add3A_544 = arith.addi %add3A_539, %get3A_543 : vector<16xi32>
      %swap3A_545 = arith.constant 80 : index
      %swap3A_546 = tpu.vector_load %arg8[%swap3A_545] {strides = array<i32>} : memref<256xi32, #tpu.memory_space<vmem>>, vector<16xi32>,
      tpu.vector_store %arg8[%swap3A_545], %broadcast_in_dim3A_7 {strides = array<i32>} : memref<256xi32, #tpu.memory_space<vmem>>, vector<16xi32>,
      %get3A_547 = arith.constant 96 : index
      %get3A_548 = tpu.vector_load %arg8[%get3A_547] {strides = array<i32>} : memref<256xi32, #tpu.memory_space<vmem>>, vector<16xi32>,
      %add3A_549 = arith.addi %add3A_544, %get3A_548 : vector<16xi32>
      %swap3A_550 = arith.constant 96 : index
      %swap3A_551 = tpu.vector_load %arg8[%swap3A_550] {strides = array<i32>} : memref<256xi32, #tpu.memory_space<vmem>>, vector<16xi32>,
      tpu.vector_store %arg8[%swap3A_550], %broadcast_in_dim3A_7 {strides = array<i32>} : memref<256xi32, #tpu.memory_space<vmem>>, vector<16xi32>,
      %get3A_552 = arith.constant 112 : index
      %get3A_553 = tpu.vector_load %arg8[%get3A_552] {strides = array<i32>} : memref<256xi32, #tpu.memory_space<vmem>>, vector<16xi32>,
      %add3A_554 = arith.addi %add3A_549, %get3A_553 : vector<16xi32>
      %swap3A_555 = arith.constant 112 : index
      %swap3A_556 = tpu.vector_load %arg8[%swap3A_555] {strides = array<i32>} : memref<256xi32, #tpu.memory_space<vmem>>, vector<16xi32>,
      tpu.vector_store %arg8[%swap3A_555], %broadcast_in_dim3A_7 {strides = array<i32>} : memref<256xi32, #tpu.memory_space<vmem>>, vector<16xi32>,
      %get3A_557 = arith.constant 128 : index
      %get3A_558 = tpu.vector_load %arg8[%get3A_557] {strides = array<i32>} : memref<256xi32, #tpu.memory_space<vmem>>, vector<16xi32>,
      %add3A_559 = arith.addi %add3A_554, %get3A_558 : vector<16xi32>
      %swap3A_560 = arith.constant 128 : index
      %swap3A_561 = tpu.vector_load %arg8[%swap3A_560] {strides = array<i32>} : memref<256xi32, #tpu.memory_space<vmem>>, vector<16xi32>,
      tpu.vector_store %arg8[%swap3A_560], %broadcast_in_dim3A_7 {strides = array<i32>} : memref<256xi32, #tpu.memory_space<vmem>>, vector<16xi32>,
      %get3A_562 = arith.constant 144 : index
      %get3A_563 = tpu.vector_load %arg8[%get3A_562] {strides = array<i32>} : memref<256xi32, #tpu.memory_space<vmem>>, vector<16xi32>,
      %add3A_564 = arith.addi %add3A_559, %get3A_563 : vector<16xi32>
      %swap3A_565 = arith.constant 144 : index
      %swap3A_566 = tpu.vector_load %arg8[%swap3A_565] {strides = array<i32>} : memref<256xi32, #tpu.memory_space<vmem>>, vector<16xi32>,
      tpu.vector_store %arg8[%swap3A_565], %broadcast_in_dim3A_7 {strides = array<i32>} : memref<256xi32, #tpu.memory_space<vmem>>, vector<16xi32>,
      %get3A_567 = arith.constant 160 : index
      %get3A_568 = tpu.vector_load %arg8[%get3A_567] {strides = array<i32>} : memref<256xi32, #tpu.memory_space<vmem>>, vector<16xi32>,
      %add3A_569 = arith.addi %add3A_564, %get3A_568 : vector<16xi32>
      %swap3A_570 = arith.constant 160 : index
      %swap3A_571 = tpu.vector_load %arg8[%swap3A_570] {strides = array<i32>} : memref<256xi32, #tpu.memory_space<vmem>>, vector<16xi32>,
      tpu.vector_store %arg8[%swap3A_570], %broadcast_in_dim3A_7 {strides = array<i32>} : memref<256xi32, #tpu.memory_space<vmem>>, vector<16xi32>,
      %get3A_572 = arith.constant 176 : index
      %get3A_573 = tpu.vector_load %arg8[%get3A_572] {strides = array<i32>} : memref<256xi32, #tpu.memory_space<vmem>>, vector<16xi32>,
      %add3A_574 = arith.addi %add3A_569, %get3A_573 : vector<16xi32>
      %swap3A_575 = arith.constant 176 : index
      %swap3A_576 = tpu.vector_load %arg8[%swap3A_575] {strides = array<i32>} : memref<256xi32, #tpu.memory_space<vmem>>, vector<16xi32>,
      tpu.vector_store %arg8[%swap3A_575], %broadcast_in_dim3A_7 {strides = array<i32>} : memref<256xi32, #tpu.memory_space<vmem>>, vector<16xi32>,
      %get3A_577 = arith.constant 192 : index
      %get3A_578 = tpu.vector_load %arg8[%get3A_577] {strides = array<i32>} : memref<256xi32, #tpu.memory_space<vmem>>, vector<16xi32>,
      %add3A_579 = arith.addi %add3A_574, %get3A_578 : vector<16xi32>
      %swap3A_580 = arith.constant 192 : index
      %swap3A_581 = tpu.vector_load %arg8[%swap3A_580] {strides = array<i32>} : memref<256xi32, #tpu.memory_space<vmem>>, vector<16xi32>,
      tpu.vector_store %arg8[%swap3A_580], %broadcast_in_dim3A_7 {strides = array<i32>} : memref<256xi32, #tpu.memory_space<vmem>>, vector<16xi32>,
      %get3A_582 = arith.constant 208 : index
      %get3A_583 = tpu.vector_load %arg8[%get3A_582] {strides = array<i32>} : memref<256xi32, #tpu.memory_space<vmem>>, vector<16xi32>,
      %add3A_584 = arith.addi %add3A_579, %get3A_583 : vector<16xi32>
      %swap3A_585 = arith.constant 208 : index
      %swap3A_586 = tpu.vector_load %arg8[%swap3A_585] {strides = array<i32>} : memref<256xi32, #tpu.memory_space<vmem>>, vector<16xi32>,
      tpu.vector_store %arg8[%swap3A_585], %broadcast_in_dim3A_7 {strides = array<i32>} : memref<256xi32, #tpu.memory_space<vmem>>, vector<16xi32>,
      %get3A_587 = arith.constant 224 : index
      %get3A_588 = tpu.vector_load %arg8[%get3A_587] {strides = array<i32>} : memref<256xi32, #tpu.memory_space<vmem>>, vector<16xi32>,
      %add3A_589 = arith.addi %add3A_584, %get3A_588 : vector<16xi32>
      %swap3A_590 = arith.constant 224 : index
      %swap3A_591 = tpu.vector_load %arg8[%swap3A_590] {strides = array<i32>} : memref<256xi32, #tpu.memory_space<vmem>>, vector<16xi32>,
      tpu.vector_store %arg8[%swap3A_590], %broadcast_in_dim3A_7 {strides = array<i32>} : memref<256xi32, #tpu.memory_space<vmem>>, vector<16xi32>,
      %get3A_592 = arith.constant 240 : index
      %get3A_593 = tpu.vector_load %arg8[%get3A_592] {strides = array<i32>} : memref<256xi32, #tpu.memory_space<vmem>>, vector<16xi32>,
      %add3A_594 = arith.addi %add3A_589, %get3A_593 : vector<16xi32>
      %swap3A_595 = arith.constant 240 : index
      %swap3A_596 = tpu.vector_load %arg8[%swap3A_595] {strides = array<i32>} : memref<256xi32, #tpu.memory_space<vmem>>, vector<16xi32>,
      tpu.vector_store %arg8[%swap3A_595], %broadcast_in_dim3A_7 {strides = array<i32>} : memref<256xi32, #tpu.memory_space<vmem>>, vector<16xi32>,
      %broadcast_in_dim3A_597 = arith.constant true
      %broadcast_in_dim3A_598 = vector.broadcast %broadcast_in_dim3A_597 : i1 to vector<16xi1>
      %masked_cumsum3A_599 = tpu.scan <sum>, %add3A_594 masked %broadcast_in_dim3A_598 : vector<16xi32>, vector<16xi1> -> vector<16xi32>
      %ge3A_600 = vector.broadcast %sub3A_494 : i32 to vector<16xi32>
      %ge3A_601 = arith.cmpi sge, %masked_cumsum3A_599, %ge3A_600 : vector<16xi32>
      %jit3A_602 = arith.constant 0 : i32
      %jit3A_603 = arith.constant 1 : i32
      %broadcast_in_dim3A_604 = vector.broadcast %jit3A_602 : i32 to vector<16xi32>
      %broadcast_in_dim3A_605 = vector.broadcast %jit3A_603 : i32 to vector<16xi32>
      %select_n3A_606 = arith.select %ge3A_601, %broadcast_in_dim3A_604, %broadcast_in_dim3A_605 : vector<16xi1>, vector<16xi32>
      %reduce_sum3A_607 = arith.constant true
      %reduce_sum3A_608 = vector.broadcast %reduce_sum3A_607 : i1 to vector<16xi1>
      %reduce_sum3A_609 = tpu.scan <sum>, %select_n3A_606 masked %reduce_sum3A_608 : vector<16xi32>, vector<16xi1> -> vector<16xi32>
      %reduce_sum3A_610 = vector.extract %reduce_sum3A_609[15] : i32 from vector<16xi32>
      %eq3A_611 = vector.broadcast %reduce_sum3A_610 : i32 to vector<16xi32>
      %eq3A_612 = arith.cmpi eq, %iota3A, %eq3A_611 : vector<16xi32>
      %sub3A_613 = arith.subi %masked_cumsum3A_599, %add3A_594 : vector<16xi32>
      %jit3A_614 = arith.constant 0 : i32
      %broadcast_in_dim3A_615 = vector.broadcast %jit3A_614 : i32 to vector<16xi32>
      %select_n3A_616 = arith.select %eq3A_612, %sub3A_613, %broadcast_in_dim3A_615 : vector<16xi1>, vector<16xi32>
      %reduce_sum3A_617 = arith.constant true
      %reduce_sum3A_618 = vector.broadcast %reduce_sum3A_617 : i1 to vector<16xi1>
      %reduce_sum3A_619 = tpu.scan <sum>, %select_n3A_616 masked %reduce_sum3A_618 : vector<16xi32>, vector<16xi1> -> vector<16xi32>
      %reduce_sum3A_620 = vector.extract %reduce_sum3A_619[15] : i32 from vector<16xi32>
      %add3A_621 = arith.addi %add3A_493, %reduce_sum3A_620 : i32
      %sub3A_622 = arith.subi %sub3A_494, %reduce_sum3A_620 : i32
      %mul3A_623 = arith.constant 16 : i32
      %mul3A_624 = arith.muli %add3A_497, %mul3A_623 : i32
      %add3A_625 = arith.addi %mul3A_624, %reduce_sum3A_610 : i32
      %parallel_loop3A_626 = arith.constant 0 : i32
      %parallel_loop3A_627 = arith.constant 1 : i32
      %parallel_loop3A_628 = scf.for %parallel_loop3A_1068 = %parallel_loop3A_626 to %shift_right_arithmetic3A_514 step %parallel_loop3A_627 iter_args(%parallel_loop3A_1069 = %broadcast_in_dim3A_7) -> (vector<16xi32>)  : i32 {
        %parallel_loop3A_1070 = arith.constant 16 : i32
        %parallel_loop3A_1071 = arith.muli %parallel_loop3A_1068, %parallel_loop3A_1070 : i32
        %parallel_loop3A_1072 = arith.index_cast %parallel_loop3A_1071 : i32 to index
        %parallel_loop3A_1073 = tpu.vector_load %arg6[%parallel_loop3A_1072] {strides = array<i32>} : memref<8224xi32, #tpu.memory_space<vmem>>, vector<16xi32>,
        %parallel_loop3A_1074 = tpu.bitcast %parallel_loop3A_1073 : vector<16xi32> -> vector<16xi32>
        %parallel_loop3A_1075 = arith.constant 8 : i32
        %parallel_loop3A_1076 = vector.broadcast %parallel_loop3A_1075 : i32 to vector<16xi32>
        %parallel_loop3A_1077 = arith.shrui %parallel_loop3A_1074, %parallel_loop3A_1076 : vector<16xi32>
        %parallel_loop3A_1078 = vector.broadcast %add3A_625 : i32 to vector<16xi32>
        %parallel_loop3A_1079 = arith.cmpi ule, %parallel_loop3A_1077, %parallel_loop3A_1078 : vector<16xi32>
        %parallel_loop3A_1080 = arith.constant 1 : i32
        %parallel_loop3A_1081 = arith.constant 0 : i32
        %parallel_loop3A_1082 = vector.broadcast %parallel_loop3A_1080 : i32 to vector<16xi32>
        %parallel_loop3A_1083 = vector.broadcast %parallel_loop3A_1081 : i32 to vector<16xi32>
        %parallel_loop3A_1084 = arith.select %parallel_loop3A_1079, %parallel_loop3A_1082, %parallel_loop3A_1083 : vector<16xi1>, vector<16xi32>
        %parallel_loop3A_1085 = arith.constant true
        %parallel_loop3A_1086 = vector.broadcast %parallel_loop3A_1085 : i1 to vector<16xi1>
        %parallel_loop3A_1087 = tpu.scan <sum>, %parallel_loop3A_1084 masked %parallel_loop3A_1086 : vector<16xi32>, vector<16xi1> -> vector<16xi32>
        %parallel_loop3A_1088 = arith.subi %parallel_loop3A_1087, %parallel_loop3A_1084 : vector<16xi32>
        %parallel_loop3A_1089 = arith.addi %parallel_loop3A_1069, %parallel_loop3A_1088 : vector<16xi32>
        %parallel_loop3A_1090 = arith.constant 8192 : i32
        %parallel_loop3A_1091 = vector.broadcast %parallel_loop3A_1090 : i32 to vector<16xi32>
        %parallel_loop3A_1092 = arith.addi %parallel_loop3A_1091, %iota3A : vector<16xi32>
        %parallel_loop3A_1093 = arith.select %parallel_loop3A_1079, %parallel_loop3A_1089, %parallel_loop3A_1092 : vector<16xi1>, vector<16xi32>
        %parallel_loop3A_1094 = tpu.bitcast %parallel_loop3A_1074 : vector<16xi32> -> vector<16xi32>
        tpu.vector_store_idx %arg5[%parallel_loop3A_1093], %parallel_loop3A_1094 : memref<8224xi32, #tpu.memory_space<vmem>>[vector<16xi32>], vector<16xi32>,
        %parallel_loop3A_1095 = tpu.all_reduce %parallel_loop3A_1079 {dim = 0 : i64, kind = #tpu.reduction_kind<sum>} : vector<16xi1> -> vector<16xi32>
        %parallel_loop3A_1096 = arith.addi %parallel_loop3A_1069, %parallel_loop3A_1095 : vector<16xi32>
        scf.yield %parallel_loop3A_1096 : vector<16xi32>
      } {sc.loop_unroll_factor = 1 : i64, sc.parallel_access}
      %reduce_max3A_629 = arith.constant true
      %reduce_max3A_630 = vector.broadcast %reduce_max3A_629 : i1 to vector<16xi1>
      %reduce_max3A_631 = arith.constant -2147483648 : i32
      %reduce_max3A_632 = vector.broadcast %reduce_max3A_631 : i32 to vector<16xi32>
      %reduce_max3A_633 = arith.xori %parallel_loop3A_628, %reduce_max3A_632 : vector<16xi32>
      %reduce_max3A_634 = tpu.scan <max>, %reduce_max3A_633 masked %reduce_max3A_630 : vector<16xi32>, vector<16xi1> -> vector<16xi32>
      %reduce_max3A_635 = arith.xori %reduce_max3A_634, %reduce_max3A_632 : vector<16xi32>
      %reduce_max3A_636 = vector.extract %reduce_max3A_635[15] : i32 from vector<16xi32>
      %broadcast_in_dim3A_637 = vector.broadcast %reduce_max3A_636 : i32 to vector<16xi32>
      %add3A_638 = arith.addi %broadcast_in_dim3A_637, %iota3A : vector<16xi32>
      tpu.vector_store_idx %arg5[%add3A_638], %broadcast_in_dim3A_11 : memref<8224xi32, #tpu.memory_space<vmem>>[vector<16xi32>], vector<16xi32>,
      %add3A_639 = arith.constant 15 : i32
      %add3A_640 = arith.addi %reduce_max3A_636, %add3A_639 : i32
      %shift_right_arithmetic3A_641 = arith.constant 4 : i32
      %shift_right_arithmetic3A_642 = arith.shrsi %add3A_640, %shift_right_arithmetic3A_641 : i32
      %parallel_loop3A_643 = arith.constant 0 : i32
      %parallel_loop3A_644 = arith.constant 1 : i32
      scf.for %parallel_loop3A_1068 = %parallel_loop3A_643 to %shift_right_arithmetic3A_642 step %parallel_loop3A_644  : i32 {
        %parallel_loop3A_1069 = arith.constant 16 : i32
        %parallel_loop3A_1070 = arith.muli %parallel_loop3A_1068, %parallel_loop3A_1069 : i32
        %parallel_loop3A_1071 = arith.index_cast %parallel_loop3A_1070 : i32 to index
        %parallel_loop3A_1072 = tpu.vector_load %arg5[%parallel_loop3A_1071] {strides = array<i32>} : memref<8224xi32, #tpu.memory_space<vmem>>, vector<16xi32>,
        %parallel_loop3A_1073 = tpu.bitcast %parallel_loop3A_1072 : vector<16xi32> -> vector<16xi32>
        %parallel_loop3A_1074 = arith.constant 8 : i32
        %parallel_loop3A_1075 = vector.broadcast %parallel_loop3A_1074 : i32 to vector<16xi32>
        %parallel_loop3A_1076 = arith.shrui %parallel_loop3A_1073, %parallel_loop3A_1075 : vector<16xi32>
        %parallel_loop3A_1077 = vector.broadcast %add3A_625 : i32 to vector<16xi32>
        %parallel_loop3A_1078 = arith.cmpi eq, %parallel_loop3A_1076, %parallel_loop3A_1077 : vector<16xi32>
        %parallel_loop3A_1079 = arith.constant 4 : i32
        %parallel_loop3A_1080 = vector.broadcast %parallel_loop3A_1079 : i32 to vector<16xi32>
        %parallel_loop3A_1081 = arith.shrui %parallel_loop3A_1073, %parallel_loop3A_1080 : vector<16xi32>
        %parallel_loop3A_1082 = arith.constant 15 : i32
        %parallel_loop3A_1083 = vector.broadcast %parallel_loop3A_1082 : i32 to vector<16xi32>
        %parallel_loop3A_1084 = arith.andi %parallel_loop3A_1081, %parallel_loop3A_1083 : vector<16xi32>
        %parallel_loop3A_1085 = arith.addi %mul3A_6, %parallel_loop3A_1084 : vector<16xi32>
        %parallel_loop3A_1086 = arith.constant 1 : i32
        %parallel_loop3A_1087 = arith.constant 0 : i32
        %parallel_loop3A_1088 = vector.broadcast %parallel_loop3A_1086 : i32 to vector<16xi32>
        %parallel_loop3A_1089 = vector.broadcast %parallel_loop3A_1087 : i32 to vector<16xi32>
        %parallel_loop3A_1090 = arith.select %parallel_loop3A_1078, %parallel_loop3A_1088, %parallel_loop3A_1089 : vector<16xi1>, vector<16xi32>
        tpu.vector_store_idx %arg8[%parallel_loop3A_1085], %parallel_loop3A_1090 {add = true} : memref<256xi32, #tpu.memory_space<vmem>>[vector<16xi32>], vector<16xi32>,
      } {sc.loop_unroll_factor = 1 : i64, sc.parallel_access}
      %get3A_645 = arith.constant 0 : index
      %get3A_646 = tpu.vector_load %arg8[%get3A_645] {strides = array<i32>} : memref<256xi32, #tpu.memory_space<vmem>>, vector<16xi32>,
      %add3A_647 = arith.addi %broadcast_in_dim3A_7, %get3A_646 : vector<16xi32>
      %swap3A_648 = arith.constant 0 : index
      %swap3A_649 = tpu.vector_load %arg8[%swap3A_648] {strides = array<i32>} : memref<256xi32, #tpu.memory_space<vmem>>, vector<16xi32>,
      tpu.vector_store %arg8[%swap3A_648], %broadcast_in_dim3A_7 {strides = array<i32>} : memref<256xi32, #tpu.memory_space<vmem>>, vector<16xi32>,
      %get3A_650 = arith.constant 16 : index
      %get3A_651 = tpu.vector_load %arg8[%get3A_650] {strides = array<i32>} : memref<256xi32, #tpu.memory_space<vmem>>, vector<16xi32>,
      %add3A_652 = arith.addi %add3A_647, %get3A_651 : vector<16xi32>
      %swap3A_653 = arith.constant 16 : index
      %swap3A_654 = tpu.vector_load %arg8[%swap3A_653] {strides = array<i32>} : memref<256xi32, #tpu.memory_space<vmem>>, vector<16xi32>,
      tpu.vector_store %arg8[%swap3A_653], %broadcast_in_dim3A_7 {strides = array<i32>} : memref<256xi32, #tpu.memory_space<vmem>>, vector<16xi32>,
      %get3A_655 = arith.constant 32 : index
      %get3A_656 = tpu.vector_load %arg8[%get3A_655] {strides = array<i32>} : memref<256xi32, #tpu.memory_space<vmem>>, vector<16xi32>,
      %add3A_657 = arith.addi %add3A_652, %get3A_656 : vector<16xi32>
      %swap3A_658 = arith.constant 32 : index
      %swap3A_659 = tpu.vector_load %arg8[%swap3A_658] {strides = array<i32>} : memref<256xi32, #tpu.memory_space<vmem>>, vector<16xi32>,
      tpu.vector_store %arg8[%swap3A_658], %broadcast_in_dim3A_7 {strides = array<i32>} : memref<256xi32, #tpu.memory_space<vmem>>, vector<16xi32>,
      %get3A_660 = arith.constant 48 : index
      %get3A_661 = tpu.vector_load %arg8[%get3A_660] {strides = array<i32>} : memref<256xi32, #tpu.memory_space<vmem>>, vector<16xi32>,
      %add3A_662 = arith.addi %add3A_657, %get3A_661 : vector<16xi32>
      %swap3A_663 = arith.constant 48 : index
      %swap3A_664 = tpu.vector_load %arg8[%swap3A_663] {strides = array<i32>} : memref<256xi32, #tpu.memory_space<vmem>>, vector<16xi32>,
      tpu.vector_store %arg8[%swap3A_663], %broadcast_in_dim3A_7 {strides = array<i32>} : memref<256xi32, #tpu.memory_space<vmem>>, vector<16xi32>,
      %get3A_665 = arith.constant 64 : index
      %get3A_666 = tpu.vector_load %arg8[%get3A_665] {strides = array<i32>} : memref<256xi32, #tpu.memory_space<vmem>>, vector<16xi32>,
      %add3A_667 = arith.addi %add3A_662, %get3A_666 : vector<16xi32>
      %swap3A_668 = arith.constant 64 : index
      %swap3A_669 = tpu.vector_load %arg8[%swap3A_668] {strides = array<i32>} : memref<256xi32, #tpu.memory_space<vmem>>, vector<16xi32>,
      tpu.vector_store %arg8[%swap3A_668], %broadcast_in_dim3A_7 {strides = array<i32>} : memref<256xi32, #tpu.memory_space<vmem>>, vector<16xi32>,
      %get3A_670 = arith.constant 80 : index
      %get3A_671 = tpu.vector_load %arg8[%get3A_670] {strides = array<i32>} : memref<256xi32, #tpu.memory_space<vmem>>, vector<16xi32>,
      %add3A_672 = arith.addi %add3A_667, %get3A_671 : vector<16xi32>
      %swap3A_673 = arith.constant 80 : index
      %swap3A_674 = tpu.vector_load %arg8[%swap3A_673] {strides = array<i32>} : memref<256xi32, #tpu.memory_space<vmem>>, vector<16xi32>,
      tpu.vector_store %arg8[%swap3A_673], %broadcast_in_dim3A_7 {strides = array<i32>} : memref<256xi32, #tpu.memory_space<vmem>>, vector<16xi32>,
      %get3A_675 = arith.constant 96 : index
      %get3A_676 = tpu.vector_load %arg8[%get3A_675] {strides = array<i32>} : memref<256xi32, #tpu.memory_space<vmem>>, vector<16xi32>,
      %add3A_677 = arith.addi %add3A_672, %get3A_676 : vector<16xi32>
      %swap3A_678 = arith.constant 96 : index
      %swap3A_679 = tpu.vector_load %arg8[%swap3A_678] {strides = array<i32>} : memref<256xi32, #tpu.memory_space<vmem>>, vector<16xi32>,
      tpu.vector_store %arg8[%swap3A_678], %broadcast_in_dim3A_7 {strides = array<i32>} : memref<256xi32, #tpu.memory_space<vmem>>, vector<16xi32>,
      %get3A_680 = arith.constant 112 : index
      %get3A_681 = tpu.vector_load %arg8[%get3A_680] {strides = array<i32>} : memref<256xi32, #tpu.memory_space<vmem>>, vector<16xi32>,
      %add3A_682 = arith.addi %add3A_677, %get3A_681 : vector<16xi32>
      %swap3A_683 = arith.constant 112 : index
      %swap3A_684 = tpu.vector_load %arg8[%swap3A_683] {strides = array<i32>} : memref<256xi32, #tpu.memory_space<vmem>>, vector<16xi32>,
      tpu.vector_store %arg8[%swap3A_683], %broadcast_in_dim3A_7 {strides = array<i32>} : memref<256xi32, #tpu.memory_space<vmem>>, vector<16xi32>,
      %get3A_685 = arith.constant 128 : index
      %get3A_686 = tpu.vector_load %arg8[%get3A_685] {strides = array<i32>} : memref<256xi32, #tpu.memory_space<vmem>>, vector<16xi32>,
      %add3A_687 = arith.addi %add3A_682, %get3A_686 : vector<16xi32>
      %swap3A_688 = arith.constant 128 : index
      %swap3A_689 = tpu.vector_load %arg8[%swap3A_688] {strides = array<i32>} : memref<256xi32, #tpu.memory_space<vmem>>, vector<16xi32>,
      tpu.vector_store %arg8[%swap3A_688], %broadcast_in_dim3A_7 {strides = array<i32>} : memref<256xi32, #tpu.memory_space<vmem>>, vector<16xi32>,
      %get3A_690 = arith.constant 144 : index
      %get3A_691 = tpu.vector_load %arg8[%get3A_690] {strides = array<i32>} : memref<256xi32, #tpu.memory_space<vmem>>, vector<16xi32>,
      %add3A_692 = arith.addi %add3A_687, %get3A_691 : vector<16xi32>
      %swap3A_693 = arith.constant 144 : index
      %swap3A_694 = tpu.vector_load %arg8[%swap3A_693] {strides = array<i32>} : memref<256xi32, #tpu.memory_space<vmem>>, vector<16xi32>,
      tpu.vector_store %arg8[%swap3A_693], %broadcast_in_dim3A_7 {strides = array<i32>} : memref<256xi32, #tpu.memory_space<vmem>>, vector<16xi32>,
      %get3A_695 = arith.constant 160 : index
      %get3A_696 = tpu.vector_load %arg8[%get3A_695] {strides = array<i32>} : memref<256xi32, #tpu.memory_space<vmem>>, vector<16xi32>,
      %add3A_697 = arith.addi %add3A_692, %get3A_696 : vector<16xi32>
      %swap3A_698 = arith.constant 160 : index
      %swap3A_699 = tpu.vector_load %arg8[%swap3A_698] {strides = array<i32>} : memref<256xi32, #tpu.memory_space<vmem>>, vector<16xi32>,
      tpu.vector_store %arg8[%swap3A_698], %broadcast_in_dim3A_7 {strides = array<i32>} : memref<256xi32, #tpu.memory_space<vmem>>, vector<16xi32>,
      %get3A_700 = arith.constant 176 : index
      %get3A_701 = tpu.vector_load %arg8[%get3A_700] {strides = array<i32>} : memref<256xi32, #tpu.memory_space<vmem>>, vector<16xi32>,
      %add3A_702 = arith.addi %add3A_697, %get3A_701 : vector<16xi32>
      %swap3A_703 = arith.constant 176 : index
      %swap3A_704 = tpu.vector_load %arg8[%swap3A_703] {strides = array<i32>} : memref<256xi32, #tpu.memory_space<vmem>>, vector<16xi32>,
      tpu.vector_store %arg8[%swap3A_703], %broadcast_in_dim3A_7 {strides = array<i32>} : memref<256xi32, #tpu.memory_space<vmem>>, vector<16xi32>,
      %get3A_705 = arith.constant 192 : index
      %get3A_706 = tpu.vector_load %arg8[%get3A_705] {strides = array<i32>} : memref<256xi32, #tpu.memory_space<vmem>>, vector<16xi32>,
      %add3A_707 = arith.addi %add3A_702, %get3A_706 : vector<16xi32>
      %swap3A_708 = arith.constant 192 : index
      %swap3A_709 = tpu.vector_load %arg8[%swap3A_708] {strides = array<i32>} : memref<256xi32, #tpu.memory_space<vmem>>, vector<16xi32>,
      tpu.vector_store %arg8[%swap3A_708], %broadcast_in_dim3A_7 {strides = array<i32>} : memref<256xi32, #tpu.memory_space<vmem>>, vector<16xi32>,
      %get3A_710 = arith.constant 208 : index
      %get3A_711 = tpu.vector_load %arg8[%get3A_710] {strides = array<i32>} : memref<256xi32, #tpu.memory_space<vmem>>, vector<16xi32>,
      %add3A_712 = arith.addi %add3A_707, %get3A_711 : vector<16xi32>
      %swap3A_713 = arith.constant 208 : index
      %swap3A_714 = tpu.vector_load %arg8[%swap3A_713] {strides = array<i32>} : memref<256xi32, #tpu.memory_space<vmem>>, vector<16xi32>,
      tpu.vector_store %arg8[%swap3A_713], %broadcast_in_dim3A_7 {strides = array<i32>} : memref<256xi32, #tpu.memory_space<vmem>>, vector<16xi32>,
      %get3A_715 = arith.constant 224 : index
      %get3A_716 = tpu.vector_load %arg8[%get3A_715] {strides = array<i32>} : memref<256xi32, #tpu.memory_space<vmem>>, vector<16xi32>,
      %add3A_717 = arith.addi %add3A_712, %get3A_716 : vector<16xi32>
      %swap3A_718 = arith.constant 224 : index
      %swap3A_719 = tpu.vector_load %arg8[%swap3A_718] {strides = array<i32>} : memref<256xi32, #tpu.memory_space<vmem>>, vector<16xi32>,
      tpu.vector_store %arg8[%swap3A_718], %broadcast_in_dim3A_7 {strides = array<i32>} : memref<256xi32, #tpu.memory_space<vmem>>, vector<16xi32>,
      %get3A_720 = arith.constant 240 : index
      %get3A_721 = tpu.vector_load %arg8[%get3A_720] {strides = array<i32>} : memref<256xi32, #tpu.memory_space<vmem>>, vector<16xi32>,
      %add3A_722 = arith.addi %add3A_717, %get3A_721 : vector<16xi32>
      %swap3A_723 = arith.constant 240 : index
      %swap3A_724 = tpu.vector_load %arg8[%swap3A_723] {strides = array<i32>} : memref<256xi32, #tpu.memory_space<vmem>>, vector<16xi32>,
      tpu.vector_store %arg8[%swap3A_723], %broadcast_in_dim3A_7 {strides = array<i32>} : memref<256xi32, #tpu.memory_space<vmem>>, vector<16xi32>,
      %broadcast_in_dim3A_725 = arith.constant true
      %broadcast_in_dim3A_726 = vector.broadcast %broadcast_in_dim3A_725 : i1 to vector<16xi1>
      %masked_cumsum3A_727 = tpu.scan <sum>, %add3A_722 masked %broadcast_in_dim3A_726 : vector<16xi32>, vector<16xi1> -> vector<16xi32>
      %ge3A_728 = vector.broadcast %sub3A_622 : i32 to vector<16xi32>
      %ge3A_729 = arith.cmpi sge, %masked_cumsum3A_727, %ge3A_728 : vector<16xi32>
      %jit3A_730 = arith.constant 0 : i32
      %jit3A_731 = arith.constant 1 : i32
      %broadcast_in_dim3A_732 = vector.broadcast %jit3A_730 : i32 to vector<16xi32>
      %broadcast_in_dim3A_733 = vector.broadcast %jit3A_731 : i32 to vector<16xi32>
      %select_n3A_734 = arith.select %ge3A_729, %broadcast_in_dim3A_732, %broadcast_in_dim3A_733 : vector<16xi1>, vector<16xi32>
      %reduce_sum3A_735 = arith.constant true
      %reduce_sum3A_736 = vector.broadcast %reduce_sum3A_735 : i1 to vector<16xi1>
      %reduce_sum3A_737 = tpu.scan <sum>, %select_n3A_734 masked %reduce_sum3A_736 : vector<16xi32>, vector<16xi1> -> vector<16xi32>
      %reduce_sum3A_738 = vector.extract %reduce_sum3A_737[15] : i32 from vector<16xi32>
      %eq3A_739 = vector.broadcast %reduce_sum3A_738 : i32 to vector<16xi32>
      %eq3A_740 = arith.cmpi eq, %iota3A, %eq3A_739 : vector<16xi32>
      %sub3A_741 = arith.subi %masked_cumsum3A_727, %add3A_722 : vector<16xi32>
      %jit3A_742 = arith.constant 0 : i32
      %broadcast_in_dim3A_743 = vector.broadcast %jit3A_742 : i32 to vector<16xi32>
      %select_n3A_744 = arith.select %eq3A_740, %sub3A_741, %broadcast_in_dim3A_743 : vector<16xi1>, vector<16xi32>
      %reduce_sum3A_745 = arith.constant true
      %reduce_sum3A_746 = vector.broadcast %reduce_sum3A_745 : i1 to vector<16xi1>
      %reduce_sum3A_747 = tpu.scan <sum>, %select_n3A_744 masked %reduce_sum3A_746 : vector<16xi32>, vector<16xi1> -> vector<16xi32>
      %reduce_sum3A_748 = vector.extract %reduce_sum3A_747[15] : i32 from vector<16xi32>
      %add3A_749 = arith.addi %add3A_621, %reduce_sum3A_748 : i32
      %sub3A_750 = arith.subi %sub3A_622, %reduce_sum3A_748 : i32
      %mul3A_751 = arith.constant 16 : i32
      %mul3A_752 = arith.muli %add3A_625, %mul3A_751 : i32
      %add3A_753 = arith.addi %mul3A_752, %reduce_sum3A_738 : i32
      %parallel_loop3A_754 = arith.constant 0 : i32
      %parallel_loop3A_755 = arith.constant 1 : i32
      %parallel_loop3A_756 = scf.for %parallel_loop3A_1068 = %parallel_loop3A_754 to %shift_right_arithmetic3A_642 step %parallel_loop3A_755 iter_args(%parallel_loop3A_1069 = %broadcast_in_dim3A_7) -> (vector<16xi32>)  : i32 {
        %parallel_loop3A_1070 = arith.constant 16 : i32
        %parallel_loop3A_1071 = arith.muli %parallel_loop3A_1068, %parallel_loop3A_1070 : i32
        %parallel_loop3A_1072 = arith.index_cast %parallel_loop3A_1071 : i32 to index
        %parallel_loop3A_1073 = tpu.vector_load %arg5[%parallel_loop3A_1072] {strides = array<i32>} : memref<8224xi32, #tpu.memory_space<vmem>>, vector<16xi32>,
        %parallel_loop3A_1074 = tpu.bitcast %parallel_loop3A_1073 : vector<16xi32> -> vector<16xi32>
        %parallel_loop3A_1075 = arith.constant 4 : i32
        %parallel_loop3A_1076 = vector.broadcast %parallel_loop3A_1075 : i32 to vector<16xi32>
        %parallel_loop3A_1077 = arith.shrui %parallel_loop3A_1074, %parallel_loop3A_1076 : vector<16xi32>
        %parallel_loop3A_1078 = vector.broadcast %add3A_753 : i32 to vector<16xi32>
        %parallel_loop3A_1079 = arith.cmpi ule, %parallel_loop3A_1077, %parallel_loop3A_1078 : vector<16xi32>
        %parallel_loop3A_1080 = arith.constant 1 : i32
        %parallel_loop3A_1081 = arith.constant 0 : i32
        %parallel_loop3A_1082 = vector.broadcast %parallel_loop3A_1080 : i32 to vector<16xi32>
        %parallel_loop3A_1083 = vector.broadcast %parallel_loop3A_1081 : i32 to vector<16xi32>
        %parallel_loop3A_1084 = arith.select %parallel_loop3A_1079, %parallel_loop3A_1082, %parallel_loop3A_1083 : vector<16xi1>, vector<16xi32>
        %parallel_loop3A_1085 = arith.constant true
        %parallel_loop3A_1086 = vector.broadcast %parallel_loop3A_1085 : i1 to vector<16xi1>
        %parallel_loop3A_1087 = tpu.scan <sum>, %parallel_loop3A_1084 masked %parallel_loop3A_1086 : vector<16xi32>, vector<16xi1> -> vector<16xi32>
        %parallel_loop3A_1088 = arith.subi %parallel_loop3A_1087, %parallel_loop3A_1084 : vector<16xi32>
        %parallel_loop3A_1089 = arith.addi %parallel_loop3A_1069, %parallel_loop3A_1088 : vector<16xi32>
        %parallel_loop3A_1090 = arith.constant 8192 : i32
        %parallel_loop3A_1091 = vector.broadcast %parallel_loop3A_1090 : i32 to vector<16xi32>
        %parallel_loop3A_1092 = arith.addi %parallel_loop3A_1091, %iota3A : vector<16xi32>
        %parallel_loop3A_1093 = arith.select %parallel_loop3A_1079, %parallel_loop3A_1089, %parallel_loop3A_1092 : vector<16xi1>, vector<16xi32>
        %parallel_loop3A_1094 = tpu.bitcast %parallel_loop3A_1074 : vector<16xi32> -> vector<16xi32>
        tpu.vector_store_idx %arg6[%parallel_loop3A_1093], %parallel_loop3A_1094 : memref<8224xi32, #tpu.memory_space<vmem>>[vector<16xi32>], vector<16xi32>,
        %parallel_loop3A_1095 = tpu.all_reduce %parallel_loop3A_1079 {dim = 0 : i64, kind = #tpu.reduction_kind<sum>} : vector<16xi1> -> vector<16xi32>
        %parallel_loop3A_1096 = arith.addi %parallel_loop3A_1069, %parallel_loop3A_1095 : vector<16xi32>
        scf.yield %parallel_loop3A_1096 : vector<16xi32>
      } {sc.loop_unroll_factor = 1 : i64, sc.parallel_access}
      %reduce_max3A_757 = arith.constant true
      %reduce_max3A_758 = vector.broadcast %reduce_max3A_757 : i1 to vector<16xi1>
      %reduce_max3A_759 = arith.constant -2147483648 : i32
      %reduce_max3A_760 = vector.broadcast %reduce_max3A_759 : i32 to vector<16xi32>
      %reduce_max3A_761 = arith.xori %parallel_loop3A_756, %reduce_max3A_760 : vector<16xi32>
      %reduce_max3A_762 = tpu.scan <max>, %reduce_max3A_761 masked %reduce_max3A_758 : vector<16xi32>, vector<16xi1> -> vector<16xi32>
      %reduce_max3A_763 = arith.xori %reduce_max3A_762, %reduce_max3A_760 : vector<16xi32>
      %reduce_max3A_764 = vector.extract %reduce_max3A_763[15] : i32 from vector<16xi32>
      %broadcast_in_dim3A_765 = vector.broadcast %reduce_max3A_764 : i32 to vector<16xi32>
      %add3A_766 = arith.addi %broadcast_in_dim3A_765, %iota3A : vector<16xi32>
      tpu.vector_store_idx %arg6[%add3A_766], %broadcast_in_dim3A_11 : memref<8224xi32, #tpu.memory_space<vmem>>[vector<16xi32>], vector<16xi32>,
      %add3A_767 = arith.constant 15 : i32
      %add3A_768 = arith.addi %reduce_max3A_764, %add3A_767 : i32
      %shift_right_arithmetic3A_769 = arith.constant 4 : i32
      %shift_right_arithmetic3A_770 = arith.shrsi %add3A_768, %shift_right_arithmetic3A_769 : i32
      %parallel_loop3A_771 = arith.constant 0 : i32
      %parallel_loop3A_772 = arith.constant 1 : i32
      scf.for %parallel_loop3A_1068 = %parallel_loop3A_771 to %shift_right_arithmetic3A_770 step %parallel_loop3A_772  : i32 {
        %parallel_loop3A_1069 = arith.constant 16 : i32
        %parallel_loop3A_1070 = arith.muli %parallel_loop3A_1068, %parallel_loop3A_1069 : i32
        %parallel_loop3A_1071 = arith.index_cast %parallel_loop3A_1070 : i32 to index
        %parallel_loop3A_1072 = tpu.vector_load %arg6[%parallel_loop3A_1071] {strides = array<i32>} : memref<8224xi32, #tpu.memory_space<vmem>>, vector<16xi32>,
        %parallel_loop3A_1073 = tpu.bitcast %parallel_loop3A_1072 : vector<16xi32> -> vector<16xi32>
        %parallel_loop3A_1074 = arith.constant 4 : i32
        %parallel_loop3A_1075 = vector.broadcast %parallel_loop3A_1074 : i32 to vector<16xi32>
        %parallel_loop3A_1076 = arith.shrui %parallel_loop3A_1073, %parallel_loop3A_1075 : vector<16xi32>
        %parallel_loop3A_1077 = vector.broadcast %add3A_753 : i32 to vector<16xi32>
        %parallel_loop3A_1078 = arith.cmpi eq, %parallel_loop3A_1076, %parallel_loop3A_1077 : vector<16xi32>
        %parallel_loop3A_1079 = arith.constant 0 : i32
        %parallel_loop3A_1080 = vector.broadcast %parallel_loop3A_1079 : i32 to vector<16xi32>
        %parallel_loop3A_1081 = arith.shrui %parallel_loop3A_1073, %parallel_loop3A_1080 : vector<16xi32>
        %parallel_loop3A_1082 = arith.constant 15 : i32
        %parallel_loop3A_1083 = vector.broadcast %parallel_loop3A_1082 : i32 to vector<16xi32>
        %parallel_loop3A_1084 = arith.andi %parallel_loop3A_1081, %parallel_loop3A_1083 : vector<16xi32>
        %parallel_loop3A_1085 = arith.addi %mul3A_6, %parallel_loop3A_1084 : vector<16xi32>
        %parallel_loop3A_1086 = arith.constant 1 : i32
        %parallel_loop3A_1087 = arith.constant 0 : i32
        %parallel_loop3A_1088 = vector.broadcast %parallel_loop3A_1086 : i32 to vector<16xi32>
        %parallel_loop3A_1089 = vector.broadcast %parallel_loop3A_1087 : i32 to vector<16xi32>
        %parallel_loop3A_1090 = arith.select %parallel_loop3A_1078, %parallel_loop3A_1088, %parallel_loop3A_1089 : vector<16xi1>, vector<16xi32>
        tpu.vector_store_idx %arg8[%parallel_loop3A_1085], %parallel_loop3A_1090 {add = true} : memref<256xi32, #tpu.memory_space<vmem>>[vector<16xi32>], vector<16xi32>,
      } {sc.loop_unroll_factor = 1 : i64, sc.parallel_access}
      %get3A_773 = arith.constant 0 : index
      %get3A_774 = tpu.vector_load %arg8[%get3A_773] {strides = array<i32>} : memref<256xi32, #tpu.memory_space<vmem>>, vector<16xi32>,
      %add3A_775 = arith.addi %broadcast_in_dim3A_7, %get3A_774 : vector<16xi32>
      %swap3A_776 = arith.constant 0 : index
      %swap3A_777 = tpu.vector_load %arg8[%swap3A_776] {strides = array<i32>} : memref<256xi32, #tpu.memory_space<vmem>>, vector<16xi32>,
      tpu.vector_store %arg8[%swap3A_776], %broadcast_in_dim3A_7 {strides = array<i32>} : memref<256xi32, #tpu.memory_space<vmem>>, vector<16xi32>,
      %get3A_778 = arith.constant 16 : index
      %get3A_779 = tpu.vector_load %arg8[%get3A_778] {strides = array<i32>} : memref<256xi32, #tpu.memory_space<vmem>>, vector<16xi32>,
      %add3A_780 = arith.addi %add3A_775, %get3A_779 : vector<16xi32>
      %swap3A_781 = arith.constant 16 : index
      %swap3A_782 = tpu.vector_load %arg8[%swap3A_781] {strides = array<i32>} : memref<256xi32, #tpu.memory_space<vmem>>, vector<16xi32>,
      tpu.vector_store %arg8[%swap3A_781], %broadcast_in_dim3A_7 {strides = array<i32>} : memref<256xi32, #tpu.memory_space<vmem>>, vector<16xi32>,
      %get3A_783 = arith.constant 32 : index
      %get3A_784 = tpu.vector_load %arg8[%get3A_783] {strides = array<i32>} : memref<256xi32, #tpu.memory_space<vmem>>, vector<16xi32>,
      %add3A_785 = arith.addi %add3A_780, %get3A_784 : vector<16xi32>
      %swap3A_786 = arith.constant 32 : index
      %swap3A_787 = tpu.vector_load %arg8[%swap3A_786] {strides = array<i32>} : memref<256xi32, #tpu.memory_space<vmem>>, vector<16xi32>,
      tpu.vector_store %arg8[%swap3A_786], %broadcast_in_dim3A_7 {strides = array<i32>} : memref<256xi32, #tpu.memory_space<vmem>>, vector<16xi32>,
      %get3A_788 = arith.constant 48 : index
      %get3A_789 = tpu.vector_load %arg8[%get3A_788] {strides = array<i32>} : memref<256xi32, #tpu.memory_space<vmem>>, vector<16xi32>,
      %add3A_790 = arith.addi %add3A_785, %get3A_789 : vector<16xi32>
      %swap3A_791 = arith.constant 48 : index
      %swap3A_792 = tpu.vector_load %arg8[%swap3A_791] {strides = array<i32>} : memref<256xi32, #tpu.memory_space<vmem>>, vector<16xi32>,
      tpu.vector_store %arg8[%swap3A_791], %broadcast_in_dim3A_7 {strides = array<i32>} : memref<256xi32, #tpu.memory_space<vmem>>, vector<16xi32>,
      %get3A_793 = arith.constant 64 : index
      %get3A_794 = tpu.vector_load %arg8[%get3A_793] {strides = array<i32>} : memref<256xi32, #tpu.memory_space<vmem>>, vector<16xi32>,
      %add3A_795 = arith.addi %add3A_790, %get3A_794 : vector<16xi32>
      %swap3A_796 = arith.constant 64 : index
      %swap3A_797 = tpu.vector_load %arg8[%swap3A_796] {strides = array<i32>} : memref<256xi32, #tpu.memory_space<vmem>>, vector<16xi32>,
      tpu.vector_store %arg8[%swap3A_796], %broadcast_in_dim3A_7 {strides = array<i32>} : memref<256xi32, #tpu.memory_space<vmem>>, vector<16xi32>,
      %get3A_798 = arith.constant 80 : index
      %get3A_799 = tpu.vector_load %arg8[%get3A_798] {strides = array<i32>} : memref<256xi32, #tpu.memory_space<vmem>>, vector<16xi32>,
      %add3A_800 = arith.addi %add3A_795, %get3A_799 : vector<16xi32>
      %swap3A_801 = arith.constant 80 : index
      %swap3A_802 = tpu.vector_load %arg8[%swap3A_801] {strides = array<i32>} : memref<256xi32, #tpu.memory_space<vmem>>, vector<16xi32>,
      tpu.vector_store %arg8[%swap3A_801], %broadcast_in_dim3A_7 {strides = array<i32>} : memref<256xi32, #tpu.memory_space<vmem>>, vector<16xi32>,
      %get3A_803 = arith.constant 96 : index
      %get3A_804 = tpu.vector_load %arg8[%get3A_803] {strides = array<i32>} : memref<256xi32, #tpu.memory_space<vmem>>, vector<16xi32>,
      %add3A_805 = arith.addi %add3A_800, %get3A_804 : vector<16xi32>
      %swap3A_806 = arith.constant 96 : index
      %swap3A_807 = tpu.vector_load %arg8[%swap3A_806] {strides = array<i32>} : memref<256xi32, #tpu.memory_space<vmem>>, vector<16xi32>,
      tpu.vector_store %arg8[%swap3A_806], %broadcast_in_dim3A_7 {strides = array<i32>} : memref<256xi32, #tpu.memory_space<vmem>>, vector<16xi32>,
      %get3A_808 = arith.constant 112 : index
      %get3A_809 = tpu.vector_load %arg8[%get3A_808] {strides = array<i32>} : memref<256xi32, #tpu.memory_space<vmem>>, vector<16xi32>,
      %add3A_810 = arith.addi %add3A_805, %get3A_809 : vector<16xi32>
      %swap3A_811 = arith.constant 112 : index
      %swap3A_812 = tpu.vector_load %arg8[%swap3A_811] {strides = array<i32>} : memref<256xi32, #tpu.memory_space<vmem>>, vector<16xi32>,
      tpu.vector_store %arg8[%swap3A_811], %broadcast_in_dim3A_7 {strides = array<i32>} : memref<256xi32, #tpu.memory_space<vmem>>, vector<16xi32>,
      %get3A_813 = arith.constant 128 : index
      %get3A_814 = tpu.vector_load %arg8[%get3A_813] {strides = array<i32>} : memref<256xi32, #tpu.memory_space<vmem>>, vector<16xi32>,
      %add3A_815 = arith.addi %add3A_810, %get3A_814 : vector<16xi32>
      %swap3A_816 = arith.constant 128 : index
      %swap3A_817 = tpu.vector_load %arg8[%swap3A_816] {strides = array<i32>} : memref<256xi32, #tpu.memory_space<vmem>>, vector<16xi32>,
      tpu.vector_store %arg8[%swap3A_816], %broadcast_in_dim3A_7 {strides = array<i32>} : memref<256xi32, #tpu.memory_space<vmem>>, vector<16xi32>,
      %get3A_818 = arith.constant 144 : index
      %get3A_819 = tpu.vector_load %arg8[%get3A_818] {strides = array<i32>} : memref<256xi32, #tpu.memory_space<vmem>>, vector<16xi32>,
      %add3A_820 = arith.addi %add3A_815, %get3A_819 : vector<16xi32>
      %swap3A_821 = arith.constant 144 : index
      %swap3A_822 = tpu.vector_load %arg8[%swap3A_821] {strides = array<i32>} : memref<256xi32, #tpu.memory_space<vmem>>, vector<16xi32>,
      tpu.vector_store %arg8[%swap3A_821], %broadcast_in_dim3A_7 {strides = array<i32>} : memref<256xi32, #tpu.memory_space<vmem>>, vector<16xi32>,
      %get3A_823 = arith.constant 160 : index
      %get3A_824 = tpu.vector_load %arg8[%get3A_823] {strides = array<i32>} : memref<256xi32, #tpu.memory_space<vmem>>, vector<16xi32>,
      %add3A_825 = arith.addi %add3A_820, %get3A_824 : vector<16xi32>
      %swap3A_826 = arith.constant 160 : index
      %swap3A_827 = tpu.vector_load %arg8[%swap3A_826] {strides = array<i32>} : memref<256xi32, #tpu.memory_space<vmem>>, vector<16xi32>,
      tpu.vector_store %arg8[%swap3A_826], %broadcast_in_dim3A_7 {strides = array<i32>} : memref<256xi32, #tpu.memory_space<vmem>>, vector<16xi32>,
      %get3A_828 = arith.constant 176 : index
      %get3A_829 = tpu.vector_load %arg8[%get3A_828] {strides = array<i32>} : memref<256xi32, #tpu.memory_space<vmem>>, vector<16xi32>,
      %add3A_830 = arith.addi %add3A_825, %get3A_829 : vector<16xi32>
      %swap3A_831 = arith.constant 176 : index
      %swap3A_832 = tpu.vector_load %arg8[%swap3A_831] {strides = array<i32>} : memref<256xi32, #tpu.memory_space<vmem>>, vector<16xi32>,
      tpu.vector_store %arg8[%swap3A_831], %broadcast_in_dim3A_7 {strides = array<i32>} : memref<256xi32, #tpu.memory_space<vmem>>, vector<16xi32>,
      %get3A_833 = arith.constant 192 : index
      %get3A_834 = tpu.vector_load %arg8[%get3A_833] {strides = array<i32>} : memref<256xi32, #tpu.memory_space<vmem>>, vector<16xi32>,
      %add3A_835 = arith.addi %add3A_830, %get3A_834 : vector<16xi32>
      %swap3A_836 = arith.constant 192 : index
      %swap3A_837 = tpu.vector_load %arg8[%swap3A_836] {strides = array<i32>} : memref<256xi32, #tpu.memory_space<vmem>>, vector<16xi32>,
      tpu.vector_store %arg8[%swap3A_836], %broadcast_in_dim3A_7 {strides = array<i32>} : memref<256xi32, #tpu.memory_space<vmem>>, vector<16xi32>,
      %get3A_838 = arith.constant 208 : index
      %get3A_839 = tpu.vector_load %arg8[%get3A_838] {strides = array<i32>} : memref<256xi32, #tpu.memory_space<vmem>>, vector<16xi32>,
      %add3A_840 = arith.addi %add3A_835, %get3A_839 : vector<16xi32>
      %swap3A_841 = arith.constant 208 : index
      %swap3A_842 = tpu.vector_load %arg8[%swap3A_841] {strides = array<i32>} : memref<256xi32, #tpu.memory_space<vmem>>, vector<16xi32>,
      tpu.vector_store %arg8[%swap3A_841], %broadcast_in_dim3A_7 {strides = array<i32>} : memref<256xi32, #tpu.memory_space<vmem>>, vector<16xi32>,
      %get3A_843 = arith.constant 224 : index
      %get3A_844 = tpu.vector_load %arg8[%get3A_843] {strides = array<i32>} : memref<256xi32, #tpu.memory_space<vmem>>, vector<16xi32>,
      %add3A_845 = arith.addi %add3A_840, %get3A_844 : vector<16xi32>
      %swap3A_846 = arith.constant 224 : index
      %swap3A_847 = tpu.vector_load %arg8[%swap3A_846] {strides = array<i32>} : memref<256xi32, #tpu.memory_space<vmem>>, vector<16xi32>,
      tpu.vector_store %arg8[%swap3A_846], %broadcast_in_dim3A_7 {strides = array<i32>} : memref<256xi32, #tpu.memory_space<vmem>>, vector<16xi32>,
      %get3A_848 = arith.constant 240 : index
      %get3A_849 = tpu.vector_load %arg8[%get3A_848] {strides = array<i32>} : memref<256xi32, #tpu.memory_space<vmem>>, vector<16xi32>,
      %add3A_850 = arith.addi %add3A_845, %get3A_849 : vector<16xi32>
      %swap3A_851 = arith.constant 240 : index
      %swap3A_852 = tpu.vector_load %arg8[%swap3A_851] {strides = array<i32>} : memref<256xi32, #tpu.memory_space<vmem>>, vector<16xi32>,
      tpu.vector_store %arg8[%swap3A_851], %broadcast_in_dim3A_7 {strides = array<i32>} : memref<256xi32, #tpu.memory_space<vmem>>, vector<16xi32>,
      %broadcast_in_dim3A_853 = arith.constant true
      %broadcast_in_dim3A_854 = vector.broadcast %broadcast_in_dim3A_853 : i1 to vector<16xi1>
      %masked_cumsum3A_855 = tpu.scan <sum>, %add3A_850 masked %broadcast_in_dim3A_854 : vector<16xi32>, vector<16xi1> -> vector<16xi32>
      %ge3A_856 = vector.broadcast %sub3A_750 : i32 to vector<16xi32>
      %ge3A_857 = arith.cmpi sge, %masked_cumsum3A_855, %ge3A_856 : vector<16xi32>
      %jit3A_858 = arith.constant 0 : i32
      %jit3A_859 = arith.constant 1 : i32
      %broadcast_in_dim3A_860 = vector.broadcast %jit3A_858 : i32 to vector<16xi32>
      %broadcast_in_dim3A_861 = vector.broadcast %jit3A_859 : i32 to vector<16xi32>
      %select_n3A_862 = arith.select %ge3A_857, %broadcast_in_dim3A_860, %broadcast_in_dim3A_861 : vector<16xi1>, vector<16xi32>
      %reduce_sum3A_863 = arith.constant true
      %reduce_sum3A_864 = vector.broadcast %reduce_sum3A_863 : i1 to vector<16xi1>
      %reduce_sum3A_865 = tpu.scan <sum>, %select_n3A_862 masked %reduce_sum3A_864 : vector<16xi32>, vector<16xi1> -> vector<16xi32>
      %reduce_sum3A_866 = vector.extract %reduce_sum3A_865[15] : i32 from vector<16xi32>
      %eq3A_867 = vector.broadcast %reduce_sum3A_866 : i32 to vector<16xi32>
      %eq3A_868 = arith.cmpi eq, %iota3A, %eq3A_867 : vector<16xi32>
      %sub3A_869 = arith.subi %masked_cumsum3A_855, %add3A_850 : vector<16xi32>
      %jit3A_870 = arith.constant 0 : i32
      %broadcast_in_dim3A_871 = vector.broadcast %jit3A_870 : i32 to vector<16xi32>
      %select_n3A_872 = arith.select %eq3A_868, %sub3A_869, %broadcast_in_dim3A_871 : vector<16xi1>, vector<16xi32>
      %reduce_sum3A_873 = arith.constant true
      %reduce_sum3A_874 = vector.broadcast %reduce_sum3A_873 : i1 to vector<16xi1>
      %reduce_sum3A_875 = tpu.scan <sum>, %select_n3A_872 masked %reduce_sum3A_874 : vector<16xi32>, vector<16xi1> -> vector<16xi32>
      %reduce_sum3A_876 = vector.extract %reduce_sum3A_875[15] : i32 from vector<16xi32>
      %add3A_877 = arith.addi %add3A_749, %reduce_sum3A_876 : i32
      %sub3A_878 = arith.subi %sub3A_750, %reduce_sum3A_876 : i32
      %mul3A_879 = arith.constant 16 : i32
      %mul3A_880 = arith.muli %add3A_753, %mul3A_879 : i32
      %add3A_881 = arith.addi %mul3A_880, %reduce_sum3A_866 : i32
      %parallel_loop3A_882 = arith.constant 0 : i32
      %parallel_loop3A_883 = arith.constant 1 : i32
      %parallel_loop3A_884 = scf.for %parallel_loop3A_1068 = %parallel_loop3A_882 to %shift_right_arithmetic3A_770 step %parallel_loop3A_883 iter_args(%parallel_loop3A_1069 = %broadcast_in_dim3A_7) -> (vector<16xi32>)  : i32 {
        %parallel_loop3A_1070 = arith.constant 16 : i32
        %parallel_loop3A_1071 = arith.muli %parallel_loop3A_1068, %parallel_loop3A_1070 : i32
        %parallel_loop3A_1072 = arith.index_cast %parallel_loop3A_1071 : i32 to index
        %parallel_loop3A_1073 = tpu.vector_load %arg6[%parallel_loop3A_1072] {strides = array<i32>} : memref<8224xi32, #tpu.memory_space<vmem>>, vector<16xi32>,
        %parallel_loop3A_1074 = tpu.bitcast %parallel_loop3A_1073 : vector<16xi32> -> vector<16xi32>
        %parallel_loop3A_1075 = vector.broadcast %add3A_881 : i32 to vector<16xi32>
        %parallel_loop3A_1076 = arith.cmpi ult, %parallel_loop3A_1074, %parallel_loop3A_1075 : vector<16xi32>
        %parallel_loop3A_1077 = arith.constant 1 : i32
        %parallel_loop3A_1078 = arith.constant 0 : i32
        %parallel_loop3A_1079 = vector.broadcast %parallel_loop3A_1077 : i32 to vector<16xi32>
        %parallel_loop3A_1080 = vector.broadcast %parallel_loop3A_1078 : i32 to vector<16xi32>
        %parallel_loop3A_1081 = arith.select %parallel_loop3A_1076, %parallel_loop3A_1079, %parallel_loop3A_1080 : vector<16xi1>, vector<16xi32>
        %parallel_loop3A_1082 = arith.constant true
        %parallel_loop3A_1083 = vector.broadcast %parallel_loop3A_1082 : i1 to vector<16xi1>
        %parallel_loop3A_1084 = tpu.scan <sum>, %parallel_loop3A_1081 masked %parallel_loop3A_1083 : vector<16xi32>, vector<16xi1> -> vector<16xi32>
        %parallel_loop3A_1085 = arith.subi %parallel_loop3A_1084, %parallel_loop3A_1081 : vector<16xi32>
        %parallel_loop3A_1086 = arith.addi %parallel_loop3A_1069, %parallel_loop3A_1085 : vector<16xi32>
        %parallel_loop3A_1087 = arith.constant 64 : i32
        %parallel_loop3A_1088 = vector.broadcast %parallel_loop3A_1087 : i32 to vector<16xi32>
        %parallel_loop3A_1089 = arith.addi %parallel_loop3A_1088, %iota3A : vector<16xi32>
        %parallel_loop3A_1090 = arith.select %parallel_loop3A_1076, %parallel_loop3A_1086, %parallel_loop3A_1089 : vector<16xi1>, vector<16xi32>
        %parallel_loop3A_1091 = tpu.bitcast %parallel_loop3A_1074 : vector<16xi32> -> vector<16xi32>
        tpu.vector_store_idx %arg10[%parallel_loop3A_1090], %parallel_loop3A_1091 : memref<96xi32, #tpu.memory_space<vmem>>[vector<16xi32>], vector<16xi32>,
        %parallel_loop3A_1092 = tpu.all_reduce %parallel_loop3A_1076 {dim = 0 : i64, kind = #tpu.reduction_kind<sum>} : vector<16xi1> -> vector<16xi32>
        %parallel_loop3A_1093 = arith.addi %parallel_loop3A_1069, %parallel_loop3A_1092 : vector<16xi32>
        scf.yield %parallel_loop3A_1093 : vector<16xi32>
      } {sc.loop_unroll_factor = 1 : i64, sc.parallel_access}
      %reduce_max3A_885 = arith.constant true
      %reduce_max3A_886 = vector.broadcast %reduce_max3A_885 : i1 to vector<16xi1>
      %reduce_max3A_887 = arith.constant -2147483648 : i32
      %reduce_max3A_888 = vector.broadcast %reduce_max3A_887 : i32 to vector<16xi32>
      %reduce_max3A_889 = arith.xori %parallel_loop3A_884, %reduce_max3A_888 : vector<16xi32>
      %reduce_max3A_890 = tpu.scan <max>, %reduce_max3A_889 masked %reduce_max3A_886 : vector<16xi32>, vector<16xi1> -> vector<16xi32>
      %reduce_max3A_891 = arith.xori %reduce_max3A_890, %reduce_max3A_888 : vector<16xi32>
      %reduce_max3A_892 = vector.extract %reduce_max3A_891[15] : i32 from vector<16xi32>
      %broadcast_in_dim3A_893 = vector.broadcast %reduce_max3A_892 : i32 to vector<16xi32>
      %add3A_894 = arith.addi %broadcast_in_dim3A_893, %iota3A : vector<16xi32>
      tpu.vector_store_idx %arg10[%add3A_894], %broadcast_in_dim3A_11 : memref<96xi32, #tpu.memory_space<vmem>>[vector<16xi32>], vector<16xi32>,
      %broadcast_in_dim3A_895 = vector.broadcast %add3A_881 : i32 to vector<16xi32>
      %get3A_896 = arith.constant 0 : index
      %get3A_897 = tpu.vector_load %arg10[%get3A_896] {strides = array<i32>} : memref<96xi32, #tpu.memory_space<vmem>>, vector<16xi32>,
      %bitcast_convert_type3A_898 = tpu.bitcast %get3A_897 : vector<16xi32> -> vector<16xi32>
      %add3A_899 = arith.constant 0 : i32
      %add3A_900 = vector.broadcast %add3A_899 : i32 to vector<16xi32>
      %add3A_901 = arith.addi %iota3A, %add3A_900 : vector<16xi32>
      %broadcast_in_dim3A_902 = vector.broadcast %reduce_max3A_892 : i32 to vector<16xi32>
      %lt3A = arith.cmpi slt, %add3A_901, %broadcast_in_dim3A_902 : vector<16xi32>
      %select_n3A_903 = arith.select %lt3A, %bitcast_convert_type3A_898, %broadcast_in_dim3A_895 : vector<16xi1>, vector<16xi32>
      %get3A_904 = arith.constant 16 : index
      %get3A_905 = tpu.vector_load %arg10[%get3A_904] {strides = array<i32>} : memref<96xi32, #tpu.memory_space<vmem>>, vector<16xi32>,
      %bitcast_convert_type3A_906 = tpu.bitcast %get3A_905 : vector<16xi32> -> vector<16xi32>
      %add3A_907 = arith.constant 16 : i32
      %add3A_908 = vector.broadcast %add3A_907 : i32 to vector<16xi32>
      %add3A_909 = arith.addi %iota3A, %add3A_908 : vector<16xi32>
      %broadcast_in_dim3A_910 = vector.broadcast %reduce_max3A_892 : i32 to vector<16xi32>
      %lt3A_911 = arith.cmpi slt, %add3A_909, %broadcast_in_dim3A_910 : vector<16xi32>
      %select_n3A_912 = arith.select %lt3A_911, %bitcast_convert_type3A_906, %broadcast_in_dim3A_895 : vector<16xi1>, vector<16xi32>
      %get3A_913 = arith.constant 32 : index
      %get3A_914 = tpu.vector_load %arg10[%get3A_913] {strides = array<i32>} : memref<96xi32, #tpu.memory_space<vmem>>, vector<16xi32>,
      %bitcast_convert_type3A_915 = tpu.bitcast %get3A_914 : vector<16xi32> -> vector<16xi32>
      %add3A_916 = arith.constant 32 : i32
      %add3A_917 = vector.broadcast %add3A_916 : i32 to vector<16xi32>
      %add3A_918 = arith.addi %iota3A, %add3A_917 : vector<16xi32>
      %broadcast_in_dim3A_919 = vector.broadcast %reduce_max3A_892 : i32 to vector<16xi32>
      %lt3A_920 = arith.cmpi slt, %add3A_918, %broadcast_in_dim3A_919 : vector<16xi32>
      %select_n3A_921 = arith.select %lt3A_920, %bitcast_convert_type3A_915, %broadcast_in_dim3A_895 : vector<16xi1>, vector<16xi32>
      %get3A_922 = arith.constant 48 : index
      %get3A_923 = tpu.vector_load %arg10[%get3A_922] {strides = array<i32>} : memref<96xi32, #tpu.memory_space<vmem>>, vector<16xi32>,
      %bitcast_convert_type3A_924 = tpu.bitcast %get3A_923 : vector<16xi32> -> vector<16xi32>
      %add3A_925 = arith.constant 48 : i32
      %add3A_926 = vector.broadcast %add3A_925 : i32 to vector<16xi32>
      %add3A_927 = arith.addi %iota3A, %add3A_926 : vector<16xi32>
      %broadcast_in_dim3A_928 = vector.broadcast %reduce_max3A_892 : i32 to vector<16xi32>
      %lt3A_929 = arith.cmpi slt, %add3A_927, %broadcast_in_dim3A_928 : vector<16xi32>
      %select_n3A_930 = arith.select %lt3A_929, %bitcast_convert_type3A_924, %broadcast_in_dim3A_895 : vector<16xi1>, vector<16xi32>
      %sort3A = arith.constant dense<true> : vector<16xi1>
      %sort3A_931, %sort3A_932, %sort3A_933 = tpu.sort %select_n3A_903, %select_n3A_903 masked %sort3A : (vector<16xi32>, vector<16xi32>, vector<16xi1>) -> (vector<16xi1>, vector<16xi32>, vector<16xi32>)
      %sort3A_934 = arith.constant dense<true> : vector<16xi1>
      %sort3A_935, %sort3A_936, %sort3A_937 = tpu.sort %select_n3A_912, %select_n3A_912 masked %sort3A_934 : (vector<16xi32>, vector<16xi32>, vector<16xi1>) -> (vector<16xi1>, vector<16xi32>, vector<16xi32>)
      %sort3A_938 = arith.constant dense<true> : vector<16xi1>
      %sort3A_939, %sort3A_940, %sort3A_941 = tpu.sort %select_n3A_921, %select_n3A_921 masked %sort3A_938 : (vector<16xi32>, vector<16xi32>, vector<16xi1>) -> (vector<16xi1>, vector<16xi32>, vector<16xi32>)
      %sort3A_942 = arith.constant dense<true> : vector<16xi1>
      %sort3A_943, %sort3A_944, %sort3A_945 = tpu.sort %select_n3A_930, %select_n3A_930 masked %sort3A_942 : (vector<16xi32>, vector<16xi32>, vector<16xi1>) -> (vector<16xi1>, vector<16xi32>, vector<16xi32>)
      %rev3A = arith.constant 15 : i32
      %rev3A_946 = vector.broadcast %rev3A : i32 to vector<16xi32>
      %rev3A_947 = tpu.iota {dimensions = array<i32: 0>} : vector<16xi32>
      %rev3A_948 = arith.subi %rev3A_946, %rev3A_947 : vector<16xi32>
      %rev3A_949 = tpu.dynamic_gather %sort3A_936[%rev3A_948] in [0] : vector<16xi32>, vector<16xi32> -> vector<16xi32>
      %min3A = arith.minui %sort3A_932, %rev3A_949 : vector<16xi32>
      %sort3A_950 = arith.constant dense<true> : vector<16xi1>
      %sort3A_951, %sort3A_952, %sort3A_953 = tpu.sort %min3A, %min3A masked %sort3A_950 : (vector<16xi32>, vector<16xi32>, vector<16xi1>) -> (vector<16xi1>, vector<16xi32>, vector<16xi32>)
      %max3A = arith.maxui %sort3A_932, %rev3A_949 : vector<16xi32>
      %sort3A_954 = arith.constant dense<true> : vector<16xi1>
      %sort3A_955, %sort3A_956, %sort3A_957 = tpu.sort %max3A, %max3A masked %sort3A_954 : (vector<16xi32>, vector<16xi32>, vector<16xi1>) -> (vector<16xi1>, vector<16xi32>, vector<16xi32>)
      %rev3A_958 = arith.constant 15 : i32
      %rev3A_959 = vector.broadcast %rev3A_958 : i32 to vector<16xi32>
      %rev3A_960 = tpu.iota {dimensions = array<i32: 0>} : vector<16xi32>
      %rev3A_961 = arith.subi %rev3A_959, %rev3A_960 : vector<16xi32>
      %rev3A_962 = tpu.dynamic_gather %sort3A_944[%rev3A_961] in [0] : vector<16xi32>, vector<16xi32> -> vector<16xi32>
      %min3A_963 = arith.minui %sort3A_940, %rev3A_962 : vector<16xi32>
      %sort3A_964 = arith.constant dense<true> : vector<16xi1>
      %sort3A_965, %sort3A_966, %sort3A_967 = tpu.sort %min3A_963, %min3A_963 masked %sort3A_964 : (vector<16xi32>, vector<16xi32>, vector<16xi1>) -> (vector<16xi1>, vector<16xi32>, vector<16xi32>)
      %max3A_968 = arith.maxui %sort3A_940, %rev3A_962 : vector<16xi32>
      %sort3A_969 = arith.constant dense<true> : vector<16xi1>
      %sort3A_970, %sort3A_971, %sort3A_972 = tpu.sort %max3A_968, %max3A_968 masked %sort3A_969 : (vector<16xi32>, vector<16xi32>, vector<16xi1>) -> (vector<16xi1>, vector<16xi32>, vector<16xi32>)
      %rev3A_973 = arith.constant 15 : i32
      %rev3A_974 = vector.broadcast %rev3A_973 : i32 to vector<16xi32>
      %rev3A_975 = tpu.iota {dimensions = array<i32: 0>} : vector<16xi32>
      %rev3A_976 = arith.subi %rev3A_974, %rev3A_975 : vector<16xi32>
      %rev3A_977 = tpu.dynamic_gather %sort3A_971[%rev3A_976] in [0] : vector<16xi32>, vector<16xi32> -> vector<16xi32>
      %rev3A_978 = arith.constant 15 : i32
      %rev3A_979 = vector.broadcast %rev3A_978 : i32 to vector<16xi32>
      %rev3A_980 = tpu.iota {dimensions = array<i32: 0>} : vector<16xi32>
      %rev3A_981 = arith.subi %rev3A_979, %rev3A_980 : vector<16xi32>
      %rev3A_982 = tpu.dynamic_gather %sort3A_966[%rev3A_981] in [0] : vector<16xi32>, vector<16xi32> -> vector<16xi32>
      %min3A_983 = arith.minui %sort3A_952, %rev3A_977 : vector<16xi32>
      %min3A_984 = arith.minui %sort3A_956, %rev3A_982 : vector<16xi32>
      %max3A_985 = arith.maxui %sort3A_952, %rev3A_977 : vector<16xi32>
      %max3A_986 = arith.maxui %sort3A_956, %rev3A_982 : vector<16xi32>
      %min3A_987 = arith.minui %min3A_983, %min3A_984 : vector<16xi32>
      %sort3A_988 = arith.constant dense<true> : vector<16xi1>
      %sort3A_989, %sort3A_990, %sort3A_991 = tpu.sort %min3A_987, %min3A_987 masked %sort3A_988 : (vector<16xi32>, vector<16xi32>, vector<16xi1>) -> (vector<16xi1>, vector<16xi32>, vector<16xi32>)
      %max3A_992 = arith.maxui %min3A_983, %min3A_984 : vector<16xi32>
      %sort3A_993 = arith.constant dense<true> : vector<16xi1>
      %sort3A_994, %sort3A_995, %sort3A_996 = tpu.sort %max3A_992, %max3A_992 masked %sort3A_993 : (vector<16xi32>, vector<16xi32>, vector<16xi1>) -> (vector<16xi1>, vector<16xi32>, vector<16xi32>)
      %min3A_997 = arith.minui %max3A_985, %max3A_986 : vector<16xi32>
      %sort3A_998 = arith.constant dense<true> : vector<16xi1>
      %sort3A_999, %sort3A_1000, %sort3A_1001 = tpu.sort %min3A_997, %min3A_997 masked %sort3A_998 : (vector<16xi32>, vector<16xi32>, vector<16xi1>) -> (vector<16xi1>, vector<16xi32>, vector<16xi32>)
      %max3A_1002 = arith.maxui %max3A_985, %max3A_986 : vector<16xi32>
      %sort3A_1003 = arith.constant dense<true> : vector<16xi1>
      %sort3A_1004, %sort3A_1005, %sort3A_1006 = tpu.sort %max3A_1002, %max3A_1002 masked %sort3A_1003 : (vector<16xi32>, vector<16xi32>, vector<16xi1>) -> (vector<16xi1>, vector<16xi32>, vector<16xi32>)
      %bitcast_convert_type3A_1007 = tpu.bitcast %sort3A_990 : vector<16xi32> -> vector<16xi32>
      %shift_right_arithmetic3A_1008 = arith.constant 31 : i32
      %shift_right_arithmetic3A_1009 = vector.broadcast %shift_right_arithmetic3A_1008 : i32 to vector<16xi32>
      %shift_right_arithmetic3A_1010 = arith.shrsi %bitcast_convert_type3A_1007, %shift_right_arithmetic3A_1009 : vector<16xi32>
      %not3A_1011 = arith.constant dense<-1> : vector<16xi32>
      %not3A_1012 = arith.xori %shift_right_arithmetic3A_1010, %not3A_1011 : vector<16xi32>
      %and3A_1013 = arith.constant 2147483647 : i32
      %and3A_1014 = vector.broadcast %and3A_1013 : i32 to vector<16xi32>
      %and3A_1015 = arith.andi %not3A_1012, %and3A_1014 : vector<16xi32>
      %xor3A_1016 = arith.xori %bitcast_convert_type3A_1007, %and3A_1015 : vector<16xi32>
      %bitcast_convert_type3A_1017 = tpu.bitcast %xor3A_1016 : vector<16xi32> -> vector<16xf32>
      %swap3A_1018 = arith.constant 0 : i32
      %swap3A_1019 = arith.index_cast %swap3A_1018 : i32 to index
      %swap3A_1020 = arith.constant 0 : index
      %swap3A_1021 = tpu.vector_load %arg11[%swap3A_1019, %swap3A_1020] {strides = array<i32>} : memref<1x64xf32, #tpu.memory_space<vmem>>, vector<16xf32>,
      tpu.vector_store %arg11[%swap3A_1019, %swap3A_1020], %bitcast_convert_type3A_1017 {strides = array<i32>} : memref<1x64xf32, #tpu.memory_space<vmem>>, vector<16xf32>,
      %bitcast_convert_type3A_1022 = tpu.bitcast %sort3A_995 : vector<16xi32> -> vector<16xi32>
      %shift_right_arithmetic3A_1023 = arith.constant 31 : i32
      %shift_right_arithmetic3A_1024 = vector.broadcast %shift_right_arithmetic3A_1023 : i32 to vector<16xi32>
      %shift_right_arithmetic3A_1025 = arith.shrsi %bitcast_convert_type3A_1022, %shift_right_arithmetic3A_1024 : vector<16xi32>
      %not3A_1026 = arith.constant dense<-1> : vector<16xi32>
      %not3A_1027 = arith.xori %shift_right_arithmetic3A_1025, %not3A_1026 : vector<16xi32>
      %and3A_1028 = arith.constant 2147483647 : i32
      %and3A_1029 = vector.broadcast %and3A_1028 : i32 to vector<16xi32>
      %and3A_1030 = arith.andi %not3A_1027, %and3A_1029 : vector<16xi32>
      %xor3A_1031 = arith.xori %bitcast_convert_type3A_1022, %and3A_1030 : vector<16xi32>
      %bitcast_convert_type3A_1032 = tpu.bitcast %xor3A_1031 : vector<16xi32> -> vector<16xf32>
      %swap3A_1033 = arith.constant 0 : i32
      %swap3A_1034 = arith.index_cast %swap3A_1033 : i32 to index
      %swap3A_1035 = arith.constant 16 : index
      %swap3A_1036 = tpu.vector_load %arg11[%swap3A_1034, %swap3A_1035] {strides = array<i32>} : memref<1x64xf32, #tpu.memory_space<vmem>>, vector<16xf32>,
      tpu.vector_store %arg11[%swap3A_1034, %swap3A_1035], %bitcast_convert_type3A_1032 {strides = array<i32>} : memref<1x64xf32, #tpu.memory_space<vmem>>, vector<16xf32>,
      %bitcast_convert_type3A_1037 = tpu.bitcast %sort3A_1000 : vector<16xi32> -> vector<16xi32>
      %shift_right_arithmetic3A_1038 = arith.constant 31 : i32
      %shift_right_arithmetic3A_1039 = vector.broadcast %shift_right_arithmetic3A_1038 : i32 to vector<16xi32>
      %shift_right_arithmetic3A_1040 = arith.shrsi %bitcast_convert_type3A_1037, %shift_right_arithmetic3A_1039 : vector<16xi32>
      %not3A_1041 = arith.constant dense<-1> : vector<16xi32>
      %not3A_1042 = arith.xori %shift_right_arithmetic3A_1040, %not3A_1041 : vector<16xi32>
      %and3A_1043 = arith.constant 2147483647 : i32
      %and3A_1044 = vector.broadcast %and3A_1043 : i32 to vector<16xi32>
      %and3A_1045 = arith.andi %not3A_1042, %and3A_1044 : vector<16xi32>
      %xor3A_1046 = arith.xori %bitcast_convert_type3A_1037, %and3A_1045 : vector<16xi32>
      %bitcast_convert_type3A_1047 = tpu.bitcast %xor3A_1046 : vector<16xi32> -> vector<16xf32>
      %swap3A_1048 = arith.constant 0 : i32
      %swap3A_1049 = arith.index_cast %swap3A_1048 : i32 to index
      %swap3A_1050 = arith.constant 32 : index
      %swap3A_1051 = tpu.vector_load %arg11[%swap3A_1049, %swap3A_1050] {strides = array<i32>} : memref<1x64xf32, #tpu.memory_space<vmem>>, vector<16xf32>,
      tpu.vector_store %arg11[%swap3A_1049, %swap3A_1050], %bitcast_convert_type3A_1047 {strides = array<i32>} : memref<1x64xf32, #tpu.memory_space<vmem>>, vector<16xf32>,
      %bitcast_convert_type3A_1052 = tpu.bitcast %sort3A_1005 : vector<16xi32> -> vector<16xi32>
      %shift_right_arithmetic3A_1053 = arith.constant 31 : i32
      %shift_right_arithmetic3A_1054 = vector.broadcast %shift_right_arithmetic3A_1053 : i32 to vector<16xi32>
      %shift_right_arithmetic3A_1055 = arith.shrsi %bitcast_convert_type3A_1052, %shift_right_arithmetic3A_1054 : vector<16xi32>
      %not3A_1056 = arith.constant dense<-1> : vector<16xi32>
      %not3A_1057 = arith.xori %shift_right_arithmetic3A_1055, %not3A_1056 : vector<16xi32>
      %and3A_1058 = arith.constant 2147483647 : i32
      %and3A_1059 = vector.broadcast %and3A_1058 : i32 to vector<16xi32>
      %and3A_1060 = arith.andi %not3A_1057, %and3A_1059 : vector<16xi32>
      %xor3A_1061 = arith.xori %bitcast_convert_type3A_1052, %and3A_1060 : vector<16xi32>
      %bitcast_convert_type3A_1062 = tpu.bitcast %xor3A_1061 : vector<16xi32> -> vector<16xf32>
      %swap3A_1063 = arith.constant 0 : i32
      %swap3A_1064 = arith.index_cast %swap3A_1063 : i32 to index
      %swap3A_1065 = arith.constant 48 : index
      %swap3A_1066 = tpu.vector_load %arg11[%swap3A_1064, %swap3A_1065] {strides = array<i32>} : memref<1x64xf32, #tpu.memory_space<vmem>>, vector<16xf32>,
      tpu.vector_store %arg11[%swap3A_1064, %swap3A_1065], %bitcast_convert_type3A_1062 {strides = array<i32>} : memref<1x64xf32, #tpu.memory_space<vmem>>, vector<16xf32>,
      "tpu.region"() ({
        %run_scoped3A = tpu.sem_alloc : memref<!tpu.dma_semaphore, #tpu.memory_space<semaphore_mem>>
        %dma_start3A_1068 = arith.constant 0 : i32
        %dma_start3A_1069 = tpu.memref_slice %arg3[%add3A_85, %dma_start3A_1068] : memref<64x64xf32, #tpu.memory_space<hbm>> -> memref<1x64xf32, #tpu.memory_space<hbm>>
        %dma_start3A_1070 = arith.constant 0 : i32
        %dma_start3A_1071 = tpu.memref_slice %arg3[%add3A_85, %dma_start3A_1070] : memref<64x64xf32, #tpu.memory_space<hbm>> -> memref<1x64xf32, #tpu.memory_space<hbm>>
        tpu.enqueue_dma source(%arg11 : memref<1x64xf32, #tpu.memory_space<vmem>>) target(%dma_start3A_1071 : memref<1x64xf32, #tpu.memory_space<hbm>>) target_semaphore(%run_scoped3A : memref<!tpu.dma_semaphore, #tpu.memory_space<semaphore_mem>>)
        %dma_wait3A_1072 = arith.constant 0 : i32
        %dma_wait3A_1073 = tpu.memref_slice %arg3[%add3A_85, %dma_wait3A_1072] : memref<64x64xf32, #tpu.memory_space<hbm>> -> memref<1x64xf32, #tpu.memory_space<hbm>>
        %dma_wait3A_1074 = arith.constant 0 : i32
        %dma_wait3A_1075 = tpu.memref_slice %arg3[%add3A_85, %dma_wait3A_1074] : memref<64x64xf32, #tpu.memory_space<hbm>> -> memref<1x64xf32, #tpu.memory_space<hbm>>
        tpu.wait_dma2 semaphore(%run_scoped3A : memref<!tpu.dma_semaphore, #tpu.memory_space<semaphore_mem>>) src(%arg11 : memref<1x64xf32, #tpu.memory_space<vmem>>) dst(%dma_wait3A_1075 : memref<1x64xf32, #tpu.memory_space<hbm>>)
        tpu.yield
      }) : () -> ()
      %scan3A_1067 = arith.constant 0 : i32
      scf.yield %scan3A_1067 : i32
    }
    %scan3A_82 = arith.constant 2 : i32
    return
  }
}

</mosaic_0001>

<sc_bundles>
// kernel: kernel.3.cloned.1.call-start
scs
__scs_entry_jumppad:
0x0: {  	(pc) =	sbr.rel $0x88, $3  }
0x1: {  	(tag) =	ssettag $0x0;
	lr =	simm.s32 $0x1  }
0x2: {  	[smem:$0x3FA0] =	sst lr;
	_ =	strace $0xD0000000  }
0x3: {  	_ = 	snop  }
0x4: {  	_ = 	snop  }
0x5: {  	_ = 	snop  }
0x6: {  	_ = 	snop  }
0x7: {  	_ = 	snop  }
__scs_overlays_trampoline_lowered:
0x8: {  	[smem:$0x3FAF] =	sst s0  }
0x9: {  	[smem:$0x3FB0] =	sst s1  }
0xa: {  	[smem:$0x3FB1] =	sst s2  }
0xb: {  	[smem:$0x3FB2] =	sst s3  }
0xc: {  	[smem:$0x3FB3] =	sst s4  }
0xd: {  	[smem:$0x3FB4] =	sst s5  }
0xe: {  	[smem:$0x3FB5] =	sst s6  }
0xf: {  	[smem:$0x3FB6] =	sst s7  }
0x10: {  	[smem:$0x3FB7] =	sst s8  }
0x11: {  	[smem:$0x3FB8] =	sst s9;
	s0 =	simm.s32 @!p0 $0x0  }
0x12: {  	s1 =	sld [smem:$0x3F9E];
	s0 =	simm.s32 @p0 $0x1  }
0x13: {  	[smem:$0x3FB9] =	sst s0;
	s0 =	simm.s32 @!p1 $0x0  }
0x14: {  	s2 =	sld [smem:$0x3F9D];
	s0 =	simm.s32 @p1 $0x1  }
0x15: {  	[smem:$0x3FBA] =	sst s0;
	s0 =	simm.s32 @!p2 $0x0  }
0x16: {  	s3 =	sld [smem:$0x3FDB];
	s0 =	simm.s32 @p2 $0x1  }
0x17: {  	s4 =	simm.s32 $0x1BF5;
	[smem:$0x3FBC] =	sst s0  }
0x18: {  	s0 =	sld [smem:$0x3F9F];
	_ =	swait.ge [sflag:s4], $0x0  }
0x19: {  	s7 =	sld [smem:$0x3FA0]  }
0x1a: {  	s8 =	sadd.s32 $0xFFFFE003, lr  }
0x1b: {  	s9 =	sadd.s32 $0xFFFFFEF7, lr;
	s5 =	simm.s32 $0xFFFFFFFF;
	p2 =	slt.u32 s8, $0xFFFFF086  }
0x1c: {  	p1 =	slt.u32 s9, $0xF7A;
	s5 =	simm.s32 @!p2 $0x0  }
0x1d: {  	s5 =	simm.s32 @p1 $0x1;
	p0 =	seq.s32 s7, s2  }
0x1e: {  	s7 =	smul.u32 @!p0 $0xF7A, s2;
	p2 =	seq.s32 @!p0 s5, $0x0  }
0x1f: {  	s9 =	smul.u32 $0xF7A, s1;
	s8 =	simm.s32 @!p0 $0x1BF5;
	p2 =	por !p2, p0  }
0x20: {  	[sflag:s8] =	ssyncset.s32 @!p0 $0xFFFFF086;
	s6 =	sadd.s32 @!p0 s3, s7;
	s7 =	simm.s32 @!p0 $0x108  }
0x21: {  	s3 =	sadd.s32 s3, s9;
	s6 =	sadd.s32 @!p0 $0x88, s6;
	s7 =	simm.s32 @p2 $0x1082  }
0x22: {  	[simem:s7], [sflag:s8] =	dma.local @!p0 [hbm:s6], $0xF7A  }
0x23: {  	s9 =	sor.u32 $0xD0000000, s2;
	s6 =	simm.s32 $0x108;
	_ =	swait.ge @!p0 [sflag:s8], $0x0  }
0x24: {  	s3 =	sadd.s32 $0x88, s3;
	s6 =	simm.s32 @!p1 $0x1082;
	[sflag:s4] =	ssyncset.s32 $0xFFFFF086  }
0x25: {  	[simem:s6], [sflag:s4] =	dma.local [hbm:s3], $0xF7A  }
0x26: {  	[smem:$0x3FA0] =	sst s1;
	(tag) =	ssettag s2;
	_ =	strace s9  }
0x27: {  	s1 =	sld [smem:$0x3FB0]  }
0x28: {  	s2 =	sld [smem:$0x3FB1]  }
0x29: {  	s4 =	sld [smem:$0x3FB3]  }
0x2a: {  	p0 =	seq.s32 s5, $0x0;
	s5 =	sld [smem:$0x3FB4]  }
0x2b: {  	s6 =	sld [smem:$0x3FB5]  }
0x2c: {  	s7 =	sld [smem:$0x3FB6]  }
0x2d: {  	s3 =	simm.s32 $0x108;
	s8 =	sld [smem:$0x3FB7]  }
0x2e: {  	s3 =	simm.s32 @!p0 $0x1082;
	s9 =	sld [smem:$0x3FB8]  }
0x2f: {  	lr =	sadd.s32 s0, s3;
	s0 =	sld [smem:$0x3FAF]  }
0x30: {  	s3 =	sld [smem:$0x3FB2]  }
0x31: {  	[smem:$0x3FBB] =	sst s10  }
0x32: {  	s10 =	sld [smem:$0x3FB9];
	_ =	sdelay $0x3  }
0x33: {  	p0 =	seq.s32 s10, $0x1;
	s10 =	sld [smem:$0x3FBB];
	_ =	sdelay $0x3  }
0x34: {  	[smem:$0x3FBB] =	sst s10  }
0x35: {  	s10 =	sld [smem:$0x3FBA];
	_ =	sdelay $0x3  }
0x36: {  	p1 =	seq.s32 s10, $0x1;
	s10 =	sld [smem:$0x3FBB];
	_ =	sdelay $0x3  }
0x37: {  	[smem:$0x3FBB] =	sst s10  }
0x38: {  	s10 =	sld [smem:$0x3FBC]  }
0x39: {  	_ = 	snop;
	(pc) =	sbr.ind lr, $3  }
0x3a: {  	_ = 	snop  }
0x3b: {  	_ = 	snop  }
0x3c: {  	p2 =	seq.s32 s10, $0x1;
	s10 =	sld [smem:$0x3FBB]  }
0x3d: {  	_ =	shalt  }
0x3e: {  	_ =	shalt  }
0x3f: {  	_ =	shalt  }
0x40: {  	_ =	shalt  }
0x41: {  	_ =	shalt  }
0x42: {  	_ =	shalt  }
0x43: {  	_ =	shalt  }
0x44: {  	_ =	shalt  }
0x45: {  	_ =	shalt  }
0x46: {  	_ =	shalt  }
0x47: {  	_ =	shalt  }
0x48: {  	_ =	shalt  }
0x49: {  	_ =	shalt  }
0x4a: {  	_ =	shalt  }
0x4b: {  	_ =	shalt  }
0x4c: {  	_ =	shalt  }
0x4d: {  	_ =	shalt  }
0x4e: {  	_ =	shalt  }
0x4f: {  	_ =	shalt  }
0x50: {  	_ =	shalt  }
0x51: {  	_ =	shalt  }
0x52: {  	_ =	shalt  }
0x53: {  	_ =	shalt  }
0x54: {  	_ =	shalt  }
0x55: {  	_ =	shalt  }
0x56: {  	_ =	shalt  }
0x57: {  	_ =	shalt  }
0x58: {  	_ =	shalt  }
0x59: {  	_ =	shalt  }
0x5a: {  	_ =	shalt  }
0x5b: {  	_ =	shalt  }
0x5c: {  	_ =	shalt  }
0x5d: {  	_ =	shalt  }
0x5e: {  	_ =	shalt  }
0x5f: {  	_ =	shalt  }
0x60: {  	_ =	shalt  }
0x61: {  	_ =	shalt  }
0x62: {  	_ =	shalt  }
0x63: {  	_ =	shalt  }
0x64: {  	_ =	shalt  }
0x65: {  	_ =	shalt  }
0x66: {  	_ =	shalt  }
0x67: {  	_ =	shalt  }
0x68: {  	_ =	shalt  }
0x69: {  	_ =	shalt  }
0x6a: {  	_ =	shalt  }
0x6b: {  	_ =	shalt  }
0x6c: {  	_ =	shalt  }
0x6d: {  	_ =	shalt  }
0x6e: {  	_ =	shalt  }
0x6f: {  	_ =	shalt  }
0x70: {  	_ =	shalt  }
0x71: {  	_ =	shalt  }
0x72: {  	_ =	shalt  }
0x73: {  	_ =	shalt  }
0x74: {  	_ =	shalt  }
0x75: {  	_ =	shalt  }
0x76: {  	_ =	shalt  }
0x77: {  	_ =	shalt  }
0x78: {  	_ =	shalt  }
0x79: {  	_ =	shalt  }
0x7a: {  	_ =	shalt  }
0x7b: {  	_ =	shalt  }
0x7c: {  	_ =	shalt  }
0x7d: {  	_ =	shalt  }
0x7e: {  	_ =	shalt  }
0x7f: {  	_ =	shalt  }
0x80: {  	_ =	shalt  }
0x81: {  	_ =	shalt  }
0x82: {  	_ =	shalt  }
0x83: {  	_ =	shalt  }
0x84: {  	_ =	shalt  }
0x85: {  	_ =	shalt  }
0x86: {  	_ =	shalt  }
0x87: {  	_ =	shalt  }
.Lfunc_end0:
.L_simem_size_0:
called_computation_lowered:
.L_overlay_start_0:
0x88: {  	s2 =	sld [smem:$0x3FD9]  }
0x89: {  	s3 =	sld [smem:$0x3FFE];
	_ =	sdelay $0x1  }
0x8a: {  	s1 =	srdreg.scid  }
0x8b: {  	s0 =	sand.u32 $0x1, s1  }
0x8c: {  	s18 =	sshll.u32 s0, $0xA;
	s2 =	sadd.s32 s3, s2  }
0x8d: {  	s2 =	sadd.s32 s2, s18  }
0x8e: {  	[smem:$0x3FC7] =	sst s2  }
0x8f: {  	_ = 	snop  }
0x90: {  	s2 =	sld [smem:$0x3FC9]  }
0x91: {  	s19 =	sld [smem:$0x3FD0];
	(tm) =	ssettm $0x1  }
0x92: {  	s4 =	sld [smem:$0x3FFB];
	_ =	sdelay $0x3  }
0x93: {  	_ =	strace s4  }
0x94: {  	s4 =	sld [smem:$0x3FFC];
	_ =	sdelay $0x3  }
0x95: {  	_ =	strace s4  }
0x96: {  	s4 =	sld [smem:$0x3FFD];
	_ =	sdelay $0x3  }
0x97: {  	_ =	strace s4  }
0x98: {  	_ =	strace $0x8FFFFFFF  }
0x99: {  	s20 =	sld [smem:$0x3FDB];
	_ =	sdelay $0x1  }
0x9a: {  	s5 =	simm.s32 $_scs_section_size  }
0x9b: {  	s6 =	simm.s32 $_size__tile_overlayer_lowered;
	s7 =	simm.s32 $_tile_overlayer_lowered  }
0x9c: {  	s23 =	simm.s32 $0x1BFF;
	s22 =	sshll.u32 s7, $0x1;
	s4 =	sadd.s32 s5, s20  }
0x9d: {  	s8 =	simm.s32 $0x0;
	s21 =	sshll.u32 s6, $0x1;
	s6 =	sadd.s32 s22, s4  }
0x9e: {  	[timem:s8], [sflag:s23] =	dma.local [hbm:s6], s21  }
0x9f: {  	_ =	swait.ge [sflag:s23], s21  }
0xa0: {  	s5 =	ssub.s32 $0x0, s21;
	[sflag:s23] =	ssyncset.done $0x0  }
0xa1: {  	[sflag:s23] =	ssyncadd.s32 s5;
	_ =	sdelay $0x1  }
0xa2: {  	s24 =	simm.s32 $0x1B8B  }
0xa3: {  	_ =	swait.ge [sflag:s24], $0x1  }
0xa4: {  	[sflag:s24] =	ssyncset.done $0x0  }
0xa5: {  	s25 =	simm.s32 $0x1B8E;
	[sflag:s24] =	ssyncadd.s32 $0xFFFFFFFF  }
0xa6: {  	s26 =	simm.s32 $execute0_lowered;
	[smem:$0x3FD2] =	sst s25  }
0xa7: {  	s5 =	sshll.u32 s26, $0x1;
	_ =	strace $0x80000046;
	[dreg:$0x1] =	wrdreg $0xFFFFFFFF  }
0xa8: {  	s28 =	simm.s32 $_size_execute0_lowered;
	s4 =	sadd.s32 s4, s5;
	[dreg:$0x0] =	wrdreg $0x0  }
0xa9: {  	s5 =	sshll.u32 s28, $0x1;
	[dreg:$0x2] =	wrdreg s4  }
0xaa: {  	[dreg:$0x3] =	wrdreg s5  }
0xab: {  	[dreg:$0x4] =	wrdreg $0xC0  }
0xac: {  	_ =	task [dreg:s8], $0x5FFFF  }
0xad: {  	[dreg:$0x1] =	wrdreg $0xFFFFFFFF  }
0xae: {  	[dreg:$0x0] =	wrdreg $0x60  }
0xaf: {  	[dreg:$0x2] =	wrdreg s2  }
0xb0: {  	[dreg:$0x3] =	wrdreg s19  }
0xb1: {  	[dreg:$0x4] =	wrdreg $0x9  }
0xb2: {  	_ =	task.clear_ibuf [dreg:s8], $0x5FFFF;
	_ =	strace $0x90000046  }
0xb3: {  	s29 =	simm.s32 $0x9;
	_ =	strace $0x80000048  }
0xb4: {  	_ =	swait.ge [sflag:s29], $0x1  }
0xb5: {  	[sflag:s29] =	ssyncadd.s32 $0xFFFFFFFF  }
0xb6: {  	_ =	strace $0x90000048  }
0xb7: {  	_ =	sfence  }
0xb8: {  	s30 =	sld [smem:$0x0];
	_ =	sdelay $0x2  }
0xb9: {  	s31 =	sshll.u32 s1, $0xD;
	s1 =	sshrl.u32 s1, $0x2  }
0xba: {  	s3 =	sand.u32 $0x4000, s31;
	s1 =	sadd.s32 s1, s30  }
0xbb: {  	s0 =	sor.u32 s3, s0;
	s1 =	sshll.u32 s1, $0x11  }
0xbc: {  	s0 =	sor.u32 s1, s0  }
0xbd: {  	s0 =	sadd.s32 $0x8F2B, s0  }
0xbe: {  	[sflag:s0] =	ssyncadd.remote.s32 $0x1  }
0xbf: {  	_ =	sfence.sel $0xFFFF  }
0xc0: {  	[dreg:$0x0] =	wrdreg $0xFFFFFFFF;
	(pc) =	sbr.abs _section_cstart, $3  }
0xc1: {  	[dreg:$0x1] =	wrdreg $0xFFFFFFFF  }
0xc2: {  	_ =	task.clear_ibuf [dreg:s8], $0x2FFFF;
	_ =	strace $0x9FFFFFFF  }
0xc3: {  	(tm) =	ssettm $0x7FFFFFFF  }
tec
execute0_lowered:
.L_overlay_start_1:
0x0: {  	(tag) =	ssettag $0x1  }
0x1: {  	s0 =	srdreg.scid  }
0x2: {  	s1 =	rddreg [dreg:$0x0];
	s6 =	stileid.u32  }
0x3: {  	s3 =	rddreg [dreg:$0x1];
	s2 =	simm.s32 $0x0;
	s9 =	simm.s32 $0x4000  }
0x4: {  	s10 =	simm.s32 $0x9100;
	s11 =	simm.s32 $0x6080;
	s12 =	simm.s32 $0x9300  }
0x5: {  	s0 =	sand.u32 $0x1, s0;
	s4 =	sshll.u32 s6, $0x2;
	[smem:$0x7FF] =	sst s2  }
0x6: {  	s28 =	sshll.u32 s6, $0xC;
	s5 =	sshll.u32 s0, $0x1;
	s0 =	ssub.s32 $0x2, s0  }
0x7: {  	s29 =	sshll.u32 s6, $0x6;
	s5 =	sor.u32 s5, s4;
	s30 =	sshrl.u32 s0, $0x1  }
.Ltmp0:
0x8: {  	[dreg:$0x3] =	wrdreg s5;
	s5 =	sshll.u32 s5, $0x4;
	(pc) =	sbr.rel .LBB2_1-.Ltmp0, $4  }
0x9: {  	s31 =	sand.u32 $0x380, s29;
	s0 =	ssub.s32 s0, s30;
	s4 =	sor.u32 s28, s5  }
0xa: {  	v0 =	vimm.s32 $0x0;
	v1 =	vimm.s32 $0x7F000000;
	v2 =	vlaneseq.u32;
	_ =	strace $0x80000047;
	s0 =	smax.u32 s0, $0x1;
	s4 =	sand.u32 $0xE060, s4  }
0xb: {  	v4 =	vimm.s32 $0x1;
	v3 =	vmul.u32 $0x100, v2;
	v8 =	vmul.u32 $0x10, v2;
	[dreg:$0x5] =	wrdreg s0;
	s26 =	sadd.s32 s1, s4;
	s1 =	sadd.s32 s3, s31  }
0xc: {  	v5 =	vimm.s32 $0x7FFFFFFF;
	v7 =	vimm.s32 $0xFFFFFFFF;
	v6 =	vor.u32 $0x2000, v2;
	s5 =	sadd.s32 $0x10, s26;
	[dreg:$0x4] =	wrdreg s1;
	s1 =	simm.s32 $0x0  }
.LBB2_126:
0xd: {  	s1 =	rddreg [dreg:$0x6]  }
0xe: {  	s0 =	rddreg [dreg:$0x5];
	s1 =	sadd.s32 $0x1, s1  }
0xf: {  	p0 =	sne.s32 s1, s0  }
.Ltmp1:
0x10: {  	_ = 	snop;
	(pc) =	sbr.rel @!p0 .LBB2_127-.Ltmp1, $1  }
0x11: {  	_ =	sdelay $0x3  }
.LBB2_1:
0x12: {  	[dreg:$0x6] =	wrdreg s1;
	s0 =	simm.s32 $0x8140  }
0x13: {  	[tilespmem:s0+$0xFFFFFFC0] =	vst v0  }
0x14: {  	[tilespmem:s0+$0x30] =	vst v0  }
0x15: {  	[tilespmem:s0+$0x20] =	vst v0  }
0x16: {  	[tilespmem:s0+$0x10] =	vst v0  }
0x17: {  	[tilespmem:s0+$0x0] =	vst v0  }
0x18: {  	[tilespmem:s0+$0xFFFFFFF0] =	vst v0  }
0x19: {  	s1 =	simm.s32 $0x0;
	[tilespmem:s0+$0xFFFFFFE0] =	vst v0  }
.LBB2_2:
0x1a: {  	s1 =	sadd.s32 $0x8, s1;
	[tilespmem:s0+$0xFFFFFFD0] =	vst v0;
	s0 =	sadd.s32 $0x80, s0  }
0x1b: {  	[tilespmem:s0+$0xFFFFFFC0] =	vst v0;
	p0 =	slt.u32 s1, $0xF8  }
0x1c: {  	[tilespmem:s0+$0x30] =	vst v0  }
.Ltmp2:
0x1d: {  	[tilespmem:s0+$0x20] =	vst v0;
	(pc) =	sbr.rel @p0 .LBB2_2-.Ltmp2, $4  }
0x1e: {  	[tilespmem:s0+$0x10] =	vst v0  }
0x1f: {  	[tilespmem:s0+$0x0] =	vst v0  }
0x20: {  	[tilespmem:s0+$0xFFFFFFF0] =	vst v0  }
0x21: {  	[tilespmem:s0+$0xFFFFFFE0] =	vst v0  }
0x22: {  	[tilespmem:s0+$0xFFFFFFD0] =	vst v0  }
0x23: {  	[tilespmem:$0x9100] =	vst v0  }
0x24: {  	[tilespmem:$0x9110] =	vst v0  }
0x25: {  	[tilespmem:$0x9120] =	vst v0  }
0x26: {  	[tilespmem:$0x9130] =	vst v0  }
0x27: {  	[tilespmem:$0x9140] =	vst v0  }
0x28: {  	[tilespmem:$0x9150] =	vst v0  }
0x29: {  	[tilespmem:$0x9160] =	vst v0  }
0x2a: {  	[tilespmem:$0x9170] =	vst v0  }
0x2b: {  	[tilespmem:$0x9180] =	vst v0  }
0x2c: {  	[tilespmem:$0x9190] =	vst v0  }
0x2d: {  	[tilespmem:$0x91A0] =	vst v0  }
0x2e: {  	[tilespmem:$0x91B0] =	vst v0  }
0x2f: {  	[tilespmem:$0x91C0] =	vst v0  }
0x30: {  	[tilespmem:$0x91D0] =	vst v0  }
0x31: {  	s0 =	simm.s32 $0x0;
	[tilespmem:$0x91E0] =	vst v0  }
0x32: {  	s1 =	simm.s32 $0x80;
	s6 =	sadd.s32 $0x0, s26;
	s3 =	simm.s32 $0x100;
	[tilespmem:$0x91F0] =	vst v0  }
.LBB2_4:
0x33: {  	[tilespmem:s0], [sflag:$0x1] =	stream.linear.gather [hbm4b:s6+s2], $0x80, $0x38;
	[tilespmem:$0x9400] =	vst v63  }
0x34: {  	s6 =	smov.u32 s1;
	s0 =	smov.u32 s3;
	p0 =	sne.s32 s1, $0x1F80  }
.Ltmp3:
0x35: {  	s1 =	sadd.s32 $0x80, s1;
	(pc) =	sbr.rel @p0 .LBB2_4-.Ltmp3, $2  }
0x36: {  	_ =	sdelay $0x2  }
0x37: {  	s3 =	sadd.s32 $0x100, s3;
	s6 =	sadd.s32 s6, s26  }
0x38: {  	[tilespmem:s0], [sflag:$0x1] =	stream.linear.gather [hbm4b:s6+s2], $0x80, $0x38;
	[tilespmem:$0x9400] =	vst v63  }
0x39: {  	s0 =	simm.s32 $0x80  }
0x3a: {  	s1 =	simm.s32 $0x80;
	s6 =	sadd.s32 $0x0, s5;
	s3 =	simm.s32 $0x180  }
.LBB2_6:
0x3b: {  	[tilespmem:s0], [sflag:$0x2] =	stream.linear.gather [hbm4b:s6+s2], $0x80, $0x38;
	[tilespmem:$0x9400] =	vst v63  }
0x3c: {  	s6 =	smov.u32 s1;
	s0 =	smov.u32 s3;
	p0 =	sne.s32 s1, $0x1F80  }
.Ltmp4:
0x3d: {  	s1 =	sadd.s32 $0x80, s1;
	(pc) =	sbr.rel @p0 .LBB2_6-.Ltmp4, $2  }
0x3e: {  	_ =	sdelay $0x2  }
0x3f: {  	s3 =	sadd.s32 $0x100, s3;
	s6 =	sadd.s32 s6, s5  }
0x40: {  	[tilespmem:s0], [sflag:$0x2] =	stream.linear.gather [hbm4b:s6+s2], $0x80, $0x38;
	[tilespmem:$0x9400] =	vst v63  }
.Ltmp5:
0x41: {  	_ = 	snop;
	(pc) =	sbr.rel .LBB2_8-.Ltmp5, $4  }
0x42: {  	s31 =	simm.s32 $0x1  }
0x43: {  	_ =	swait.ge [sflag:s31], $0x2000  }
0x44: {  	p0 =	por $0x1, $0x1;
	[sflag:s31] =	ssyncset.done $0x0  }
0x45: {  	p1 =	por $0x0, $0x0;
	s0 =	simm.s32 $0x0;
	[sflag:s31] =	ssyncadd.s32 $0xFFFFE000  }
.LBB2_114:
0x46: {  	v10 =	vimm.s32 $0x80000000  }
.LBB2_125:
0x47: {  	(xrf0) =	vmax.scan.msk.u32 $0xffff, v10;
	_ =	sdelay $0x5  }
0x48: {  	v10, _, _ =	vpop (xrf0)  }
0x49: {  	(v2sf) =	vpush v10, $0xF;
	_ =	sdelay $0xe  }
0x4a: {  	s0 =	spop (v2sf)  }
0x4b: {  	s0 =	sxor.u32 $0x80000000, s0  }
0x4c: {  	v10 =	vadd.s32 s0, v2;
	_ =	sdelay $0x4  }
0x4d: {  	[tilespmem:v10+s12+$0x0] =	vst.idx.msk $0xffff, v7  }
0x4e: {  	v10 =	vld [tilespmem:$0x9300]  }
0x4f: {  	v11 =	vld [tilespmem:$0x9310]  }
0x50: {  	v12 =	vld [tilespmem:$0x9320]  }
0x51: {  	v13 =	vmov s0;
	v14 =	vld [tilespmem:$0x9330]  }
0x52: {  	v15 =	vor.u32 $0x10, v2;
	vm0 =	vgt.s32 v13, v2  }
0x53: {  	v53 =	vor.u32 $0x20, v2;
	vm9 =	vgt.s32 v13, v15;
	v10 =	vsel vm0, v10, v9  }
0x54: {  	vm10 =	vgt.s32 v13, v53;
	v11 =	vsel vm9, v11, v9;
	(xrf1) =	vsort.ascd.msk.u32 $0xffff, v10, v10;
	v10 =	vor.u32 $0x30, v2  }
0x55: {  	v12 =	vsel vm10, v12, v9;
	vm11 =	vgt.s32 v13, v10;
	(xrf1) =	vsort.ascd.msk.u32 $0xffff, v11, v11  }
0x56: {  	v9 =	vsel vm11, v14, v9;
	(xrf1) =	vsort.ascd.msk.u32 $0xffff, v12, v12  }
0x57: {  	(xrf1) =	vsort.ascd.msk.u32 $0xffff, v9, v9;
	_ =	sdelay $0x9  }
0x58: {  	v9 =	vmul.u32 $0xFFFFFFFF, v2  }
0x59: {  	v10, _, _ =	vpop (xrf1)  }
0x5a: {  	v9 =	vadd.s32 $0xF, v9;
	v11, _, _ =	vpop (xrf1)  }
0x5b: {  	v12, _, _ =	vpop (xrf1);
	v11 =	vperm.xlane v11, v9  }
0x5c: {  	v54, _, _ =	vpop (xrf1)  }
0x5d: {  	v55 =	vmin.u32 v10, v11;
	v13 =	vperm.xlane v54, v9  }
0x5e: {  	v10 =	vmax.u32 v10, v11;
	(xrf1) =	vsort.ascd.msk.u32 $0xffff, v55, v55  }
0x5f: {  	(xrf1) =	vsort.ascd.msk.u32 $0xffff, v10, v10;
	v10 =	vmin.u32 v12, v13  }
0x60: {  	(xrf1) =	vsort.ascd.msk.u32 $0xffff, v10, v10;
	v10 =	vmax.u32 v12, v13  }
0x61: {  	(xrf1) =	vsort.ascd.msk.u32 $0xffff, v10, v10;
	_ =	sdelay $0xa  }
0x62: {  	v10, _, _ =	vpop (xrf1)  }
0x63: {  	v11, _, _ =	vpop (xrf1)  }
0x64: {  	v56, _, _ =	vpop (xrf1)  }
0x65: {  	v57, _, _ =	vpop (xrf1)  }
0x66: {  	v13 =	vperm.xlane v57, v9;
	v9 =	vperm.xlane v56, v9;
	_ =	sdelay $0x1  }
0x67: {  	v58 =	vmin.u32 v10, v13;
	v59 =	vmin.u32 v11, v9  }
0x68: {  	v10 =	vmax.u32 v10, v13;
	v60 =	vmin.u32 v58, v59  }
0x69: {  	v9 =	vmax.u32 v11, v9;
	v11 =	vmax.u32 v58, v59;
	(xrf1) =	vsort.ascd.msk.u32 $0xffff, v60, v60  }
0x6a: {  	(xrf1) =	vsort.ascd.msk.u32 $0xffff, v11, v11;
	v11 =	vmin.u32 v10, v9  }
0x6b: {  	v9 =	vmax.u32 v10, v9;
	(xrf1) =	vsort.ascd.msk.u32 $0xffff, v11, v11  }
0x6c: {  	(xrf1) =	vsort.ascd.msk.u32 $0xffff, v9, v9;
	_ =	sdelay $0xa  }
0x6d: {  	v9, _, _ =	vpop (xrf1)  }
0x6e: {  	v10, _, _ =	vpop (xrf1);
	vm12 =	vlt.s32 v9, $0x0  }
0x6f: {  	v11, _, _ =	vpop (xrf1);
	v61 =	vsel vm12, $0x0, v5;
	vm13 =	vlt.s32 v10, $0x0  }
0x70: {  	v62, _, _ =	vpop (xrf1);
	v9 =	vxor.u32 v9, v61;
	v63 =	vsel vm13, $0x0, v5;
	vm14 =	vlt.s32 v11, $0x0  }
0x71: {  	[tilespmem:$0x9380] =	vst v9;
	v9 =	vxor.u32 v10, v63;
	v10 =	vsel vm14, $0x0, v5;
	vm15 =	vlt.s32 v62, $0x0  }
0x72: {  	s29 =	sshll.u32 s8, $0x4;
	[tilespmem:$0x9390] =	vst v9;
	v9 =	vxor.u32 v11, v10;
	v10 =	vsel vm15, $0x0, v5  }
0x73: {  	s1 =	rddreg [dreg:$0x4];
	s30 =	simm.s32 $0x9380;
	s0 =	sand.u32 $0x70, s29;
	[tilespmem:$0x93A0] =	vst v9;
	v9 =	vxor.u32 v62, v10  }
.Ltmp6:
0x74: {  	s31 =	simm.s32 $0x3;
	s0 =	sadd.s32 s0, s1;
	[tilespmem:$0x93B0] =	vst v9;
	(pc) =	sbr.rel @!p3 .LBB2_126-.Ltmp6, $4  }
0x75: {  	[hbm4b:s0+s2] =	stream.linear.scatter [tilespmem:s30], [sflag:$0x3], $0x80, $0x38;
	[tilespmem:$0x9400] =	vst v63  }
0x76: {  	_ =	swait.ge [sflag:s31], $0x80  }
0x77: {  	p0 =	por $0x0, $0x0;
	[sflag:s31] =	ssyncset.done $0x0  }
0x78: {  	p1 =	por $0x1, $0x1;
	s0 =	simm.s32 $0x1;
	[sflag:s31] =	ssyncadd.s32 $0xFFFFFF80  }
.LBB2_8:
0x79: {  	s1 =	sshll.u32 s0, $0x7  }
0x7a: {  	v9 =	vmov s1  }
0x7b: {  	s1 =	simm.s32 @p1 $0x2  }
0x7c: {  	s4 =	simm.s32 $0x0;
	_ =	swait.ge @p1 [sflag:s1], $0x2000  }
0x7d: {  	s3 =	sand.u32 $0x40, s4;
	s6 =	sand.u32 $0x3F00, s4;
	[sflag:s1] =	ssyncset.done @p1 $0x0  }
0x7e: {  	s28 =	sor.u32 s3, s6;
	[sflag:s1] =	ssyncadd.s32 @p1 $0xFFFFE000  }
0x7f: {  	v10 =	vld.idx.msk [tilespmem:v9+s28+$0x30 ss:$0x1], $0xffff  }
0x80: {  	v11 =	vld.idx.msk [tilespmem:v9+s28+$0x0 ss:$0x1], $0xffff  }
0x81: {  	v13 =	vld.idx.msk [tilespmem:v9+s28+$0x20 ss:$0x1], $0xffff  }
0x82: {  	v12 =	vld.idx.msk [tilespmem:v9+s28+$0x10 ss:$0x1], $0xffff;
	_ =	sdelay $0x2  }
0x83: {  	vm0 =	vlt.s32 v10, $0x0  }
0x84: {  	vm1 =	vlt.s32 v11, $0x0;
	v14 =	vshrl.u32 v11, $0x18;
	vm2 =	vlt.s32 v13, $0x0  }
0x85: {  	v15 =	vsel vm0, $0x0, v1;
	vm0 =	vlt.s32 v12, $0x0;
	v16 =	vsel vm1, $0x0, v1  }
0x86: {  	v18 =	vsel vm2, $0x0, v1;
	v15 =	vxor.u32 v10, v15;
	v10 =	vshrl.u32 v10, $0x18  }
0x87: {  	s29 =	simm.s32 $0x80;
	s30 =	simm.s32 $0x40;
	v14 =	vand.u32 $0x80, v14;
	v15 =	vshrl.u32 v15, $0x18;
	v10 =	vand.u32 $0x80, v10  }
0x88: {  	s3 =	sand.u32 $0x40, s30;
	s1 =	sand.u32 $0x3F00, s29;
	v17 =	vsel vm0, $0x0, v1;
	v15 =	vand.u32 $0x7F, v15;
	v10 =	vor.u32 v3, v10  }
0x89: {  	s1 =	sor.u32 s3, s1;
	v14 =	vor.u32 v3, v14;
	v19 =	vor.u32 v10, v15;
	v10 =	vxor.u32 v11, v16  }
0x8a: {  	v11 =	vxor.u32 v12, v17;
	v15 =	vxor.u32 v13, v18;
	v17 =	vld.idx.msk [tilespmem:v9+s1+$0x30 ss:$0x1], $0xffff;
	v16 =	vshrl.u32 v12, $0x18  }
0x8b: {  	v13 =	vshrl.u32 v13, $0x18;
	v12 =	vld.idx.msk [tilespmem:v9+s1+$0x0 ss:$0x1], $0xffff;
	v10 =	vshrl.u32 v10, $0x18;
	v18 =	vshrl.u32 v11, $0x18  }
0x8c: {  	v15 =	vshrl.u32 v15, $0x18;
	v11 =	vld.idx.msk [tilespmem:v9+s1+$0x10 ss:$0x1], $0xffff;
	v16 =	vand.u32 $0x80, v16;
	v20 =	vand.u32 $0x80, v13  }
0x8d: {  	v13 =	vld.idx.msk [tilespmem:v9+s1+$0x20 ss:$0x1], $0xffff;
	v10 =	vand.u32 $0x7F, v10;
	v18 =	vand.u32 $0x7F, v18;
	v21 =	vand.u32 $0x7F, v15  }
0x8e: {  	v15 =	vor.u32 v14, v10;
	v10 =	vor.u32 v3, v16;
	v16 =	vor.u32 v3, v20  }
0x8f: {  	v14 =	vor.u32 v10, v18;
	v10 =	vor.u32 v16, v21;
	vm1 =	vlt.s32 v17, $0x0  }
0x90: {  	s7 =	simm.s32 $0x80;
	s31 =	rddreg [dreg:$0x3];
	vm0 =	vlt.s32 v12, $0x0;
	v16 =	vshrl.u32 v12, $0x18;
	v18 =	vsel vm1, $0x0, v1  }
0x91: {  	s6 =	simm.s32 $0x100;
	s4 =	sor.u32 s31, s0;
	s3 =	simm.s32 $0x8100;
	v20 =	vshrl.u32 v17, $0x18;
	vm1 =	vlt.s32 v11, $0x0;
	v18 =	vxor.u32 v17, v18  }
0x92: {  	p1 =	por p0, p0;
	s0 =	simm.s32 $0x8100;
	s1 =	simm.s32 $0x4;
	[tilespmem:v19+s3+$0x0] =	vst.idx.add.s32.msk $0xffff, v4;
	vm2 =	vlt.s32 v13, $0x0;
	v17 =	vshrl.u32 v18, $0x18;
	v18 =	vand.u32 $0x80, v20  }
.LBB2_9:
0x93: {  	s8 =	sand.u32 $0x40, s7;
	s13 =	sand.u32 $0x3F00, s6;
	s1 =	sadd.s32 $0x4, s1;
	v19 =	vsel vm0, $0x0, v1;
	v17 =	vand.u32 $0x7F, v17;
	v18 =	vor.u32 v3, v18;
	[tilespmem:v15+s0+$0x0] =	vst.idx.add.s32.msk $0xffff, v4  }
0x94: {  	v15 =	vsel vm1, $0x0, v1;
	v20 =	vsel vm2, $0x0, v1;
	s8 =	sor.u32 s8, s13;
	p0 =	slt.u32 s1, $0x1FC;
	v17 =	vor.u32 v18, v17;
	[tilespmem:v14+s0+$0x0] =	vst.idx.add.s32.msk $0xffff, v4  }
0x95: {  	v14 =	vxor.u32 v12, v19;
	v15 =	vxor.u32 v11, v15;
	v19 =	vxor.u32 v13, v20;
	v18 =	vld.idx.msk [tilespmem:v9+s8+$0x30 ss:$0x1], $0xffff  }
0x96: {  	v21 =	vshrl.u32 v13, $0x18;
	v20 =	vshrl.u32 v11, $0x18;
	v14 =	vshrl.u32 v14, $0x18;
	v12 =	vld.idx.msk [tilespmem:v9+s8+$0x0 ss:$0x1], $0xffff  }
0x97: {  	v16 =	vand.u32 $0x80, v16;
	v15 =	vshrl.u32 v15, $0x18;
	v19 =	vshrl.u32 v19, $0x18;
	v11 =	vld.idx.msk [tilespmem:v9+s8+$0x10 ss:$0x1], $0xffff  }
0x98: {  	v21 =	vand.u32 $0x80, v21;
	v20 =	vand.u32 $0x80, v20;
	v14 =	vand.u32 $0x7F, v14;
	v13 =	vld.idx.msk [tilespmem:v9+s8+$0x20 ss:$0x1], $0xffff  }
0x99: {  	v16 =	vor.u32 v3, v16;
	v22 =	vand.u32 $0x7F, v15;
	v19 =	vand.u32 $0x7F, v19;
	[tilespmem:v17+s3+$0x0] =	vst.idx.add.s32.msk $0xffff, v4  }
.Ltmp7:
0x9a: {  	v15 =	vor.u32 v16, v14;
	v14 =	vor.u32 v3, v20;
	v16 =	vor.u32 v3, v21;
	(pc) =	sbr.rel @p0 .LBB2_9-.Ltmp7, $4  }
0x9b: {  	v14 =	vor.u32 v14, v22;
	vm1 =	vlt.s32 v18, $0x0;
	[tilespmem:v10+s0+$0x0] =	vst.idx.add.s32.msk $0xffff, v4;
	v10 =	vor.u32 v16, v19;
	s0 =	smov.u32 s3  }
0x9c: {  	vm0 =	vlt.s32 v12, $0x0;
	v16 =	vshrl.u32 v12, $0x18;
	v17 =	vsel vm1, $0x0, v1  }
0x9d: {  	vm1 =	vlt.s32 v11, $0x0;
	v17 =	vxor.u32 v18, v17;
	v18 =	vshrl.u32 v18, $0x18  }
0x9e: {  	s6 =	sadd.s32 $0x80, s6;
	s7 =	sadd.s32 $0x40, s7;
	vm2 =	vlt.s32 v13, $0x0;
	v17 =	vshrl.u32 v17, $0x18;
	v18 =	vand.u32 $0x80, v18  }
0x9f: {  	v19 =	vsel vm0, $0x0, v1  }
0xa0: {  	v17 =	vand.u32 $0x7F, v17;
	v18 =	vor.u32 v3, v18;
	v20 =	vsel vm1, $0x0, v1  }
0xa1: {  	v60 =	vsel vm2, $0x0, v1;
	v62 =	vshrl.u32 v13, $0x18;
	v16 =	vand.u32 $0x80, v16  }
0xa2: {  	v17 =	vor.u32 v18, v17;
	v12 =	vxor.u32 v12, v19;
	v61 =	vxor.u32 v11, v20  }
0xa3: {  	v18 =	vxor.u32 v13, v60;
	v11 =	vshrl.u32 v11, $0x18;
	v13 =	vand.u32 $0x80, v62  }
0xa4: {  	v16 =	vor.u32 v3, v16;
	v12 =	vshrl.u32 v12, $0x18;
	v19 =	vshrl.u32 v61, $0x18  }
0xa5: {  	v18 =	vshrl.u32 v18, $0x18;
	v11 =	vand.u32 $0x80, v11;
	v12 =	vand.u32 $0x7F, v12  }
0xa6: {  	v19 =	vand.u32 $0x7F, v19;
	v11 =	vor.u32 v3, v11;
	v12 =	vor.u32 v16, v12  }
0xa7: {  	[tilespmem:v15+s0+$0x0] =	vst.idx.add.s32.msk $0xffff, v4;
	v13 =	vor.u32 v3, v13;
	v63 =	vand.u32 $0x7F, v18;
	v11 =	vor.u32 v11, v19  }
0xa8: {  	[tilespmem:v14+s0+$0x0] =	vst.idx.add.s32.msk $0xffff, v4;
	v13 =	vor.u32 v13, v63  }
0xa9: {  	s1 =	simm.s32 $0x8100;
	[tilespmem:v10+s0+$0x0] =	vst.idx.add.s32.msk $0xffff, v4  }
0xaa: {  	[tilespmem:v17+s1+$0x0] =	vst.idx.add.s32.msk $0xffff, v4  }
0xab: {  	[tilespmem:v12+s1+$0x0] =	vst.idx.add.s32.msk $0xffff, v4  }
0xac: {  	s18 =	simm.s32 $0x0;
	[tilespmem:v11+s1+$0x0] =	vst.idx.add.s32.msk $0xffff, v4  }
0xad: {  	s0 =	simm.s32 $0x9200;
	s3 =	simm.s32 $0x9200;
	s6 =	simm.s32 $0x0;
	[tilespmem:v13+s1+$0x0] =	vst.idx.add.s32.msk $0xffff, v4  }
.LBB2_11:
0xae: {  	v10 =	vld [tilespmem:s1+$0x0];
	[tilespmem:s1+$0x0] =	vst v0;
	s7 =	sand.u32 $0xF0, s6  }
0xaf: {  	v11 =	vld [tilespmem:s7+$0x8200]  }
0xb0: {  	v12 =	vld [tilespmem:s7+$0x8300]  }
0xb1: {  	v13 =	vld [tilespmem:s7+$0x8400]  }
0xb2: {  	v14 =	vld [tilespmem:s7+$0x8500]  }
0xb3: {  	v15 =	vld [tilespmem:s7+$0x8600]  }
0xb4: {  	[tilespmem:s7+$0x8200] =	vst v0;
	v10 =	vadd.s32 v10, v11;
	v11 =	vld [tilespmem:s7+$0x8700]  }
0xb5: {  	[tilespmem:s7+$0x8300] =	vst v0;
	v56 =	vld [tilespmem:s7+$0x8800];
	v10 =	vadd.s32 v12, v10  }
0xb6: {  	[tilespmem:s7+$0x8400] =	vst v0;
	v57 =	vld [tilespmem:s7+$0x8900];
	v10 =	vadd.s32 v13, v10  }
0xb7: {  	[tilespmem:s7+$0x8500] =	vst v0;
	v58 =	vld [tilespmem:s7+$0x8A00];
	v10 =	vadd.s32 v14, v10  }
0xb8: {  	[tilespmem:s7+$0x8600] =	vst v0;
	v59 =	vld [tilespmem:s7+$0x8B00];
	v10 =	vadd.s32 v15, v10  }
0xb9: {  	[tilespmem:s7+$0x8800] =	vst v0;
	v10 =	vadd.s32 v11, v10;
	v11 =	vld [tilespmem:s7+$0x8C00]  }
0xba: {  	v60 =	vld [tilespmem:s7+$0x8D00];
	[tilespmem:s7+$0x8900] =	vst v0;
	v10 =	vadd.s32 v56, v10  }
0xbb: {  	v61 =	vld [tilespmem:s7+$0x8E00];
	[tilespmem:s7+$0x8A00] =	vst v0;
	v10 =	vadd.s32 v57, v10  }
0xbc: {  	v62 =	vld [tilespmem:s7+$0x8F00];
	[tilespmem:s7+$0x8B00] =	vst v0;
	v10 =	vadd.s32 v58, v10  }
0xbd: {  	v63 =	vld [tilespmem:s7+$0x9000];
	[tilespmem:s7+$0x8D00] =	vst v0;
	v10 =	vadd.s32 v59, v10  }
0xbe: {  	p0 =	sne.s32 s6, $0xF0;
	[tilespmem:s7+$0x8E00] =	vst v0;
	v10 =	vadd.s32 v11, v10  }
.Ltmp8:
0xbf: {  	[tilespmem:s7+$0x8F00] =	vst v0;
	v10 =	vadd.s32 v60, v10;
	(pc) =	sbr.rel @p0 .LBB2_11-.Ltmp8, $4  }
0xc0: {  	[tilespmem:s7+$0x9000] =	vst v0;
	v10 =	vadd.s32 v61, v10  }
0xc1: {  	[tilespmem:s7+$0x8700] =	vst v0;
	v10 =	vadd.s32 v62, v10  }
0xc2: {  	[tilespmem:s7+$0x8C00] =	vst v0;
	v10 =	vadd.s32 v63, v10  }
0xc3: {  	s1 =	sadd.s32 $0x10, s1;
	s6 =	sadd.s32 $0x10, s6;
	[tilespmem:s3+$0x0] =	vst v10;
	s3 =	sadd.s32 $0x10, s3  }
0xc4: {  	v15 =	vld [tilespmem:s0+$0x0];
	p0 =	por $0x1, $0x1  }
.Ltmp9:
0xc5: {  	_ = 	snop;
	(pc) =	sbr.rel @!p0 .LBB2_13-.Ltmp9, $4  }
0xc6: {  	_ = 	snop  }
0xc7: {  	p3 =	por $0x0, $0x0;
	s0 =	simm.s32 @!p1 $0x0  }
0xc8: {  	s29 =	simm.s32 $0x10;
	[dreg:$0x7] =	wrdreg s4;
	s0 =	simm.s32 @p1 $0x1  }
0xc9: {  	p2 =	por $0x0, $0x0;
	p4 =	por $0x0, $0x0;
	[smem:$0x7FD] =	sst s0;
	(xrf0) =	vadd.scan.msk.s32 $0xffff, v15  }
0xca: {  	s0 =	simm.s32 $0x9210  }
0xcb: {  	p0 =	por $0x1, $0x1;
	v18 =	vld [tilespmem:s0+$0x0]  }
.Ltmp10:
0xcc: {  	_ = 	snop;
	(pc) =	sbr.rel @!p0 .LBB2_15-.Ltmp10, $3  }
0xcd: {  	_ =	sdelay $0x1  }
0xce: {  	v14, _, _ =	vpop (xrf0)  }
0xcf: {  	(v2sf) =	vpush v14, $0xF;
	(xrf0) =	vadd.scan.msk.s32 $0xffff, v18  }
0xd0: {  	_ =	sdelay $0x7  }
0xd1: {  	s0 =	simm.s32 $0x9220  }
0xd2: {  	p0 =	por $0x1, $0x1;
	v11 =	vld [tilespmem:s0+$0x0]  }
.Ltmp11:
0xd3: {  	v10 =	vadd.s32 s18, v14;
	(pc) =	sbr.rel @!p0 .LBB2_17-.Ltmp11, $4  }
0xd4: {  	vm0 =	vlt.s32 v10, $0x40  }
0xd5: {  	v10 =	vsel vm0, $0x1, v0  }
0xd6: {  	(xrf0) =	vadd.scan.msk.s32 $0xffff, v10;
	v19, _, _ =	vpop (xrf0)  }
0xd7: {  	s6 =	simm.s32 $0x30;
	p2 =	por $0x1, $0x1;
	(v2sf) =	vpush v19, $0xF;
	(xrf0) =	vadd.scan.msk.s32 $0xffff, v11;
	s7 =	spop (v2sf)  }
0xd8: {  	_ =	sdelay $0x6  }
0xd9: {  	s8 =	sadd.s32 $0x0, s7  }
0xda: {  	s0 =	simm.s32 $0x9230;
	v13 =	vadd.s32 s8, v19;
	v12, _, _ =	vpop (xrf0)  }
0xdb: {  	p0 =	por $0x1, $0x1;
	v10 =	vld [tilespmem:s0+$0x0];
	vm0 =	vlt.s32 v13, $0x40;
	v16 =	vbroadcast v12, $0xF  }
.Ltmp12:
0xdc: {  	v13 =	vsel vm0, $0x1, v0;
	(pc) =	sbr.rel @!p0 .LBB2_19-.Ltmp12, $4  }
0xdd: {  	v14 =	vsub.s32 v14, v15;
	vm15 =	veq.s32 v16, v2  }
0xde: {  	(xrf0) =	vadd.scan.msk.s32 $0xffff, v13;
	v14 =	vnsel vm15, $0x0, v14  }
0xdf: {  	(v2sf) =	vpush v12, $0xF;
	v13, _, _ =	vpop (xrf0);
	(xrf0) =	vadd.scan.msk.s32 $0xffff, v14  }
0xe0: {  	s23 =	simm.s32 $0x40;
	(v2sf) =	vpush v13, $0xF;
	(xrf0) =	vadd.scan.msk.s32 $0xffff, v10;
	s7 =	spop (v2sf)  }
0xe1: {  	_ =	sdelay $0x6  }
0xe2: {  	s0 =	simm.s32 $0x20;
	p0 =	por $0x1, $0x1;
	s16 =	sadd.s32 s8, s7  }
0xe3: {  	s30 =	simm.s32 $0x9240;
	[dreg:$0x8] =	wrdreg s0;
	s0 =	simm.s32 @!p0 $0x0;
	v14 =	vadd.s32 s16, v13;
	v12, _, _ =	vpop (xrf0)  }
0xe4: {  	v17 =	vld [tilespmem:s30+$0x0];
	s0 =	simm.s32 @p0 $0x1;
	vm0 =	vlt.s32 v14, $0x40;
	p0 =	por $0x1, $0x1;
	v15 =	vbroadcast v12, $0xF  }
.Ltmp13:
0xe5: {  	v14 =	vsel vm0, $0x1, v0;
	(pc) =	sbr.rel @!p0 .LBB2_21-.Ltmp13, $4  }
0xe6: {  	vm15 =	veq.s32 v15, v2;
	v15 =	vsub.s32 v19, v18  }
0xe7: {  	(v2sf) =	vpush v12, $0xF;
	v12, _, _ =	vpop (xrf0);
	(xrf0) =	vadd.scan.msk.s32 $0xffff, v14;
	v15 =	vnsel vm15, $0x0, v15  }
0xe8: {  	s20 =	simm.s32 $0x50;
	(v2sf) =	vpush v12, $0xF;
	v14, _, _ =	vpop (xrf0);
	(xrf0) =	vadd.scan.msk.s32 $0xffff, v15;
	s31 =	spop (v2sf)  }
0xe9: {  	[smem:$0x7FC] =	sst s0;
	(v2sf) =	vpush v14, $0xF;
	(xrf0) =	vadd.scan.msk.s32 $0xffff, v17;
	s3 =	sadd.s32 $0x0, s31;
	s15 =	spop (v2sf)  }
0xea: {  	_ =	sdelay $0x9  }
0xeb: {  	p0 =	por $0x1, $0x1  }
0xec: {  	s2 =	smov.u32 s5;
	s5 =	smov.u32 s26;
	s30 =	sadd.s32 s16, s15;
	v12, _, _ =	vpop (xrf0)  }
0xed: {  	s14 =	simm.s32 $0x9250;
	p4 =	por $0x1, $0x1;
	v15 =	vadd.s32 s30, v14;
	v16 =	vbroadcast v12, $0xF;
	(v2sf) =	vpush v12, $0xF;
	v12, _, _ =	vpop (xrf0);
	s26 =	spop (v2sf)  }
0xee: {  	p5 =	sgt.s32 s8, $0x3F;
	p6 =	por !p3, !p3;
	v18 =	vld [tilespmem:s14+$0x0];
	vm0 =	vlt.s32 v15, $0x40;
	s1 =	spop (v2sf);
	(v2sf) =	vpush v12, $0xF  }
0xef: {  	s17 =	simm.s32 $0x60;
	s28 =	simm.s32 $0x0;
	s31 =	simm.s32 $0x0;
	v15 =	vsel vm0, $0x1, v0;
	vm15 =	veq.s32 v16, v2;
	v16 =	vsub.s32 v13, v11;
	v12, _, _ =	vpop (xrf0)  }
0xf0: {  	s21 =	smov.u32 s8;
	s22 =	smov.u32 s16;
	(xrf0) =	vadd.scan.msk.s32 $0xffff, v15;
	v15 =	vnsel vm15, $0x0, v16;
	s7 =	spop (v2sf);
	(v2sf) =	vpush v12, $0xF  }
.Ltmp14:
0xf1: {  	s19 =	smov.u32 s16;
	s0 =	simm.s32 @!p0 $0x0;
	(xrf0) =	vadd.scan.msk.s32 $0xffff, v15;
	(pc) =	sbr.rel @!p4 .LBB2_23-.Ltmp14, $4  }
0xf2: {  	s25 =	smov.u32 s30;
	s24 =	smov.u32 s30;
	s0 =	simm.s32 @p0 $0x1  }
0xf3: {  	p0 =	por !p5, !p6;
	p6 =	por $0x0, $0x0;
	[smem:$0x7FA] =	sst s0;
	(xrf0) =	vadd.scan.msk.s32 $0xffff, v18  }
0xf4: {  	p0 =	por !p0, !p0;
	s13 =	sadd.s32 $0x10, s26;
	s0 =	sadd.s32 $0x0, s1  }
0xf5: {  	s1 =	smov.u32 s3;
	s28 =	smov.u32 @p0 s0;
	s0 =	simm.s32 $0x20  }
.LBB2_24:
0xf6: {  	p4 =	sne.s32 s17, $0xF0;
	s30 =	sadd.s32 s30, s7;
	v15, _, _ =	vpop (xrf0);
	s31 =	smov.u32 @p0 s1  }
0xf7: {  	s14 =	sadd.s32 $0x10, s14;
	s7 =	smov.u32 s25;
	v16 =	vadd.s32 s30, v12;
	v19 =	vbroadcast v15, $0xF;
	(v2sf) =	vpush v15, $0xF;
	v15, _, _ =	vpop (xrf0);
	s25 =	smov.u32 s30  }
0xf8: {  	s26 =	smov.u32 s21;
	s21 =	smov.u32 s22;
	s22 =	smov.u32 s24;
	v20 =	vld [tilespmem:s14+$0x0];
	vm0 =	vlt.s32 v16, $0x40;
	(v2sf) =	vpush v15, $0xF  }
0xf9: {  	s1 =	smov.u32 s13;
	s13 =	smov.u32 s0;
	s24 =	smov.u32 s30;
	v15, _, _ =	vpop (xrf0);
	v16 =	vsel vm0, $0x1, v0;
	vm0 =	veq.s32 v19, v2;
	v19 =	vsub.s32 v14, v10  }
0xfa: {  	s0 =	smov.u32 s6;
	s6 =	smov.u32 s23;
	s23 =	smov.u32 s20;
	v10 =	vmovc v17;
	v17 =	vmov v18;
	(v2sf) =	vpush v15, $0xF;
	(xrf0) =	vadd.scan.msk.s32 $0xffff, v16;
	v16 =	vnsel vm0, $0x0, v19  }
.Ltmp15:
0xfb: {  	p6 =	por p6, p5;
	s20 =	smov.u32 s17;
	v14 =	vmov v12;
	v12 =	vmov v15;
	(xrf0) =	vadd.scan.msk.s32 $0xffff, v16;
	(pc) =	sbr.rel @p4 .LBB2_24-.Ltmp15, $4  }
0xfc: {  	p5 =	sgt.s32 s19, $0x3F;
	p0 =	por !p6, !p6;
	s4 =	spop (v2sf)  }
0xfd: {  	p0 =	por !p5, !p0;
	(xrf0) =	vadd.scan.msk.s32 $0xffff, v20;
	s13 =	sadd.s32 s13, s4;
	s4 =	spop (v2sf);
	v18 =	vmov v20  }
0xfe: {  	s19 =	smov.u32 s7;
	p0 =	por !p0, !p0;
	s4 =	sadd.s32 s26, s4  }
0xff: {  	s17 =	sadd.s32 $0x10, s17;
	s7 =	spop (v2sf);
	s28 =	smov.u32 @p0 s4  }
0x100: {  	p1 =	por $0x1, $0x1  }
0x101: {  	s14 =	smov.u32 s6;
	s6 =	smov.u32 s20;
	s4 =	simm.s32 @!p1 $0x0  }
0x102: {  	s26 =	smov.u32 s5;
	s5 =	smov.u32 s2;
	s4 =	simm.s32 @p1 $0x1  }
0x103: {  	v15 =	vmov v10;
	v16 =	vmov v17;
	v10 =	vmov v18;
	s2 =	simm.s32 $0x0;
	p4 =	por $0x1, $0x1;
	[smem:$0x7FB] =	sst s4  }
.LBB2_26:
0x104: {  	p0 =	por !p0, !p4;
	p5 =	por @p4 p6, p5;
	s4 =	sadd.s32 @p2 s30, s7  }
0x105: {  	s30 =	sld [smem:$0x7FC];
	s1 =	smov.u32 @p0 s31;
	p0 =	por $0x0, $0x0  }
0x106: {  	s20 =	smov.u32 s18;
	s31 =	sld [smem:$0x7FA];
	p5 =	por @!p4 p0, p0  }
0x107: {  	s29 =	smov.u32 @p2 s14;
	s20 =	smov.u32 @p4 s1;
	s7 =	simm.s32 @!p5 $0x0  }
0x108: {  	p1 =	seq.s32 s30, $0x1;
	s30 =	sld [smem:$0x7FB];
	s7 =	simm.s32 @p5 $0x1  }
0x109: {  	s17 =	spop @p1 (v2sf);
	p3 =	seq.s32 s31, $0x1;
	[smem:$0x7F5] =	sst s7  }
0x10a: {  	v17, _, _ =	vpop @p2 (xrf0);
	s7 =	smov.u32 s18;
	p4 =	sgt.s32 @p3 s19, $0x3F;
	p5 =	por @p3 !p5, !p5  }
0x10b: {  	(v2sf) =	vpush @p2 v17, $0xF;
	s1 =	spop @p3 (v2sf);
	s19 =	smov.u32 @p1 s25;
	s0 =	sadd.s32 @p1 s0, s17  }
0x10c: {  	s7 =	smov.u32 @p2 s4;
	p5 =	por @p3 !p4, !p5;
	p0 =	seq.s32 s30, $0x1  }
0x10d: {  	s30 =	smov.u32 s18;
	s31 =	sld [smem:$0x7F5];
	p5 =	por @p3 !p5, !p5  }
0x10e: {  	s3 =	smov.u32 @p1 s0;
	s25 =	spop @p0 (v2sf);
	p6 =	por !p5, !p3  }
0x10f: {  	p4 =	por @!p3 p0, p0;
	s15 =	smov.u32 @p0 s25;
	s25 =	simm.s32 @!p6 $0x0  }
0x110: {  	s3 =	smov.u32 @p1 s3;
	p5 =	por @!p3 p0, p0;
	s25 =	simm.s32 @p6 $0x1  }
0x111: {  	p5 =	por !p5, !p3;
	p6 =	por p3, p3;
	[smem:$0x7F7] =	sst s25  }
0x112: {  	s25 =	smov.u32 @p3 s13;
	s13 =	sadd.s32 @p0 s7, s15;
	s15 =	simm.s32 @!p3 $0x0  }
0x113: {  	s15 =	simm.s32 @p3 $0x1;
	s30 =	smov.u32 @p0 s13;
	p3 =	seq.s32 s31, $0x1  }
0x114: {  	s25 =	smov.u32 @p5 s20;
	[smem:$0x7FA] =	sst s15;
	p3 =	por @p6 p3, p4  }
0x115: {  	s15 =	smov.u32 @p1 s19;
	s19 =	smov.u32 s8;
	p4 =	por $0x0, $0x0  }
0x116: {  	s31 =	simm.s32 $0x0;
	s19 =	smov.u32 @p1 s15;
	p3 =	por @!p6 p4, p4  }
0x117: {  	v18 =	vadd.s32 @p0 s7, v12;
	s15 =	smov.u32 s16;
	s20 =	sld [smem:$0x7FA];
	p5 =	sgt.s32 @p1 s19, $0x3F  }
0x118: {  	v17 =	vbroadcast @p2 v17, $0xF;
	vm0 =	vlt.s32 @p0 v18, $0x40;
	p4 =	por @p1 !p3, !p3;
	s15 =	smov.u32 @p2 s4;
	s4 =	smov.u32 @p2 s29  }
0x119: {  	v19, _, _ =	vpop @p1 (xrf0);
	v20 =	vsel @p0 vm0, $0x1, v0;
	p4 =	por @p1 !p5, !p4;
	p5 =	por @!p1 p0, p0;
	s0 =	smov.u32 @p2 s15  }
0x11a: {  	v14 =	vsub.s32 @p2 v14, v15;
	(v2sf) =	vpush @p1 v19, $0xF;
	vm0 =	veq.s32 @p2 v17, v2;
	v18, _, _ =	vpop (xrf0);
	(xrf0) =	vadd.scan.msk.s32 @p0 $0xffff, v20;
	s14 =	spop @p2 (v2sf);
	p6 =	por @p1 p3, p5;
	p3 =	por $0x0, $0x0  }
0x11b: {  	v14 =	vnsel @p2 vm0, $0x0, v14;
	v15 =	vadd.s32 s30, v18;
	s4 =	sadd.s32 @p2 s4, s14;
	p5 =	por @p1 !p4, !p4;
	p6 =	por @!p1 p3, p3  }
0x11c: {  	(xrf0) =	vadd.scan.msk.s32 @p2 $0xffff, v14;
	(v2sf) =	vpush v18, $0xF;
	vm0 =	vlt.s32 v15, $0x40;
	s0 =	smov.u32 @p2 s0;
	p3 =	por !p5, !p1;
	s14 =	simm.s32 @!p6 $0x0  }
0x11d: {  	v14 =	vsel vm0, $0x1, v0;
	p4 =	sgt.s32 @p2 s0, $0x3F;
	p5 =	por @!p1 p0, p0;
	s14 =	simm.s32 @p6 $0x1  }
0x11e: {  	(xrf0) =	vadd.scan.msk.s32 $0xffff, v14;
	s0 =	smov.u32 s18;
	[smem:$0x7F6] =	sst s14;
	s14 =	simm.s32 @!p3 $0x0  }
0x11f: {  	p5 =	por !p5, !p1;
	s14 =	simm.s32 @p3 $0x1;
	p3 =	por @p2 !p6, !p6  }
0x120: {  	v14, _, _ =	vpop @p0 (xrf0);
	[smem:$0x7F8] =	sst s14;
	p6 =	por @p2 !p4, !p3;
	p3 =	seq.s32 s20, $0x1  }
0x121: {  	(v2sf) =	vpush @p0 v14, $0xF;
	s14 =	smov.u32 s18;
	p4 =	por @!p2 p0, p0;
	s0 =	smov.u32 @p3 s25  }
0x122: {  	v15, _, _ =	vpop @p2 (xrf0);
	s20 =	smov.u32 s18;
	p3 =	por @p2 !p6, !p6;
	s3 =	smov.u32 @p5 s0  }
0x123: {  	(v2sf) =	vpush @p2 v15, $0xF;
	s0 =	smov.u32 @p2 s4;
	p5 =	por !p3, !p2;
	p3 =	por @!p2 p0, p0  }
0x124: {  	v15, _, _ =	vpop (xrf0);
	s4 =	simm.s32 @!p5 $0x0;
	s14 =	smov.u32 @p1 s3;
	p3 =	por !p3, !p2  }
0x125: {  	(v2sf) =	vpush v15, $0xF;
	s3 =	smov.u32 @p0 s23;
	s23 =	sld [smem:$0x7F6];
	s4 =	simm.s32 @p5 $0x1  }
0x126: {  	[smem:$0x7F9] =	sst s4;
	s4 =	smov.u32 @p0 s13;
	s13 =	smov.u32 @p2 s0  }
0x127: {  	s0 =	smov.u32 s8;
	s15 =	smov.u32 @p2 s13;
	s8 =	smov.u32 @p0 s4  }
0x128: {  	s13 =	rddreg [dreg:$0x8];
	s15 =	smov.u32 @p3 s14;
	s4 =	smov.u32 @p0 s8  }
0x129: {  	p3 =	seq.s32 s23, $0x1;
	s13 =	smov.u32 @p0 s3;
	s8 =	spop @p1 (v2sf)  }
0x12a: {  	s14 =	smov.u32 s18;
	s23 =	smov.u32 s18;
	p5 =	por @p2 p3, p4  }
0x12b: {  	s3 =	smov.u32 @p0 s4;
	p3 =	por $0x0, $0x0;
	s25 =	spop (v2sf)  }
0x12c: {  	v14 =	vbroadcast @p0 v14, $0xF;
	s14 =	smov.u32 @p2 s15;
	s3 =	smov.u32 @p0 s3;
	p5 =	por @!p2 p3, p3  }
0x12d: {  	v12 =	vpsel p0, v12, v13;
	v11 =	vpsel p0, v16, v11;
	p3 =	sgt.s32 @p0 s3, $0x3F;
	p4 =	por @p0 !p5, !p5;
	s3 =	smov.u32 @p0 s13  }
0x12e: {  	v11 =	vsub.s32 @p0 v12, v11;
	vm0 =	veq.s32 @p0 v14, v2;
	s13 =	smov.u32 s18;
	p6 =	por @p0 !p3, !p4;
	p3 =	por @!p0 p0, p0  }
0x12f: {  	v11 =	vnsel @p0 vm0, $0x0, v11;
	s15 =	smov.u32 s18;
	s13 =	smov.u32 @p0 s3;
	p4 =	por @p0 p5, p3  }
0x130: {  	v12 =	vbroadcast v15, $0xF;
	(xrf0) =	vadd.scan.msk.s32 @p0 $0xffff, v11;
	s3 =	smov.u32 @p0 s13;
	s13 =	spop @p0 (v2sf);
	p3 =	por $0x0, $0x0  }
0x131: {  	s4 =	sadd.s32 s30, s25;
	p4 =	por @!p0 p3, p3;
	s3 =	sadd.s32 @p0 s3, s13  }
0x132: {  	v10 =	vsub.s32 v18, v10;
	vm0 =	veq.s32 v12, v2;
	p3 =	por @p0 !p6, !p6;
	s13 =	spop @p2 (v2sf);
	s3 =	smov.u32 @p0 s3  }
0x133: {  	v10 =	vnsel vm0, $0x0, v10;
	p5 =	por !p3, !p0;
	p3 =	por @!p0 p0, p0;
	p6 =	por !p4, !p4  }
0x134: {  	(xrf0) =	vadd.scan.msk.s32 $0xffff, v10;
	p4 =	sgt.s32 s4, $0x3F;
	s4 =	smov.u32 s18;
	s29 =	spop (v2sf)  }
0x135: {  	s19 =	smov.u32 @p0 s3;
	p3 =	por !p3, !p0;
	p6 =	por !p4, !p6  }
0x136: {  	v10, _, _ =	vpop @p0 (xrf0);
	s3 =	smov.u32 s18;
	s19 =	smov.u32 @p3 s14;
	s14 =	smov.u32 s18  }
0x137: {  	(v2sf) =	vpush @p0 v10, $0xF;
	s6 =	sadd.s32 s6, s29;
	p3 =	por !p6, !p6;
	s18 =	smov.u32 @p0 s19  }
0x138: {  	s17 =	sand.u32 $0x3F00, s31;
	s19 =	sand.u32 $0x40, s31;
	s18 =	smov.u32 @p3 s6  }
0x139: {  	s6 =	sor.u32 s19, s17;
	s25 =	sshll.u32 s18, $0x18  }
0x13a: {  	v10, _, _ =	vpop (xrf0);
	s31 =	sld [smem:$0x7FA];
	v19 =	vld.idx.msk [tilespmem:v9+s6+$0x0 ss:$0x1], $0xffff;
	s29 =	sor.u32 $0xFFFFFF, s25  }
0x13b: {  	(v2sf) =	vpush v10, $0xF;
	v10 =	vld.idx.msk [tilespmem:v9+s6+$0x10 ss:$0x1], $0xffff;
	v11 =	vmov s29  }
0x13c: {  	v12 =	vld.idx.msk [tilespmem:v9+s6+$0x30 ss:$0x1], $0xffff;
	vm0 =	vlt.s32 v11, $0x0  }
0x13d: {  	p6 =	seq.s32 s31, $0x1;
	v11 =	vld.idx.msk [tilespmem:v9+s6+$0x20 ss:$0x1], $0xffff;
	v13 =	vsel vm0, $0x0, v5  }
0x13e: {  	s19 =	smov.u32 @p6 s21;
	s21 =	sld [smem:$0x7F7];
	v13 =	vxor.u32 s29, v13  }
0x13f: {  	s25 =	sld [smem:$0x7F9];
	vm3 =	vge.f32 v19, v13  }
0x140: {  	v14 =	vimm.s32 $0x0;
	s1 =	sadd.s32 @p6 s19, s1;
	s6 =	smov.u32 @p1 s22;
	s19 =	smov.u32 @p2 s24;
	vm2 =	vge.f32 v10, v13;
	v16 =	vmpcnt.ones.xlane vm3  }
0x141: {  	s24 =	sld [smem:$0x7F8];
	s0 =	smov.u32 @p2 s19;
	p4 =	seq.s32 s21, $0x1;
	vm1 =	vge.f32 v12, v13;
	v15 =	vsel vm3, $0x1, v0;
	v18 =	vmpcnt.ones.xlane vm2  }
0x142: {  	s4 =	smov.u32 @p1 s6;
	s0 =	smov.u32 @p2 s0;
	s1 =	smov.u32 @p4 s28;
	v17 =	vsel vm2, $0x1, v0;
	vm0 =	vge.f32 v11, v13;
	(xrf0) =	vadd.scan.msk.s32 $0xffff, v15;
	v15 =	vadd.s32 v14, v16  }
0x143: {  	s15 =	smov.u32 @p6 s1;
	s1 =	smov.u32 @p1 s4;
	s4 =	smov.u32 @p0 s7;
	v21 =	vsel vm3, $0xFFFFFFFF, v0;
	(xrf0) =	vadd.scan.msk.s32 $0xffff, v17;
	v17 =	vadd.s32 v15, v18;
	v18 =	vsel vm0, $0x1, v0  }
0x144: {  	p4 =	seq.s32 s24, $0x1;
	v23 =	vsel vm1, $0x1, v0;
	s1 =	sadd.s32 @p1 s1, s8;
	s16 =	smov.u32 @p0 s4;
	v16 =	vmpcnt.ones.xlane vm0;
	(xrf0) =	vadd.scan.msk.s32 $0xffff, v18;
	v18 =	vsel vm2, $0xFFFFFFFF, v0  }
0x145: {  	s4 =	sadd.s32 @p2 s0, s13;
	s0 =	simm.s32 $0x80;
	s1 =	smov.u32 @p4 s15;
	v24 =	vsel vm0, $0xFFFFFFFF, v0;
	v18 =	vadd.s32 v18, v15;
	v15 =	vsel vm1, $0xFFFFFFFF, v0  }
0x146: {  	s13 =	spop @p0 (v2sf);
	s23 =	smov.u32 @p1 s1;
	s1 =	smov.u32 @p0 s16;
	v22 =	vadd.s32 v17, v16;
	v27 =	vadd.s32 v24, v17;
	v17 =	vadd.s32 v21, v14  }
0x147: {  	v20 =	vmpcnt.ones.xlane vm1;
	s29 =	sand.u32 $0x3F00, s0;
	s14 =	smov.u32 @p0 s1;
	s1 =	simm.s32 $0x40;
	(xrf0) =	vadd.scan.msk.s32 $0xffff, v23  }
0x148: {  	vm4 =	vlt.s32 v19, $0x0;
	p1 =	seq.s32 s25, $0x1;
	s6 =	smov.u32 @p0 s14;
	s28 =	sand.u32 $0x40, s1;
	v21 =	vadd.s32 v15, v22;
	v15, _, _ =	vpop (xrf0)  }
0x149: {  	vm5 =	vlt.s32 v10, $0x0;
	s4 =	smov.u32 @p1 s23;
	v16 =	vadd.s32 v22, v20;
	s6 =	smov.u32 @p0 s6;
	s7 =	sor.u32 s28, s29;
	v20 =	vadd.s32 v15, v17;
	v17, _, _ =	vpop (xrf0)  }
0x14a: {  	vm7 =	vlt.s32 v12, $0x0;
	vm6 =	vlt.s32 v11, $0x0;
	s3 =	smov.u32 @p2 s4;
	s4 =	sadd.s32 @p0 s6, s13;
	v14 =	vld.idx.msk [tilespmem:v9+s7+$0x0 ss:$0x1], $0xffff;
	v28 =	vadd.s32 v17, v18  }
0x14b: {  	v25 =	vsel vm7, $0x0, v5;
	s31 =	spop (v2sf);
	v26 =	vsel vm6, $0x0, v5;
	v23 =	vsel vm4, $0x0, v5;
	s4 =	smov.u32 @p5 s3;
	v15 =	vld.idx.msk [tilespmem:v9+s7+$0x10 ss:$0x1], $0xffff  }
0x14c: {  	v24 =	vsel vm5, $0x0, v5;
	v23 =	vxor.u32 v19, v23;
	s3 =	sadd.s32 s30, s31;
	s20 =	smov.u32 @p0 s4;
	v17 =	vld.idx.msk [tilespmem:v9+s7+$0x20 ss:$0x1], $0xffff;
	v22 =	vsel vm3, v20, v6;
	v29, _, _ =	vpop (xrf0)  }
0x14d: {  	v19 =	vmov v16;
	s20 =	smov.u32 @p3 s3;
	s3 =	simm.s32 $0x4;
	v18 =	vld.idx.msk [tilespmem:v9+s7+$0x30 ss:$0x1], $0xffff;
	v20 =	vsel vm2, v28, v6;
	v27 =	vadd.s32 v29, v27;
	v28, _, _ =	vpop (xrf0)  }
.LBB2_27:
0x14e: {  	s3 =	sadd.s32 $0x4, s3;
	v24 =	vxor.u32 v10, v24;
	v27 =	vsel vm0, v27, v6;
	v10 =	vadd.s32 v28, v21  }
0x14f: {  	v21 =	vxor.u32 v11, v26;
	v25 =	vxor.u32 v12, v25;
	p0 =	slt.u32 s3, $0x1FC;
	v26 =	vsel vm1, v10, v6  }
0x150: {  	vm3 =	vge.f32 v14, v13;
	vm4 =	vlt.s32 v14, $0x0;
	v28 =	vmov v14  }
0x151: {  	v29 =	vsel vm3, $0x1, v0;
	v30 =	vmpcnt.ones.xlane vm3;
	vm2 =	vge.f32 v15, v13;
	[tilespmem:v22+s9+$0x0] =	vst.idx.msk $0xffff, v23;
	v10 =	vmovc v15  }
0x152: {  	v14 =	vsel vm2, $0x1, v0;
	v15 =	vmpcnt.ones.xlane vm2;
	vm0 =	vge.f32 v17, v13;
	v11 =	vmovc v17;
	(xrf0) =	vadd.scan.msk.s32 $0xffff, v29  }
0x153: {  	v17 =	vadd.s32 v16, v30;
	v16 =	vmpcnt.ones.xlane vm0;
	vm1 =	vge.f32 v18, v13;
	v12 =	vmovc v18;
	(xrf0) =	vadd.scan.msk.s32 $0xffff, v14  }
0x154: {  	v14 =	vadd.s32 v17, v15;
	v15 =	vsel vm0, $0x1, v0;
	v18 =	vmpcnt.ones.xlane vm1;
	[tilespmem:v20+s9+$0x0] =	vst.idx.msk $0xffff, v24  }
0x155: {  	v23 =	vsel vm1, $0x1, v0;
	v20 =	vsel vm3, $0xFFFFFFFF, v0;
	v22 =	vadd.s32 v14, v16;
	(xrf0) =	vadd.scan.msk.s32 $0xffff, v15  }
0x156: {  	s0 =	sadd.s32 $0x80, s0;
	s1 =	sadd.s32 $0x40, s1;
	v24 =	vsel vm0, $0xFFFFFFFF, v0;
	v15 =	vsel vm2, $0xFFFFFFFF, v0;
	v16 =	vadd.s32 v22, v18;
	(xrf0) =	vadd.scan.msk.s32 $0xffff, v23  }
0x157: {  	s4 =	sand.u32 $0x40, s1;
	s6 =	sand.u32 $0x3F00, s0;
	v29 =	vadd.s32 v24, v14;
	v14 =	vsel vm1, $0xFFFFFFFF, v0;
	v17 =	vadd.s32 v15, v17;
	[tilespmem:v27+s9+$0x0] =	vst.idx.msk $0xffff, v21  }
.Ltmp16:
0x158: {  	s4 =	sor.u32 s4, s6;
	vm5 =	vlt.s32 v10, $0x0;
	v15 =	vadd.s32 v20, v19;
	v21 =	vadd.s32 v14, v22;
	v18, _, _ =	vpop (xrf0);
	[tilespmem:v26+s9+$0x0] =	vst.idx.msk $0xffff, v25;
	(pc) =	sbr.rel @p0 .LBB2_27-.Ltmp16, $4  }
0x159: {  	vm6 =	vlt.s32 v11, $0x0;
	vm7 =	vlt.s32 v12, $0x0;
	v14 =	vld.idx.msk [tilespmem:v9+s4+$0x0 ss:$0x1], $0xffff;
	v18 =	vadd.s32 v18, v15;
	v19, _, _ =	vpop (xrf0)  }
0x15a: {  	v24 =	vsel vm5, $0x0, v5;
	v20 =	vsel vm4, $0x0, v5;
	v15 =	vld.idx.msk [tilespmem:v9+s4+$0x10 ss:$0x1], $0xffff;
	v27 =	vadd.s32 v19, v17;
	v19 =	vmovc v16  }
0x15b: {  	v26 =	vsel vm6, $0x0, v5;
	v25 =	vsel vm7, $0x0, v5;
	v22 =	vsel vm3, v18, v6;
	v17 =	vld.idx.msk [tilespmem:v9+s4+$0x20 ss:$0x1], $0xffff;
	v30, _, _ =	vpop (xrf0)  }
0x15c: {  	v23 =	vxor.u32 v28, v20;
	v20 =	vsel vm2, v27, v6;
	v18 =	vld.idx.msk [tilespmem:v9+s4+$0x30 ss:$0x1], $0xffff;
	v27 =	vadd.s32 v30, v29;
	v28, _, _ =	vpop (xrf0)  }
0x15d: {  	_ = 	snop  }
0x15e: {  	vm4 =	vge.f32 v14, v13  }
0x15f: {  	v9 =	vmpcnt.ones.xlane vm4;
	vm5 =	vge.f32 v15, v13  }
0x160: {  	v29 =	vsel vm4, $0x1, v0;
	v30 =	vmpcnt.ones.xlane vm5;
	vm3 =	vge.f32 v17, v13  }
0x161: {  	v9 =	vadd.s32 v16, v9;
	v44 =	vmpcnt.ones.xlane vm3;
	vm2 =	vge.f32 v18, v13  }
0x162: {  	v45 =	vsel vm5, $0x1, v0;
	(xrf0) =	vadd.scan.msk.s32 $0xffff, v29;
	v46 =	vadd.s32 v9, v30;
	v47 =	vmpcnt.ones.xlane vm2  }
0x163: {  	(xrf0) =	vadd.scan.msk.s32 $0xffff, v45;
	v48 =	vsel vm3, $0x1, v0;
	v16 =	vadd.s32 v46, v44  }
0x164: {  	v31 =	vsel vm2, $0x1, v0;
	(xrf0) =	vadd.scan.msk.s32 $0xffff, v48;
	v49 =	vadd.s32 v16, v47  }
0x165: {  	(xrf0) =	vadd.scan.msk.s32 $0xffff, v31;
	v13 =	vxor.u32 $0x80000000, v49  }
0x166: {  	(xrf0) =	vmax.scan.msk.u32 $0xffff, v13;
	_ =	sdelay $0x1  }
0x167: {  	v50, _, _ =	vpop (xrf0)  }
0x168: {  	v51, _, _ =	vpop (xrf0)  }
0x169: {  	v52, _, _ =	vpop (xrf0)  }
0x16a: {  	v32, _, _ =	vpop (xrf0)  }
0x16b: {  	v33, _, _ =	vpop (xrf0)  }
0x16c: {  	(v2sf) =	vpush v33, $0xF;
	_ =	sdelay $0x5  }
0x16d: {  	v10 =	vxor.u32 v10, v24  }
0x16e: {  	v21 =	vadd.s32 v28, v21;
	v11 =	vxor.u32 v11, v26;
	v12 =	vxor.u32 v12, v25  }
0x16f: {  	v56 =	vsel vm0, v27, v6;
	v57 =	vsel vm1, v21, v6;
	v54 =	vsel vm4, $0xFFFFFFFF, v0  }
0x170: {  	v53 =	vsel vm5, $0xFFFFFFFF, v0;
	v19 =	vadd.s32 v54, v19;
	v55 =	vsel vm3, $0xFFFFFFFF, v0  }
0x171: {  	[tilespmem:v22+s9+$0x0] =	vst.idx.msk $0xffff, v23;
	v9 =	vadd.s32 v53, v9;
	v58 =	vsel vm2, $0xFFFFFFFF, v0;
	v13 =	vadd.s32 v50, v19  }
0x172: {  	v24 =	vadd.s32 v55, v46;
	v9 =	vadd.s32 v51, v9;
	v13 =	vsel vm4, v13, v6  }
0x173: {  	v16 =	vadd.s32 v58, v16;
	v9 =	vsel vm5, v9, v6;
	v59 =	vadd.s32 v52, v24  }
0x174: {  	vm12 =	vlt.s32 v14, $0x0;
	[tilespmem:v20+s9+$0x0] =	vst.idx.msk $0xffff, v10;
	v10 =	vsel vm3, v59, v6;
	v16 =	vadd.s32 v32, v16  }
0x175: {  	vm13 =	vlt.s32 v15, $0x0;
	[tilespmem:v56+s9+$0x0] =	vst.idx.msk $0xffff, v11;
	v11 =	vsel vm12, $0x0, v5;
	v16 =	vsel vm2, v16, v6  }
0x176: {  	vm14 =	vlt.s32 v17, $0x0;
	v60 =	vsel vm13, $0x0, v5;
	[tilespmem:v57+s9+$0x0] =	vst.idx.msk $0xffff, v12;
	v11 =	vxor.u32 v14, v11;
	s0 =	spop (v2sf)  }
0x177: {  	vm15 =	vlt.s32 v18, $0x0;
	v62 =	vsel vm14, $0x0, v5;
	v12 =	vxor.u32 v15, v60;
	[tilespmem:v13+s9+$0x0] =	vst.idx.msk $0xffff, v11;
	s1 =	sxor.u32 $0x80000000, s0;
	s0 =	sadd.s32 $0x8000000F, s0  }
0x178: {  	v63 =	vxor.u32 v17, v62;
	v11 =	vsel vm15, $0x0, v5;
	[tilespmem:v9+s9+$0x0] =	vst.idx.msk $0xffff, v12;
	v61 =	vadd.s32 s1, v2;
	s1 =	sshra.s32 s0, $0x4  }
0x179: {  	v9 =	vxor.u32 v18, v11;
	[tilespmem:v10+s9+$0x0] =	vst.idx.msk $0xffff, v63;
	p0 =	slt.s32 s1, $0x1  }
.Ltmp17:
0x17a: {  	[tilespmem:v16+s9+$0x0] =	vst.idx.msk $0xffff, v9;
	(pc) =	sbr.rel @p0 .LBB2_31-.Ltmp17, $2  }
0x17b: {  	s31 =	sld [smem:$0x7FD];
	_ =	sdelay $0x2  }
0x17c: {  	s8 =	rddreg [dreg:$0x7];
	p3 =	seq.s32 s31, $0x1;
	[tilespmem:v61+s9+$0x0] =	vst.idx.msk $0xffff, v7  }
0x17d: {  	p1 =	seq.s32 s1, $0x1  }
.Ltmp18:
0x17e: {  	_ = 	snop;
	(pc) =	sbr.rel @p1 .LBB2_30-.Ltmp18, $3  }
0x17f: {  	_ =	sdelay $0x1  }
0x180: {  	s0 =	simm.s32 $0x4000  }
0x181: {  	v9 =	vmov s18;
	s3 =	simm.s32 $0x4010;
	p0 =	por $0x0, $0x0;
	v11 =	vld [tilespmem:s0+$0x0];
	s0 =	sadd.s32 $0xFFFFFFFF, s1  }
0x182: {  	_ =	sdelay $0x3  }
0x183: {  	p1 =	seq.s32 s0, $0x1;
	v10 =	vshrl.u32 v11, $0x14  }
.Ltmp19:
0x184: {  	v12 =	vshrl.u32 v11, $0x18;
	v11 =	vld [tilespmem:s3+$0x0];
	v10 =	vand.u32 $0xF, v10;
	(pc) =	sbr.rel @p1 .LBB2_35-.Ltmp19, $2  }
0x185: {  	v10 =	vor.u32 v8, v10;
	_ =	sdelay $0x2  }
0x186: {  	s0 =	sadd.s32 $0xFFFFFFFF, s0;
	p0 =	por $0x1, $0x1;
	s3 =	simm.s32 $0x4020;
	vm0 =	veq.s32 v12, v9  }
.LBB2_34:
0x187: {  	v12 =	vld [tilespmem:s3+$0x0];
	v13 =	vshrl.u32 v11, $0x14;
	v14 =	vsel vm0, $0x1, v0;
	p1 =	seq.s32 s0, $0x1  }
.Ltmp20:
0x188: {  	s0 =	sadd.s32 $0xFFFFFFFF, s0;
	v13 =	vand.u32 $0xF, v13;
	[tilespmem:v10+s10+$0x0] =	vst.idx.add.s32.msk $0xffff, v14;
	(pc) =	sbr.rel @!p1 .LBB2_34-.Ltmp20, $3  }
0x189: {  	v10 =	vor.u32 v8, v13;
	_ =	sdelay $0x1  }
0x18a: {  	v13 =	vshrl.u32 v11, $0x18  }
0x18b: {  	s3 =	sadd.s32 $0x10, s3;
	vm0 =	veq.s32 v13, v9;
	v11 =	vmov v12  }
.LBB2_35:
0x18c: {  	v12 =	vshrl.u32 v11, $0x14  }
0x18d: {  	v12 =	vand.u32 $0xF, v12  }
0x18e: {  	v12 =	vor.u32 v8, v12;
	_ =	sdelay $0x1  }
0x18f: {  	v11 =	vshrl.u32 v11, $0x18  }
0x190: {  	v13 =	vsel @p0 vm0, $0x1, v0;
	vm15 =	veq.s32 v11, v9  }
0x191: {  	[tilespmem:v10+s10+$0x0] =	vst.idx.add.s32.msk @p0 $0xffff, v13;
	v9 =	vsel vm15, $0x1, v0  }
0x192: {  	[tilespmem:v12+s10+$0x0] =	vst.idx.add.s32.msk $0xffff, v9  }
.LBB2_31:
0x193: {  	v9 =	vld [tilespmem:$0x9100]  }
0x194: {  	v10 =	vld [tilespmem:$0x9110]  }
0x195: {  	v11 =	vld [tilespmem:$0x9120]  }
0x196: {  	v12 =	vld [tilespmem:$0x9130]  }
0x197: {  	v13 =	vld [tilespmem:$0x9140]  }
0x198: {  	v14 =	vld [tilespmem:$0x9150]  }
0x199: {  	v9 =	vadd.s32 v9, v10;
	v10 =	vld [tilespmem:$0x9160]  }
0x19a: {  	v9 =	vadd.s32 v11, v9;
	v11 =	vld [tilespmem:$0x9170]  }
0x19b: {  	v57 =	vld [tilespmem:$0x9180];
	v9 =	vadd.s32 v12, v9  }
0x19c: {  	v58 =	vld [tilespmem:$0x9190];
	v9 =	vadd.s32 v13, v9  }
0x19d: {  	v59 =	vld [tilespmem:$0x91A0];
	v9 =	vadd.s32 v14, v9  }
0x19e: {  	v9 =	vadd.s32 v10, v9;
	v10 =	vld [tilespmem:$0x91B0]  }
0x19f: {  	v9 =	vadd.s32 v11, v9;
	v11 =	vld [tilespmem:$0x91C0]  }
0x1a0: {  	v60 =	vld [tilespmem:$0x91D0];
	v9 =	vadd.s32 v57, v9  }
0x1a1: {  	v61 =	vld [tilespmem:$0x91E0];
	v9 =	vadd.s32 v58, v9  }
0x1a2: {  	v62 =	vld [tilespmem:$0x91F0];
	v9 =	vadd.s32 v59, v9  }
0x1a3: {  	v9 =	vadd.s32 v10, v9  }
0x1a4: {  	v9 =	vadd.s32 v11, v9  }
0x1a5: {  	v9 =	vadd.s32 v60, v9  }
0x1a6: {  	v9 =	vadd.s32 v61, v9  }
0x1a7: {  	v9 =	vadd.s32 v62, v9  }
0x1a8: {  	(xrf0) =	vadd.scan.msk.s32 $0xffff, v9;
	_ =	sdelay $0x5  }
0x1a9: {  	s19 =	ssub.s32 $0x40, s20;
	v10, _, _ =	vpop (xrf0)  }
0x1aa: {  	vm0 =	vlt.s32 v10, s19  }
0x1ab: {  	v11 =	vsel vm0, $0x1, v0  }
0x1ac: {  	(xrf0) =	vadd.scan.msk.s32 $0xffff, v11;
	_ =	sdelay $0x5  }
0x1ad: {  	v11, _, _ =	vpop (xrf0)  }
0x1ae: {  	v63 =	vbroadcast v11, $0xF;
	_ =	sdelay $0x1  }
0x1af: {  	v9 =	vsub.s32 v10, v9;
	vm15 =	veq.s32 v63, v2  }
0x1b0: {  	v9 =	vnsel vm15, $0x0, v9  }
0x1b1: {  	(xrf0) =	vadd.scan.msk.s32 $0xffff, v9;
	_ =	sdelay $0x4  }
0x1b2: {  	(v2sf) =	vpush v11, $0xF  }
0x1b3: {  	v9, _, _ =	vpop (xrf0)  }
0x1b4: {  	[tilespmem:$0x9100] =	vst v0;
	(v2sf) =	vpush v9, $0xF  }
0x1b5: {  	[tilespmem:$0x9110] =	vst v0  }
0x1b6: {  	[tilespmem:$0x9120] =	vst v0  }
0x1b7: {  	[tilespmem:$0x9130] =	vst v0  }
0x1b8: {  	[tilespmem:$0x9140] =	vst v0  }
0x1b9: {  	[tilespmem:$0x9150] =	vst v0  }
0x1ba: {  	[tilespmem:$0x9180] =	vst v0  }
0x1bb: {  	[tilespmem:$0x9190] =	vst v0  }
0x1bc: {  	[tilespmem:$0x91A0] =	vst v0  }
0x1bd: {  	[tilespmem:$0x91D0] =	vst v0  }
0x1be: {  	p0 =	sgt.s32 s1, $0x0;
	[tilespmem:$0x91E0] =	vst v0  }
.Ltmp21:
0x1bf: {  	[tilespmem:$0x91F0] =	vst v0;
	(pc) =	sbr.rel @!p0 .LBB2_32-.Ltmp21, $4  }
0x1c0: {  	[tilespmem:$0x9160] =	vst v0  }
0x1c1: {  	s3 =	sshll.u32 s18, $0x4;
	[tilespmem:$0x9170] =	vst v0;
	s0 =	spop (v2sf)  }
0x1c2: {  	[tilespmem:$0x91B0] =	vst v0;
	s20 =	sadd.s32 s3, s0  }
0x1c3: {  	[tilespmem:$0x91C0] =	vst v0;
	v9 =	vmov s20;
	s0 =	spop (v2sf)  }
0x1c4: {  	s3 =	simm.s32 $0x4000  }
0x1c5: {  	p2 =	seq.s32 s1, $0x1;
	v11 =	vld [tilespmem:s3+$0x0]  }
.Ltmp22:
0x1c6: {  	_ = 	snop;
	(pc) =	sbr.rel @p2 .LBB2_41-.Ltmp22, $3  }
0x1c7: {  	_ =	sdelay $0x1  }
0x1c8: {  	s1 =	sadd.s32 $0xFFFFFFFF, s1  }
0x1c9: {  	v10 =	vimm.s32 $0x0;
	p0 =	por $0x0, $0x0;
	p1 =	por $0x0, $0x0;
	s3 =	simm.s32 $0x4010;
	v14 =	vshrl.u32 v11, $0x14  }
0x1ca: {  	v13 =	vld [tilespmem:s3+$0x0];
	p2 =	seq.s32 s1, $0x1  }
.Ltmp23:
0x1cb: {  	_ = 	snop;
	(pc) =	sbr.rel @p2 .LBB2_43-.Ltmp23, $4  }
0x1cc: {  	_ = 	snop  }
0x1cd: {  	vm0 =	vle.u32 v14, v9  }
0x1ce: {  	v12 =	vsel vm0, $0x1, v0  }
0x1cf: {  	s1 =	sadd.s32 $0xFFFFFFFF, s1;
	s3 =	simm.s32 $0x4020;
	p0 =	por $0x1, $0x1;
	vm0 =	vmmov vm0;
	(xrf0) =	vadd.scan.msk.s32 $0xffff, v12;
	v14 =	vshrl.u32 v13, $0x14  }
0x1d0: {  	_ =	sdelay $0x2  }
0x1d1: {  	v17 =	vld [tilespmem:s3+$0x0];
	vm1 =	vle.u32 v14, v9;
	p2 =	seq.s32 s1, $0x1  }
.Ltmp24:
0x1d2: {  	v12 =	vsel vm0, $0xFFFFFFFF, v0;
	v14 =	vsel vm1, $0x1, v0;
	(pc) =	sbr.rel @p2 .LBB2_45-.Ltmp24, $4  }
0x1d3: {  	v12 =	vadd.s32 v12, v10;
	v15, _, _ =	vpop (xrf0);
	(xrf0) =	vadd.scan.msk.s32 $0xffff, v14  }
0x1d4: {  	v12 =	vadd.s32 v15, v12  }
0x1d5: {  	v16 =	vmpcnt.ones.xlane vm0;
	v12 =	vsel vm0, v12, v6  }
0x1d6: {  	s1 =	sadd.s32 $0xFFFFFFFF, s1;
	s3 =	simm.s32 $0x4030;
	p1 =	por $0x1, $0x1;
	v14 =	vshrl.u32 v17, $0x14;
	v15 =	vimm.s32 $0x0;
	vm0 =	vmmov vm1  }
.LBB2_46:
0x1d7: {  	v18 =	vld [tilespmem:s3+$0x0];
	p2 =	seq.s32 s1, $0x1;
	s1 =	sadd.s32 $0xFFFFFFFF, s1;
	vm1 =	vle.u32 v14, v9  }
.Ltmp25:
0x1d8: {  	v19 =	vsel vm0, $0xFFFFFFFF, v0;
	v14 =	vsel vm1, $0x1, v0;
	v15 =	vadd.s32 v15, v16;
	(pc) =	sbr.rel @!p2 .LBB2_46-.Ltmp25, $4  }
0x1d9: {  	(xrf0) =	vadd.scan.msk.s32 $0xffff, v14;
	v14 =	vadd.s32 v19, v15;
	v16, _, _ =	vpop (xrf0)  }
0x1da: {  	v14 =	vadd.s32 v16, v14;
	[tilespmem:v12+s11+$0x0] =	vst.idx.msk $0xffff, v11;
	v11 =	vmov v13;
	v13 =	vmov v17  }
0x1db: {  	v12 =	vsel vm0, v14, v6  }
0x1dc: {  	s3 =	sadd.s32 $0x10, s3;
	v16 =	vmpcnt.ones.xlane vm0;
	vm0 =	vmmov vm1;
	v14 =	vshrl.u32 v18, $0x14;
	v17 =	vmovc v18  }
0x1dd: {  	v18 =	vmov v11;
	v19 =	vmov v13;
	v11 =	vmov v17  }
.LBB2_48:
0x1de: {  	vm1 =	vle.u32 v14, v9  }
0x1df: {  	v13 =	vsel vm1, $0x1, v0  }
0x1e0: {  	(xrf0) =	vadd.scan.msk.s32 $0xffff, v13  }
0x1e1: {  	v13 =	vmpcnt.ones.xlane @p0 vm0  }
0x1e2: {  	v14 =	vadd.s32 @p1 v15, v16  }
0x1e3: {  	v15 =	vsel @p0 vm0, $0xFFFFFFFF, v0;
	v14 =	vpsel p1, v14, v10;
	v13 =	vpsel p0, v13, v0  }
0x1e4: {  	v16, _, _ =	vpop @p0 (xrf0);
	vm1 =	vmmov vm1;
	v15 =	vadd.s32 @p0 v15, v14;
	v13 =	vadd.s32 @p0 v14, v13  }
0x1e5: {  	v60 =	vsel vm1, $0xFFFFFFFF, v0;
	v14 =	vadd.s32 @p0 v16, v15;
	v10 =	vpsel p0, v13, v10  }
0x1e6: {  	v13 =	vsel @p0 vm0, v14, v6;
	v61 =	vadd.s32 v60, v10;
	v62, _, _ =	vpop (xrf0)  }
0x1e7: {  	v13 =	vpsel p0, v13, v0;
	v14 =	vadd.s32 v62, v61  }
0x1e8: {  	v14 =	vsel vm1, v14, v6;
	_ =	sdelay $0x1  }
0x1e9: {  	v15 =	vmov @p0 v19  }
0x1ea: {  	[tilespmem:v12+s11+$0x0] =	vst.idx.msk @p1 $0xffff, v18;
	v63 =	vmpcnt.ones.xlane vm1;
	v12 =	vpsel p0, v15, v0  }
0x1eb: {  	[tilespmem:v13+s11+$0x0] =	vst.idx.msk @p0 $0xffff, v12  }
0x1ec: {  	v10 =	vadd.s32 v10, v63;
	[tilespmem:v14+s11+$0x0] =	vst.idx.msk $0xffff, v11  }
.Ltmp26:
0x1ed: {  	(pc) =	sbr.rel .LBB2_37-.Ltmp26, $2  }
0x1ee: {  	_ =	sdelay $0x2  }
0x1ef: {  	v10 =	vxor.u32 $0x80000000, v10  }
.LBB2_32:
0x1f0: {  	v10 =	vimm.s32 $0x80000000  }
.LBB2_37:
0x1f1: {  	(xrf0) =	vmax.scan.msk.u32 $0xffff, v10;
	_ =	sdelay $0x5  }
0x1f2: {  	v10, _, _ =	vpop (xrf0)  }
0x1f3: {  	(v2sf) =	vpush v10, $0xF;
	_ =	sdelay $0xe  }
0x1f4: {  	s1 =	spop (v2sf)  }
0x1f5: {  	s3 =	sxor.u32 $0x80000000, s1;
	s1 =	sadd.s32 $0x8000000F, s1  }
0x1f6: {  	s1 =	sshra.s32 s1, $0x4  }
0x1f7: {  	v10 =	vadd.s32 s3, v2;
	p0 =	sgt.s32 s1, $0x0  }
.Ltmp27:
0x1f8: {  	_ = 	snop;
	(pc) =	sbr.rel @!p0 .LBB2_49-.Ltmp27, $2  }
0x1f9: {  	_ =	sdelay $0x2  }
0x1fa: {  	[tilespmem:v10+s11+$0x0] =	vst.idx.msk $0xffff, v7  }
0x1fb: {  	p2 =	seq.s32 s1, $0x1  }
.Ltmp28:
0x1fc: {  	_ = 	snop;
	(pc) =	sbr.rel @p2 .LBB2_39-.Ltmp28, $3  }
0x1fd: {  	_ =	sdelay $0x1  }
0x1fe: {  	s3 =	simm.s32 $0x6080  }
0x1ff: {  	s6 =	simm.s32 $0x6090;
	p1 =	por $0x0, $0x0;
	v11 =	vld [tilespmem:s3+$0x0];
	s3 =	sadd.s32 $0xFFFFFFFF, s1  }
0x200: {  	_ =	sdelay $0x3  }
0x201: {  	p2 =	seq.s32 s3, $0x1;
	v10 =	vshrl.u32 v11, $0x10  }
.Ltmp29:
0x202: {  	v12 =	vshrl.u32 v11, $0x14;
	v11 =	vld [tilespmem:s6+$0x0];
	v10 =	vand.u32 $0xF, v10;
	(pc) =	sbr.rel @p2 .LBB2_53-.Ltmp29, $2  }
0x203: {  	v10 =	vor.u32 v8, v10;
	_ =	sdelay $0x2  }
0x204: {  	s3 =	sadd.s32 $0xFFFFFFFF, s3;
	p1 =	por $0x1, $0x1;
	s6 =	simm.s32 $0x60A0;
	vm0 =	veq.s32 v12, v9  }
.LBB2_52:
0x205: {  	v12 =	vld [tilespmem:s6+$0x0];
	v13 =	vshrl.u32 v11, $0x10;
	v14 =	vsel vm0, $0x1, v0;
	p2 =	seq.s32 s3, $0x1  }
.Ltmp30:
0x206: {  	s3 =	sadd.s32 $0xFFFFFFFF, s3;
	v13 =	vand.u32 $0xF, v13;
	[tilespmem:v10+s10+$0x0] =	vst.idx.add.s32.msk $0xffff, v14;
	(pc) =	sbr.rel @!p2 .LBB2_52-.Ltmp30, $3  }
0x207: {  	v10 =	vor.u32 v8, v13;
	_ =	sdelay $0x1  }
0x208: {  	v13 =	vshrl.u32 v11, $0x14  }
0x209: {  	s6 =	sadd.s32 $0x10, s6;
	vm0 =	veq.s32 v13, v9;
	v11 =	vmov v12  }
.LBB2_53:
0x20a: {  	v12 =	vshrl.u32 v11, $0x10  }
0x20b: {  	v12 =	vand.u32 $0xF, v12  }
0x20c: {  	v12 =	vor.u32 v8, v12;
	_ =	sdelay $0x1  }
0x20d: {  	v11 =	vshrl.u32 v11, $0x14  }
0x20e: {  	v13 =	vsel @p1 vm0, $0x1, v0;
	vm15 =	veq.s32 v11, v9  }
0x20f: {  	[tilespmem:v10+s10+$0x0] =	vst.idx.add.s32.msk @p1 $0xffff, v13;
	v9 =	vsel vm15, $0x1, v0  }
0x210: {  	[tilespmem:v12+s10+$0x0] =	vst.idx.add.s32.msk $0xffff, v9  }
.LBB2_49:
0x211: {  	v9 =	vld [tilespmem:$0x9100]  }
0x212: {  	v10 =	vld [tilespmem:$0x9110]  }
0x213: {  	v11 =	vld [tilespmem:$0x9120]  }
0x214: {  	v12 =	vld [tilespmem:$0x9130]  }
0x215: {  	v13 =	vld [tilespmem:$0x9140]  }
0x216: {  	v14 =	vld [tilespmem:$0x9150]  }
0x217: {  	v9 =	vadd.s32 v9, v10;
	v10 =	vld [tilespmem:$0x9160]  }
0x218: {  	v9 =	vadd.s32 v11, v9;
	v11 =	vld [tilespmem:$0x9170]  }
0x219: {  	v57 =	vld [tilespmem:$0x9180];
	v9 =	vadd.s32 v12, v9  }
0x21a: {  	v58 =	vld [tilespmem:$0x9190];
	v9 =	vadd.s32 v13, v9  }
0x21b: {  	v59 =	vld [tilespmem:$0x91A0];
	v9 =	vadd.s32 v14, v9  }
0x21c: {  	v9 =	vadd.s32 v10, v9;
	v10 =	vld [tilespmem:$0x91B0]  }
0x21d: {  	v9 =	vadd.s32 v11, v9;
	v11 =	vld [tilespmem:$0x91C0]  }
0x21e: {  	v60 =	vld [tilespmem:$0x91D0];
	v9 =	vadd.s32 v57, v9  }
0x21f: {  	v61 =	vld [tilespmem:$0x91E0];
	v9 =	vadd.s32 v58, v9  }
0x220: {  	v62 =	vld [tilespmem:$0x91F0];
	v9 =	vadd.s32 v59, v9  }
0x221: {  	v9 =	vadd.s32 v10, v9  }
0x222: {  	v9 =	vadd.s32 v11, v9  }
0x223: {  	v9 =	vadd.s32 v60, v9  }
0x224: {  	v9 =	vadd.s32 v61, v9  }
0x225: {  	v9 =	vadd.s32 v62, v9  }
0x226: {  	(xrf0) =	vadd.scan.msk.s32 $0xffff, v9;
	_ =	sdelay $0x5  }
0x227: {  	s18 =	ssub.s32 s19, s0;
	v10, _, _ =	vpop (xrf0)  }
0x228: {  	vm0 =	vlt.s32 v10, s18  }
0x229: {  	v11 =	vsel vm0, $0x1, v0  }
0x22a: {  	(xrf0) =	vadd.scan.msk.s32 $0xffff, v11;
	_ =	sdelay $0x5  }
0x22b: {  	v11, _, _ =	vpop (xrf0)  }
0x22c: {  	v63 =	vbroadcast v11, $0xF;
	_ =	sdelay $0x1  }
0x22d: {  	v9 =	vsub.s32 v10, v9;
	vm15 =	veq.s32 v63, v2  }
0x22e: {  	v9 =	vnsel vm15, $0x0, v9  }
0x22f: {  	(xrf0) =	vadd.scan.msk.s32 $0xffff, v9;
	_ =	sdelay $0x4  }
0x230: {  	(v2sf) =	vpush v11, $0xF  }
0x231: {  	v9, _, _ =	vpop (xrf0)  }
0x232: {  	[tilespmem:$0x9100] =	vst v0;
	(v2sf) =	vpush v9, $0xF  }
0x233: {  	[tilespmem:$0x9110] =	vst v0  }
0x234: {  	[tilespmem:$0x9120] =	vst v0  }
0x235: {  	[tilespmem:$0x9130] =	vst v0  }
0x236: {  	[tilespmem:$0x9140] =	vst v0  }
0x237: {  	[tilespmem:$0x9150] =	vst v0  }
0x238: {  	[tilespmem:$0x9180] =	vst v0  }
0x239: {  	[tilespmem:$0x9190] =	vst v0  }
0x23a: {  	[tilespmem:$0x91A0] =	vst v0  }
0x23b: {  	[tilespmem:$0x91D0] =	vst v0  }
0x23c: {  	[tilespmem:$0x91E0] =	vst v0  }
.Ltmp31:
0x23d: {  	[tilespmem:$0x91F0] =	vst v0;
	(pc) =	sbr.rel @!p0 .LBB2_50-.Ltmp31, $4  }
0x23e: {  	[tilespmem:$0x9160] =	vst v0  }
0x23f: {  	s3 =	sshll.u32 s20, $0x4;
	[tilespmem:$0x9170] =	vst v0;
	s31 =	spop (v2sf)  }
0x240: {  	[tilespmem:$0x91B0] =	vst v0;
	s19 =	sadd.s32 s3, s31  }
0x241: {  	[tilespmem:$0x91C0] =	vst v0;
	v9 =	vmov s19;
	s0 =	spop (v2sf)  }
0x242: {  	s3 =	simm.s32 $0x6080  }
0x243: {  	p2 =	seq.s32 s1, $0x1;
	v11 =	vld [tilespmem:s3+$0x0]  }
.Ltmp32:
0x244: {  	_ = 	snop;
	(pc) =	sbr.rel @p2 .LBB2_59-.Ltmp32, $3  }
0x245: {  	_ =	sdelay $0x1  }
0x246: {  	s1 =	sadd.s32 $0xFFFFFFFF, s1  }
0x247: {  	v10 =	vimm.s32 $0x0;
	p0 =	por $0x0, $0x0;
	p1 =	por $0x0, $0x0;
	s3 =	simm.s32 $0x6090;
	v14 =	vshrl.u32 v11, $0x10  }
0x248: {  	v13 =	vld [tilespmem:s3+$0x0];
	p2 =	seq.s32 s1, $0x1  }
.Ltmp33:
0x249: {  	_ = 	snop;
	(pc) =	sbr.rel @p2 .LBB2_61-.Ltmp33, $4  }
0x24a: {  	_ = 	snop  }
0x24b: {  	vm0 =	vle.u32 v14, v9  }
0x24c: {  	v12 =	vsel vm0, $0x1, v0  }
0x24d: {  	s1 =	sadd.s32 $0xFFFFFFFF, s1;
	s3 =	simm.s32 $0x60A0;
	p0 =	por $0x1, $0x1;
	vm0 =	vmmov vm0;
	(xrf0) =	vadd.scan.msk.s32 $0xffff, v12;
	v14 =	vshrl.u32 v13, $0x10  }
0x24e: {  	_ =	sdelay $0x2  }
0x24f: {  	v17 =	vld [tilespmem:s3+$0x0];
	vm1 =	vle.u32 v14, v9;
	p2 =	seq.s32 s1, $0x1  }
.Ltmp34:
0x250: {  	v12 =	vsel vm0, $0xFFFFFFFF, v0;
	v14 =	vsel vm1, $0x1, v0;
	(pc) =	sbr.rel @p2 .LBB2_63-.Ltmp34, $4  }
0x251: {  	v12 =	vadd.s32 v12, v10;
	v15, _, _ =	vpop (xrf0);
	(xrf0) =	vadd.scan.msk.s32 $0xffff, v14  }
0x252: {  	v12 =	vadd.s32 v15, v12  }
0x253: {  	v16 =	vmpcnt.ones.xlane vm0;
	v12 =	vsel vm0, v12, v6  }
0x254: {  	s1 =	sadd.s32 $0xFFFFFFFF, s1;
	s3 =	simm.s32 $0x60B0;
	p1 =	por $0x1, $0x1;
	v14 =	vshrl.u32 v17, $0x10;
	v15 =	vimm.s32 $0x0;
	vm0 =	vmmov vm1  }
.LBB2_64:
0x255: {  	v18 =	vld [tilespmem:s3+$0x0];
	p2 =	seq.s32 s1, $0x1;
	s1 =	sadd.s32 $0xFFFFFFFF, s1;
	vm1 =	vle.u32 v14, v9  }
.Ltmp35:
0x256: {  	v19 =	vsel vm0, $0xFFFFFFFF, v0;
	v14 =	vsel vm1, $0x1, v0;
	v15 =	vadd.s32 v15, v16;
	(pc) =	sbr.rel @!p2 .LBB2_64-.Ltmp35, $4  }
0x257: {  	(xrf0) =	vadd.scan.msk.s32 $0xffff, v14;
	v14 =	vadd.s32 v19, v15;
	v16, _, _ =	vpop (xrf0)  }
0x258: {  	v14 =	vadd.s32 v16, v14;
	[tilespmem:v12+s9+$0x0] =	vst.idx.msk $0xffff, v11;
	v11 =	vmov v13;
	v13 =	vmov v17  }
0x259: {  	v12 =	vsel vm0, v14, v6  }
0x25a: {  	s3 =	sadd.s32 $0x10, s3;
	v16 =	vmpcnt.ones.xlane vm0;
	vm0 =	vmmov vm1;
	v14 =	vshrl.u32 v18, $0x10;
	v17 =	vmovc v18  }
0x25b: {  	v18 =	vmov v11;
	v19 =	vmov v13;
	v11 =	vmov v17  }
.LBB2_66:
0x25c: {  	vm1 =	vle.u32 v14, v9  }
0x25d: {  	v13 =	vsel vm1, $0x1, v0  }
0x25e: {  	(xrf0) =	vadd.scan.msk.s32 $0xffff, v13  }
0x25f: {  	v13 =	vmpcnt.ones.xlane @p0 vm0  }
0x260: {  	v14 =	vadd.s32 @p1 v15, v16  }
0x261: {  	v15 =	vsel @p0 vm0, $0xFFFFFFFF, v0;
	v14 =	vpsel p1, v14, v10;
	v13 =	vpsel p0, v13, v0  }
0x262: {  	v16, _, _ =	vpop @p0 (xrf0);
	vm1 =	vmmov vm1;
	v15 =	vadd.s32 @p0 v15, v14;
	v13 =	vadd.s32 @p0 v14, v13  }
0x263: {  	v60 =	vsel vm1, $0xFFFFFFFF, v0;
	v14 =	vadd.s32 @p0 v16, v15;
	v10 =	vpsel p0, v13, v10  }
0x264: {  	v13 =	vsel @p0 vm0, v14, v6;
	v61 =	vadd.s32 v60, v10;
	v62, _, _ =	vpop (xrf0)  }
0x265: {  	v13 =	vpsel p0, v13, v0;
	v14 =	vadd.s32 v62, v61  }
0x266: {  	v14 =	vsel vm1, v14, v6;
	_ =	sdelay $0x1  }
0x267: {  	v15 =	vmov @p0 v19  }
0x268: {  	[tilespmem:v12+s9+$0x0] =	vst.idx.msk @p1 $0xffff, v18;
	v63 =	vmpcnt.ones.xlane vm1;
	v12 =	vpsel p0, v15, v0  }
0x269: {  	[tilespmem:v13+s9+$0x0] =	vst.idx.msk @p0 $0xffff, v12  }
0x26a: {  	v10 =	vadd.s32 v10, v63;
	[tilespmem:v14+s9+$0x0] =	vst.idx.msk $0xffff, v11  }
.Ltmp36:
0x26b: {  	(pc) =	sbr.rel .LBB2_55-.Ltmp36, $2  }
0x26c: {  	_ =	sdelay $0x2  }
0x26d: {  	v10 =	vxor.u32 $0x80000000, v10  }
.LBB2_50:
0x26e: {  	v10 =	vimm.s32 $0x80000000  }
.LBB2_55:
0x26f: {  	(xrf0) =	vmax.scan.msk.u32 $0xffff, v10;
	_ =	sdelay $0x5  }
0x270: {  	v10, _, _ =	vpop (xrf0)  }
0x271: {  	(v2sf) =	vpush v10, $0xF;
	_ =	sdelay $0xe  }
0x272: {  	s1 =	spop (v2sf)  }
0x273: {  	s3 =	sxor.u32 $0x80000000, s1;
	s1 =	sadd.s32 $0x8000000F, s1  }
0x274: {  	s1 =	sshra.s32 s1, $0x4  }
0x275: {  	v10 =	vadd.s32 s3, v2;
	p0 =	sgt.s32 s1, $0x0  }
.Ltmp37:
0x276: {  	_ = 	snop;
	(pc) =	sbr.rel @!p0 .LBB2_67-.Ltmp37, $2  }
0x277: {  	_ =	sdelay $0x2  }
0x278: {  	[tilespmem:v10+s9+$0x0] =	vst.idx.msk $0xffff, v7  }
0x279: {  	p2 =	seq.s32 s1, $0x1  }
.Ltmp38:
0x27a: {  	_ = 	snop;
	(pc) =	sbr.rel @p2 .LBB2_57-.Ltmp38, $3  }
0x27b: {  	_ =	sdelay $0x1  }
0x27c: {  	s3 =	simm.s32 $0x4000  }
0x27d: {  	s6 =	simm.s32 $0x4010;
	p1 =	por $0x0, $0x0;
	v11 =	vld [tilespmem:s3+$0x0];
	s3 =	sadd.s32 $0xFFFFFFFF, s1  }
0x27e: {  	_ =	sdelay $0x3  }
0x27f: {  	p2 =	seq.s32 s3, $0x1;
	v10 =	vshrl.u32 v11, $0xC  }
.Ltmp39:
0x280: {  	v12 =	vshrl.u32 v11, $0x10;
	v11 =	vld [tilespmem:s6+$0x0];
	v10 =	vand.u32 $0xF, v10;
	(pc) =	sbr.rel @p2 .LBB2_71-.Ltmp39, $2  }
0x281: {  	v10 =	vor.u32 v8, v10;
	_ =	sdelay $0x2  }
0x282: {  	s3 =	sadd.s32 $0xFFFFFFFF, s3;
	p1 =	por $0x1, $0x1;
	s6 =	simm.s32 $0x4020;
	vm0 =	veq.s32 v12, v9  }
.LBB2_70:
0x283: {  	v12 =	vld [tilespmem:s6+$0x0];
	v13 =	vshrl.u32 v11, $0xC;
	v14 =	vsel vm0, $0x1, v0;
	p2 =	seq.s32 s3, $0x1  }
.Ltmp40:
0x284: {  	s3 =	sadd.s32 $0xFFFFFFFF, s3;
	v13 =	vand.u32 $0xF, v13;
	[tilespmem:v10+s10+$0x0] =	vst.idx.add.s32.msk $0xffff, v14;
	(pc) =	sbr.rel @!p2 .LBB2_70-.Ltmp40, $3  }
0x285: {  	v10 =	vor.u32 v8, v13;
	_ =	sdelay $0x1  }
0x286: {  	v13 =	vshrl.u32 v11, $0x10  }
0x287: {  	s6 =	sadd.s32 $0x10, s6;
	vm0 =	veq.s32 v13, v9;
	v11 =	vmov v12  }
.LBB2_71:
0x288: {  	v12 =	vshrl.u32 v11, $0xC  }
0x289: {  	v12 =	vand.u32 $0xF, v12  }
0x28a: {  	v12 =	vor.u32 v8, v12;
	_ =	sdelay $0x1  }
0x28b: {  	v11 =	vshrl.u32 v11, $0x10  }
0x28c: {  	v13 =	vsel @p1 vm0, $0x1, v0;
	vm15 =	veq.s32 v11, v9  }
0x28d: {  	[tilespmem:v10+s10+$0x0] =	vst.idx.add.s32.msk @p1 $0xffff, v13;
	v9 =	vsel vm15, $0x1, v0  }
0x28e: {  	[tilespmem:v12+s10+$0x0] =	vst.idx.add.s32.msk $0xffff, v9  }
.LBB2_67:
0x28f: {  	v9 =	vld [tilespmem:$0x9100]  }
0x290: {  	v10 =	vld [tilespmem:$0x9110]  }
0x291: {  	v11 =	vld [tilespmem:$0x9120]  }
0x292: {  	v12 =	vld [tilespmem:$0x9130]  }
0x293: {  	v13 =	vld [tilespmem:$0x9140]  }
0x294: {  	v14 =	vld [tilespmem:$0x9150]  }
0x295: {  	v9 =	vadd.s32 v9, v10;
	v10 =	vld [tilespmem:$0x9160]  }
0x296: {  	v9 =	vadd.s32 v11, v9;
	v11 =	vld [tilespmem:$0x9170]  }
0x297: {  	v57 =	vld [tilespmem:$0x9180];
	v9 =	vadd.s32 v12, v9  }
0x298: {  	v58 =	vld [tilespmem:$0x9190];
	v9 =	vadd.s32 v13, v9  }
0x299: {  	v59 =	vld [tilespmem:$0x91A0];
	v9 =	vadd.s32 v14, v9  }
0x29a: {  	v9 =	vadd.s32 v10, v9;
	v10 =	vld [tilespmem:$0x91B0]  }
0x29b: {  	v9 =	vadd.s32 v11, v9;
	v11 =	vld [tilespmem:$0x91C0]  }
0x29c: {  	v60 =	vld [tilespmem:$0x91D0];
	v9 =	vadd.s32 v57, v9  }
0x29d: {  	v61 =	vld [tilespmem:$0x91E0];
	v9 =	vadd.s32 v58, v9  }
0x29e: {  	v62 =	vld [tilespmem:$0x91F0];
	v9 =	vadd.s32 v59, v9  }
0x29f: {  	v9 =	vadd.s32 v10, v9  }
0x2a0: {  	v9 =	vadd.s32 v11, v9  }
0x2a1: {  	v9 =	vadd.s32 v60, v9  }
0x2a2: {  	v9 =	vadd.s32 v61, v9  }
0x2a3: {  	v9 =	vadd.s32 v62, v9  }
0x2a4: {  	(xrf0) =	vadd.scan.msk.s32 $0xffff, v9;
	_ =	sdelay $0x5  }
0x2a5: {  	s18 =	ssub.s32 s18, s0;
	v10, _, _ =	vpop (xrf0)  }
0x2a6: {  	vm0 =	vlt.s32 v10, s18  }
0x2a7: {  	v11 =	vsel vm0, $0x1, v0  }
0x2a8: {  	(xrf0) =	vadd.scan.msk.s32 $0xffff, v11;
	_ =	sdelay $0x5  }
0x2a9: {  	v11, _, _ =	vpop (xrf0)  }
0x2aa: {  	v63 =	vbroadcast v11, $0xF;
	_ =	sdelay $0x1  }
0x2ab: {  	v9 =	vsub.s32 v10, v9;
	vm15 =	veq.s32 v63, v2  }
0x2ac: {  	v9 =	vnsel vm15, $0x0, v9  }
0x2ad: {  	(xrf0) =	vadd.scan.msk.s32 $0xffff, v9;
	_ =	sdelay $0x4  }
0x2ae: {  	(v2sf) =	vpush v11, $0xF  }
0x2af: {  	v9, _, _ =	vpop (xrf0)  }
0x2b0: {  	[tilespmem:$0x9100] =	vst v0;
	(v2sf) =	vpush v9, $0xF  }
0x2b1: {  	[tilespmem:$0x9110] =	vst v0  }
0x2b2: {  	[tilespmem:$0x9120] =	vst v0  }
0x2b3: {  	[tilespmem:$0x9130] =	vst v0  }
0x2b4: {  	[tilespmem:$0x9140] =	vst v0  }
0x2b5: {  	[tilespmem:$0x9150] =	vst v0  }
0x2b6: {  	[tilespmem:$0x9180] =	vst v0  }
0x2b7: {  	[tilespmem:$0x9190] =	vst v0  }
0x2b8: {  	[tilespmem:$0x91A0] =	vst v0  }
0x2b9: {  	[tilespmem:$0x91D0] =	vst v0  }
0x2ba: {  	[tilespmem:$0x91E0] =	vst v0  }
.Ltmp41:
0x2bb: {  	[tilespmem:$0x91F0] =	vst v0;
	(pc) =	sbr.rel @!p0 .LBB2_68-.Ltmp41, $4  }
0x2bc: {  	[tilespmem:$0x9160] =	vst v0  }
0x2bd: {  	s3 =	sshll.u32 s19, $0x4;
	[tilespmem:$0x9170] =	vst v0;
	s31 =	spop (v2sf)  }
0x2be: {  	[tilespmem:$0x91B0] =	vst v0;
	s19 =	sadd.s32 s3, s31  }
0x2bf: {  	[tilespmem:$0x91C0] =	vst v0;
	v9 =	vmov s19;
	s0 =	spop (v2sf)  }
0x2c0: {  	s3 =	simm.s32 $0x4000  }
0x2c1: {  	p2 =	seq.s32 s1, $0x1;
	v11 =	vld [tilespmem:s3+$0x0]  }
.Ltmp42:
0x2c2: {  	_ = 	snop;
	(pc) =	sbr.rel @p2 .LBB2_77-.Ltmp42, $3  }
0x2c3: {  	_ =	sdelay $0x1  }
0x2c4: {  	s1 =	sadd.s32 $0xFFFFFFFF, s1  }
0x2c5: {  	v10 =	vimm.s32 $0x0;
	p0 =	por $0x0, $0x0;
	p1 =	por $0x0, $0x0;
	s3 =	simm.s32 $0x4010;
	v14 =	vshrl.u32 v11, $0xC  }
0x2c6: {  	v13 =	vld [tilespmem:s3+$0x0];
	p2 =	seq.s32 s1, $0x1  }
.Ltmp43:
0x2c7: {  	_ = 	snop;
	(pc) =	sbr.rel @p2 .LBB2_79-.Ltmp43, $4  }
0x2c8: {  	_ = 	snop  }
0x2c9: {  	vm0 =	vle.u32 v14, v9  }
0x2ca: {  	v12 =	vsel vm0, $0x1, v0  }
0x2cb: {  	s1 =	sadd.s32 $0xFFFFFFFF, s1;
	s3 =	simm.s32 $0x4020;
	p0 =	por $0x1, $0x1;
	vm0 =	vmmov vm0;
	(xrf0) =	vadd.scan.msk.s32 $0xffff, v12;
	v14 =	vshrl.u32 v13, $0xC  }
0x2cc: {  	_ =	sdelay $0x2  }
0x2cd: {  	v17 =	vld [tilespmem:s3+$0x0];
	vm1 =	vle.u32 v14, v9;
	p2 =	seq.s32 s1, $0x1  }
.Ltmp44:
0x2ce: {  	v12 =	vsel vm0, $0xFFFFFFFF, v0;
	v14 =	vsel vm1, $0x1, v0;
	(pc) =	sbr.rel @p2 .LBB2_81-.Ltmp44, $4  }
0x2cf: {  	v12 =	vadd.s32 v12, v10;
	v15, _, _ =	vpop (xrf0);
	(xrf0) =	vadd.scan.msk.s32 $0xffff, v14  }
0x2d0: {  	v12 =	vadd.s32 v15, v12  }
0x2d1: {  	v16 =	vmpcnt.ones.xlane vm0;
	v12 =	vsel vm0, v12, v6  }
0x2d2: {  	s1 =	sadd.s32 $0xFFFFFFFF, s1;
	s3 =	simm.s32 $0x4030;
	p1 =	por $0x1, $0x1;
	v14 =	vshrl.u32 v17, $0xC;
	v15 =	vimm.s32 $0x0;
	vm0 =	vmmov vm1  }
.LBB2_82:
0x2d3: {  	v18 =	vld [tilespmem:s3+$0x0];
	p2 =	seq.s32 s1, $0x1;
	s1 =	sadd.s32 $0xFFFFFFFF, s1;
	vm1 =	vle.u32 v14, v9  }
.Ltmp45:
0x2d4: {  	v19 =	vsel vm0, $0xFFFFFFFF, v0;
	v14 =	vsel vm1, $0x1, v0;
	v15 =	vadd.s32 v15, v16;
	(pc) =	sbr.rel @!p2 .LBB2_82-.Ltmp45, $4  }
0x2d5: {  	(xrf0) =	vadd.scan.msk.s32 $0xffff, v14;
	v14 =	vadd.s32 v19, v15;
	v16, _, _ =	vpop (xrf0)  }
0x2d6: {  	v14 =	vadd.s32 v16, v14;
	[tilespmem:v12+s11+$0x0] =	vst.idx.msk $0xffff, v11;
	v11 =	vmov v13;
	v13 =	vmov v17  }
0x2d7: {  	v12 =	vsel vm0, v14, v6  }
0x2d8: {  	s3 =	sadd.s32 $0x10, s3;
	v16 =	vmpcnt.ones.xlane vm0;
	vm0 =	vmmov vm1;
	v14 =	vshrl.u32 v18, $0xC;
	v17 =	vmovc v18  }
0x2d9: {  	v18 =	vmov v11;
	v19 =	vmov v13;
	v11 =	vmov v17  }
.LBB2_84:
0x2da: {  	vm1 =	vle.u32 v14, v9  }
0x2db: {  	v13 =	vsel vm1, $0x1, v0  }
0x2dc: {  	(xrf0) =	vadd.scan.msk.s32 $0xffff, v13  }
0x2dd: {  	v13 =	vmpcnt.ones.xlane @p0 vm0  }
0x2de: {  	v14 =	vadd.s32 @p1 v15, v16  }
0x2df: {  	v15 =	vsel @p0 vm0, $0xFFFFFFFF, v0;
	v14 =	vpsel p1, v14, v10;
	v13 =	vpsel p0, v13, v0  }
0x2e0: {  	v16, _, _ =	vpop @p0 (xrf0);
	vm1 =	vmmov vm1;
	v15 =	vadd.s32 @p0 v15, v14;
	v13 =	vadd.s32 @p0 v14, v13  }
0x2e1: {  	v60 =	vsel vm1, $0xFFFFFFFF, v0;
	v14 =	vadd.s32 @p0 v16, v15;
	v10 =	vpsel p0, v13, v10  }
0x2e2: {  	v13 =	vsel @p0 vm0, v14, v6;
	v61 =	vadd.s32 v60, v10;
	v62, _, _ =	vpop (xrf0)  }
0x2e3: {  	v13 =	vpsel p0, v13, v0;
	v14 =	vadd.s32 v62, v61  }
0x2e4: {  	v14 =	vsel vm1, v14, v6;
	_ =	sdelay $0x1  }
0x2e5: {  	v15 =	vmov @p0 v19  }
0x2e6: {  	[tilespmem:v12+s11+$0x0] =	vst.idx.msk @p1 $0xffff, v18;
	v63 =	vmpcnt.ones.xlane vm1;
	v12 =	vpsel p0, v15, v0  }
0x2e7: {  	[tilespmem:v13+s11+$0x0] =	vst.idx.msk @p0 $0xffff, v12  }
0x2e8: {  	v10 =	vadd.s32 v10, v63;
	[tilespmem:v14+s11+$0x0] =	vst.idx.msk $0xffff, v11  }
.Ltmp46:
0x2e9: {  	(pc) =	sbr.rel .LBB2_73-.Ltmp46, $2  }
0x2ea: {  	_ =	sdelay $0x2  }
0x2eb: {  	v10 =	vxor.u32 $0x80000000, v10  }
.LBB2_68:
0x2ec: {  	v10 =	vimm.s32 $0x80000000  }
.LBB2_73:
0x2ed: {  	(xrf0) =	vmax.scan.msk.u32 $0xffff, v10;
	_ =	sdelay $0x5  }
0x2ee: {  	v10, _, _ =	vpop (xrf0)  }
0x2ef: {  	(v2sf) =	vpush v10, $0xF;
	_ =	sdelay $0xe  }
0x2f0: {  	s1 =	spop (v2sf)  }
0x2f1: {  	s3 =	sxor.u32 $0x80000000, s1;
	s1 =	sadd.s32 $0x8000000F, s1  }
0x2f2: {  	s1 =	sshra.s32 s1, $0x4  }
0x2f3: {  	v10 =	vadd.s32 s3, v2;
	p0 =	sgt.s32 s1, $0x0  }
.Ltmp47:
0x2f4: {  	_ = 	snop;
	(pc) =	sbr.rel @!p0 .LBB2_85-.Ltmp47, $2  }
0x2f5: {  	_ =	sdelay $0x2  }
0x2f6: {  	[tilespmem:v10+s11+$0x0] =	vst.idx.msk $0xffff, v7  }
0x2f7: {  	p2 =	seq.s32 s1, $0x1  }
.Ltmp48:
0x2f8: {  	_ = 	snop;
	(pc) =	sbr.rel @p2 .LBB2_75-.Ltmp48, $3  }
0x2f9: {  	_ =	sdelay $0x1  }
0x2fa: {  	s3 =	simm.s32 $0x6080  }
0x2fb: {  	s6 =	simm.s32 $0x6090;
	p1 =	por $0x0, $0x0;
	v11 =	vld [tilespmem:s3+$0x0];
	s3 =	sadd.s32 $0xFFFFFFFF, s1  }
0x2fc: {  	_ =	sdelay $0x3  }
0x2fd: {  	p2 =	seq.s32 s3, $0x1;
	v10 =	vshrl.u32 v11, $0x8  }
.Ltmp49:
0x2fe: {  	v12 =	vshrl.u32 v11, $0xC;
	v11 =	vld [tilespmem:s6+$0x0];
	v10 =	vand.u32 $0xF, v10;
	(pc) =	sbr.rel @p2 .LBB2_89-.Ltmp49, $2  }
0x2ff: {  	v10 =	vor.u32 v8, v10;
	_ =	sdelay $0x2  }
0x300: {  	s3 =	sadd.s32 $0xFFFFFFFF, s3;
	p1 =	por $0x1, $0x1;
	s6 =	simm.s32 $0x60A0;
	vm0 =	veq.s32 v12, v9  }
.LBB2_88:
0x301: {  	v12 =	vld [tilespmem:s6+$0x0];
	v13 =	vshrl.u32 v11, $0x8;
	v14 =	vsel vm0, $0x1, v0;
	p2 =	seq.s32 s3, $0x1  }
.Ltmp50:
0x302: {  	s3 =	sadd.s32 $0xFFFFFFFF, s3;
	v13 =	vand.u32 $0xF, v13;
	[tilespmem:v10+s10+$0x0] =	vst.idx.add.s32.msk $0xffff, v14;
	(pc) =	sbr.rel @!p2 .LBB2_88-.Ltmp50, $3  }
0x303: {  	v10 =	vor.u32 v8, v13;
	_ =	sdelay $0x1  }
0x304: {  	v13 =	vshrl.u32 v11, $0xC  }
0x305: {  	s6 =	sadd.s32 $0x10, s6;
	vm0 =	veq.s32 v13, v9;
	v11 =	vmov v12  }
.LBB2_89:
0x306: {  	v12 =	vshrl.u32 v11, $0x8  }
0x307: {  	v12 =	vand.u32 $0xF, v12  }
0x308: {  	v12 =	vor.u32 v8, v12;
	_ =	sdelay $0x1  }
0x309: {  	v11 =	vshrl.u32 v11, $0xC  }
0x30a: {  	v13 =	vsel @p1 vm0, $0x1, v0;
	vm15 =	veq.s32 v11, v9  }
0x30b: {  	[tilespmem:v10+s10+$0x0] =	vst.idx.add.s32.msk @p1 $0xffff, v13;
	v9 =	vsel vm15, $0x1, v0  }
0x30c: {  	[tilespmem:v12+s10+$0x0] =	vst.idx.add.s32.msk $0xffff, v9  }
.LBB2_85:
0x30d: {  	v9 =	vld [tilespmem:$0x9100]  }
0x30e: {  	v10 =	vld [tilespmem:$0x9110]  }
0x30f: {  	v11 =	vld [tilespmem:$0x9120]  }
0x310: {  	v12 =	vld [tilespmem:$0x9130]  }
0x311: {  	v13 =	vld [tilespmem:$0x9140]  }
0x312: {  	v14 =	vld [tilespmem:$0x9150]  }
0x313: {  	v9 =	vadd.s32 v9, v10;
	v10 =	vld [tilespmem:$0x9160]  }
0x314: {  	v9 =	vadd.s32 v11, v9;
	v11 =	vld [tilespmem:$0x9170]  }
0x315: {  	v57 =	vld [tilespmem:$0x9180];
	v9 =	vadd.s32 v12, v9  }
0x316: {  	v58 =	vld [tilespmem:$0x9190];
	v9 =	vadd.s32 v13, v9  }
0x317: {  	v59 =	vld [tilespmem:$0x91A0];
	v9 =	vadd.s32 v14, v9  }
0x318: {  	v9 =	vadd.s32 v10, v9;
	v10 =	vld [tilespmem:$0x91B0]  }
0x319: {  	v9 =	vadd.s32 v11, v9;
	v11 =	vld [tilespmem:$0x91C0]  }
0x31a: {  	v60 =	vld [tilespmem:$0x91D0];
	v9 =	vadd.s32 v57, v9  }
0x31b: {  	v61 =	vld [tilespmem:$0x91E0];
	v9 =	vadd.s32 v58, v9  }
0x31c: {  	v62 =	vld [tilespmem:$0x91F0];
	v9 =	vadd.s32 v59, v9  }
0x31d: {  	v9 =	vadd.s32 v10, v9  }
0x31e: {  	v9 =	vadd.s32 v11, v9  }
0x31f: {  	v9 =	vadd.s32 v60, v9  }
0x320: {  	v9 =	vadd.s32 v61, v9  }
0x321: {  	v9 =	vadd.s32 v62, v9  }
0x322: {  	(xrf0) =	vadd.scan.msk.s32 $0xffff, v9;
	_ =	sdelay $0x5  }
0x323: {  	s18 =	ssub.s32 s18, s0;
	v10, _, _ =	vpop (xrf0)  }
0x324: {  	vm0 =	vlt.s32 v10, s18  }
0x325: {  	v11 =	vsel vm0, $0x1, v0  }
0x326: {  	(xrf0) =	vadd.scan.msk.s32 $0xffff, v11;
	_ =	sdelay $0x5  }
0x327: {  	v11, _, _ =	vpop (xrf0)  }
0x328: {  	v63 =	vbroadcast v11, $0xF;
	_ =	sdelay $0x1  }
0x329: {  	v9 =	vsub.s32 v10, v9;
	vm15 =	veq.s32 v63, v2  }
0x32a: {  	v9 =	vnsel vm15, $0x0, v9  }
0x32b: {  	(xrf0) =	vadd.scan.msk.s32 $0xffff, v9;
	_ =	sdelay $0x4  }
0x32c: {  	(v2sf) =	vpush v11, $0xF  }
0x32d: {  	v9, _, _ =	vpop (xrf0)  }
0x32e: {  	[tilespmem:$0x9100] =	vst v0;
	(v2sf) =	vpush v9, $0xF  }
0x32f: {  	[tilespmem:$0x9110] =	vst v0  }
0x330: {  	[tilespmem:$0x9120] =	vst v0  }
0x331: {  	[tilespmem:$0x9130] =	vst v0  }
0x332: {  	[tilespmem:$0x9140] =	vst v0  }
0x333: {  	[tilespmem:$0x9150] =	vst v0  }
0x334: {  	[tilespmem:$0x9180] =	vst v0  }
0x335: {  	[tilespmem:$0x9190] =	vst v0  }
0x336: {  	[tilespmem:$0x91A0] =	vst v0  }
0x337: {  	[tilespmem:$0x91D0] =	vst v0  }
0x338: {  	[tilespmem:$0x91E0] =	vst v0  }
.Ltmp51:
0x339: {  	[tilespmem:$0x91F0] =	vst v0;
	(pc) =	sbr.rel @!p0 .LBB2_86-.Ltmp51, $4  }
0x33a: {  	[tilespmem:$0x9160] =	vst v0  }
0x33b: {  	s3 =	sshll.u32 s19, $0x4;
	[tilespmem:$0x9170] =	vst v0;
	s31 =	spop (v2sf)  }
0x33c: {  	[tilespmem:$0x91B0] =	vst v0;
	s19 =	sadd.s32 s3, s31  }
0x33d: {  	[tilespmem:$0x91C0] =	vst v0;
	v9 =	vmov s19;
	s0 =	spop (v2sf)  }
0x33e: {  	s3 =	simm.s32 $0x6080  }
0x33f: {  	p2 =	seq.s32 s1, $0x1;
	v11 =	vld [tilespmem:s3+$0x0]  }
.Ltmp52:
0x340: {  	_ = 	snop;
	(pc) =	sbr.rel @p2 .LBB2_95-.Ltmp52, $3  }
0x341: {  	_ =	sdelay $0x1  }
0x342: {  	s1 =	sadd.s32 $0xFFFFFFFF, s1  }
0x343: {  	v10 =	vimm.s32 $0x0;
	p0 =	por $0x0, $0x0;
	p1 =	por $0x0, $0x0;
	s3 =	simm.s32 $0x6090;
	v14 =	vshrl.u32 v11, $0x8  }
0x344: {  	v13 =	vld [tilespmem:s3+$0x0];
	p2 =	seq.s32 s1, $0x1  }
.Ltmp53:
0x345: {  	_ = 	snop;
	(pc) =	sbr.rel @p2 .LBB2_97-.Ltmp53, $4  }
0x346: {  	_ = 	snop  }
0x347: {  	vm0 =	vle.u32 v14, v9  }
0x348: {  	v12 =	vsel vm0, $0x1, v0  }
0x349: {  	s1 =	sadd.s32 $0xFFFFFFFF, s1;
	s3 =	simm.s32 $0x60A0;
	p0 =	por $0x1, $0x1;
	vm0 =	vmmov vm0;
	(xrf0) =	vadd.scan.msk.s32 $0xffff, v12;
	v14 =	vshrl.u32 v13, $0x8  }
0x34a: {  	_ =	sdelay $0x2  }
0x34b: {  	v17 =	vld [tilespmem:s3+$0x0];
	vm1 =	vle.u32 v14, v9;
	p2 =	seq.s32 s1, $0x1  }
.Ltmp54:
0x34c: {  	v12 =	vsel vm0, $0xFFFFFFFF, v0;
	v14 =	vsel vm1, $0x1, v0;
	(pc) =	sbr.rel @p2 .LBB2_99-.Ltmp54, $4  }
0x34d: {  	v12 =	vadd.s32 v12, v10;
	v15, _, _ =	vpop (xrf0);
	(xrf0) =	vadd.scan.msk.s32 $0xffff, v14  }
0x34e: {  	v12 =	vadd.s32 v15, v12  }
0x34f: {  	v16 =	vmpcnt.ones.xlane vm0;
	v12 =	vsel vm0, v12, v6  }
0x350: {  	s1 =	sadd.s32 $0xFFFFFFFF, s1;
	s3 =	simm.s32 $0x60B0;
	p1 =	por $0x1, $0x1;
	v14 =	vshrl.u32 v17, $0x8;
	v15 =	vimm.s32 $0x0;
	vm0 =	vmmov vm1  }
.LBB2_100:
0x351: {  	v18 =	vld [tilespmem:s3+$0x0];
	p2 =	seq.s32 s1, $0x1;
	s1 =	sadd.s32 $0xFFFFFFFF, s1;
	vm1 =	vle.u32 v14, v9  }
.Ltmp55:
0x352: {  	v19 =	vsel vm0, $0xFFFFFFFF, v0;
	v14 =	vsel vm1, $0x1, v0;
	v15 =	vadd.s32 v15, v16;
	(pc) =	sbr.rel @!p2 .LBB2_100-.Ltmp55, $4  }
0x353: {  	(xrf0) =	vadd.scan.msk.s32 $0xffff, v14;
	v14 =	vadd.s32 v19, v15;
	v16, _, _ =	vpop (xrf0)  }
0x354: {  	v14 =	vadd.s32 v16, v14;
	[tilespmem:v12+s9+$0x0] =	vst.idx.msk $0xffff, v11;
	v11 =	vmov v13;
	v13 =	vmov v17  }
0x355: {  	v12 =	vsel vm0, v14, v6  }
0x356: {  	s3 =	sadd.s32 $0x10, s3;
	v16 =	vmpcnt.ones.xlane vm0;
	vm0 =	vmmov vm1;
	v14 =	vshrl.u32 v18, $0x8;
	v17 =	vmovc v18  }
0x357: {  	v18 =	vmov v11;
	v19 =	vmov v13;
	v11 =	vmov v17  }
.LBB2_102:
0x358: {  	vm1 =	vle.u32 v14, v9  }
0x359: {  	v13 =	vsel vm1, $0x1, v0  }
0x35a: {  	(xrf0) =	vadd.scan.msk.s32 $0xffff, v13  }
0x35b: {  	v13 =	vmpcnt.ones.xlane @p0 vm0  }
0x35c: {  	v14 =	vadd.s32 @p1 v15, v16  }
0x35d: {  	v15 =	vsel @p0 vm0, $0xFFFFFFFF, v0;
	v14 =	vpsel p1, v14, v10;
	v13 =	vpsel p0, v13, v0  }
0x35e: {  	v16, _, _ =	vpop @p0 (xrf0);
	vm1 =	vmmov vm1;
	v15 =	vadd.s32 @p0 v15, v14;
	v13 =	vadd.s32 @p0 v14, v13  }
0x35f: {  	v60 =	vsel vm1, $0xFFFFFFFF, v0;
	v14 =	vadd.s32 @p0 v16, v15;
	v10 =	vpsel p0, v13, v10  }
0x360: {  	v13 =	vsel @p0 vm0, v14, v6;
	v61 =	vadd.s32 v60, v10;
	v62, _, _ =	vpop (xrf0)  }
0x361: {  	v13 =	vpsel p0, v13, v0;
	v14 =	vadd.s32 v62, v61  }
0x362: {  	v14 =	vsel vm1, v14, v6;
	_ =	sdelay $0x1  }
0x363: {  	v15 =	vmov @p0 v19  }
0x364: {  	[tilespmem:v12+s9+$0x0] =	vst.idx.msk @p1 $0xffff, v18;
	v63 =	vmpcnt.ones.xlane vm1;
	v12 =	vpsel p0, v15, v0  }
0x365: {  	[tilespmem:v13+s9+$0x0] =	vst.idx.msk @p0 $0xffff, v12  }
0x366: {  	v10 =	vadd.s32 v10, v63;
	[tilespmem:v14+s9+$0x0] =	vst.idx.msk $0xffff, v11  }
.Ltmp56:
0x367: {  	(pc) =	sbr.rel .LBB2_91-.Ltmp56, $2  }
0x368: {  	_ =	sdelay $0x2  }
0x369: {  	v10 =	vxor.u32 $0x80000000, v10  }
.LBB2_86:
0x36a: {  	v10 =	vimm.s32 $0x80000000  }
.LBB2_91:
0x36b: {  	(xrf0) =	vmax.scan.msk.u32 $0xffff, v10;
	_ =	sdelay $0x5  }
0x36c: {  	v10, _, _ =	vpop (xrf0)  }
0x36d: {  	(v2sf) =	vpush v10, $0xF;
	_ =	sdelay $0xe  }
0x36e: {  	s1 =	spop (v2sf)  }
0x36f: {  	s3 =	sxor.u32 $0x80000000, s1;
	s1 =	sadd.s32 $0x8000000F, s1  }
0x370: {  	v10 =	vadd.s32 s3, v2;
	s3 =	sshra.s32 s1, $0x4  }
0x371: {  	p0 =	sgt.s32 s3, $0x0  }
.Ltmp57:
0x372: {  	_ = 	snop;
	(pc) =	sbr.rel @!p0 .LBB2_103-.Ltmp57, $2  }
0x373: {  	_ =	sdelay $0x2  }
0x374: {  	[tilespmem:v10+s9+$0x0] =	vst.idx.msk $0xffff, v7  }
0x375: {  	p2 =	seq.s32 s3, $0x1  }
.Ltmp58:
0x376: {  	_ = 	snop;
	(pc) =	sbr.rel @p2 .LBB2_93-.Ltmp58, $3  }
0x377: {  	_ =	sdelay $0x1  }
0x378: {  	s1 =	simm.s32 $0x4000  }
0x379: {  	s6 =	simm.s32 $0x4010;
	p1 =	por $0x0, $0x0;
	v11 =	vld [tilespmem:s1+$0x0];
	s1 =	sadd.s32 $0xFFFFFFFF, s3  }
0x37a: {  	_ =	sdelay $0x3  }
0x37b: {  	p2 =	seq.s32 s1, $0x1;
	v10 =	vshrl.u32 v11, $0x4  }
.Ltmp59:
0x37c: {  	v12 =	vshrl.u32 v11, $0x8;
	v11 =	vld [tilespmem:s6+$0x0];
	v10 =	vand.u32 $0xF, v10;
	(pc) =	sbr.rel @p2 .LBB2_107-.Ltmp59, $2  }
0x37d: {  	v10 =	vor.u32 v8, v10;
	_ =	sdelay $0x2  }
0x37e: {  	s1 =	sadd.s32 $0xFFFFFFFF, s1;
	p1 =	por $0x1, $0x1;
	s6 =	simm.s32 $0x4020;
	vm0 =	veq.s32 v12, v9  }
.LBB2_106:
0x37f: {  	v12 =	vld [tilespmem:s6+$0x0];
	v13 =	vshrl.u32 v11, $0x4;
	v14 =	vsel vm0, $0x1, v0;
	p2 =	seq.s32 s1, $0x1  }
.Ltmp60:
0x380: {  	s1 =	sadd.s32 $0xFFFFFFFF, s1;
	v13 =	vand.u32 $0xF, v13;
	[tilespmem:v10+s10+$0x0] =	vst.idx.add.s32.msk $0xffff, v14;
	(pc) =	sbr.rel @!p2 .LBB2_106-.Ltmp60, $3  }
0x381: {  	v10 =	vor.u32 v8, v13;
	_ =	sdelay $0x1  }
0x382: {  	v13 =	vshrl.u32 v11, $0x8  }
0x383: {  	s6 =	sadd.s32 $0x10, s6;
	vm0 =	veq.s32 v13, v9;
	v11 =	vmov v12  }
.LBB2_107:
0x384: {  	v12 =	vshrl.u32 v11, $0x4  }
0x385: {  	v12 =	vand.u32 $0xF, v12  }
0x386: {  	v12 =	vor.u32 v8, v12;
	_ =	sdelay $0x1  }
0x387: {  	v11 =	vshrl.u32 v11, $0x8  }
0x388: {  	v13 =	vsel @p1 vm0, $0x1, v0;
	vm15 =	veq.s32 v11, v9  }
0x389: {  	[tilespmem:v10+s10+$0x0] =	vst.idx.add.s32.msk @p1 $0xffff, v13;
	v9 =	vsel vm15, $0x1, v0  }
0x38a: {  	[tilespmem:v12+s10+$0x0] =	vst.idx.add.s32.msk $0xffff, v9  }
.LBB2_103:
0x38b: {  	v9 =	vld [tilespmem:$0x9100]  }
0x38c: {  	v10 =	vld [tilespmem:$0x9110]  }
0x38d: {  	v11 =	vld [tilespmem:$0x9120]  }
0x38e: {  	v12 =	vld [tilespmem:$0x9130]  }
0x38f: {  	v13 =	vld [tilespmem:$0x9140]  }
0x390: {  	v14 =	vld [tilespmem:$0x9150]  }
0x391: {  	v9 =	vadd.s32 v9, v10;
	v10 =	vld [tilespmem:$0x9160]  }
0x392: {  	v9 =	vadd.s32 v11, v9;
	v11 =	vld [tilespmem:$0x9170]  }
0x393: {  	v57 =	vld [tilespmem:$0x9180];
	v9 =	vadd.s32 v12, v9  }
0x394: {  	v58 =	vld [tilespmem:$0x9190];
	v9 =	vadd.s32 v13, v9  }
0x395: {  	v59 =	vld [tilespmem:$0x91A0];
	v9 =	vadd.s32 v14, v9  }
0x396: {  	v9 =	vadd.s32 v10, v9;
	v10 =	vld [tilespmem:$0x91B0]  }
0x397: {  	v9 =	vadd.s32 v11, v9;
	v11 =	vld [tilespmem:$0x91C0]  }
0x398: {  	v60 =	vld [tilespmem:$0x91D0];
	v9 =	vadd.s32 v57, v9  }
0x399: {  	v61 =	vld [tilespmem:$0x91E0];
	v9 =	vadd.s32 v58, v9  }
0x39a: {  	v62 =	vld [tilespmem:$0x91F0];
	v9 =	vadd.s32 v59, v9  }
0x39b: {  	v9 =	vadd.s32 v10, v9  }
0x39c: {  	v9 =	vadd.s32 v11, v9  }
0x39d: {  	v9 =	vadd.s32 v60, v9  }
0x39e: {  	v9 =	vadd.s32 v61, v9  }
0x39f: {  	v9 =	vadd.s32 v62, v9  }
0x3a0: {  	(xrf0) =	vadd.scan.msk.s32 $0xffff, v9;
	_ =	sdelay $0x5  }
0x3a1: {  	s18 =	ssub.s32 s18, s0;
	v10, _, _ =	vpop (xrf0)  }
0x3a2: {  	vm0 =	vlt.s32 v10, s18  }
0x3a3: {  	v11 =	vsel vm0, $0x1, v0  }
0x3a4: {  	(xrf0) =	vadd.scan.msk.s32 $0xffff, v11;
	_ =	sdelay $0x5  }
0x3a5: {  	v11, _, _ =	vpop (xrf0)  }
0x3a6: {  	v63 =	vbroadcast v11, $0xF;
	_ =	sdelay $0x1  }
0x3a7: {  	v9 =	vsub.s32 v10, v9;
	vm15 =	veq.s32 v63, v2  }
0x3a8: {  	v9 =	vnsel vm15, $0x0, v9  }
0x3a9: {  	(xrf0) =	vadd.scan.msk.s32 $0xffff, v9;
	_ =	sdelay $0x4  }
0x3aa: {  	(v2sf) =	vpush v11, $0xF  }
0x3ab: {  	v9, _, _ =	vpop (xrf0)  }
0x3ac: {  	[tilespmem:$0x9100] =	vst v0;
	(v2sf) =	vpush v9, $0xF  }
0x3ad: {  	[tilespmem:$0x9110] =	vst v0  }
0x3ae: {  	[tilespmem:$0x9120] =	vst v0  }
0x3af: {  	[tilespmem:$0x9130] =	vst v0  }
0x3b0: {  	[tilespmem:$0x9140] =	vst v0  }
0x3b1: {  	[tilespmem:$0x9150] =	vst v0  }
0x3b2: {  	[tilespmem:$0x9180] =	vst v0  }
0x3b3: {  	[tilespmem:$0x9190] =	vst v0  }
0x3b4: {  	[tilespmem:$0x91A0] =	vst v0  }
0x3b5: {  	[tilespmem:$0x91D0] =	vst v0  }
0x3b6: {  	[tilespmem:$0x91E0] =	vst v0  }
.Ltmp61:
0x3b7: {  	[tilespmem:$0x91F0] =	vst v0;
	(pc) =	sbr.rel @!p0 .LBB2_104-.Ltmp61, $4  }
0x3b8: {  	[tilespmem:$0x9160] =	vst v0  }
0x3b9: {  	s1 =	sshll.u32 s19, $0x4;
	[tilespmem:$0x9170] =	vst v0;
	s31 =	spop (v2sf)  }
0x3ba: {  	[tilespmem:$0x91B0] =	vst v0;
	s0 =	sadd.s32 s1, s31  }
0x3bb: {  	[tilespmem:$0x91C0] =	vst v0;
	v9 =	vmov s0;
	s1 =	spop (v2sf)  }
0x3bc: {  	s6 =	simm.s32 $0x4000  }
0x3bd: {  	p2 =	seq.s32 s3, $0x1;
	v11 =	vld [tilespmem:s6+$0x0]  }
.Ltmp62:
0x3be: {  	_ = 	snop;
	(pc) =	sbr.rel @p2 .LBB2_116-.Ltmp62, $3  }
0x3bf: {  	_ =	sdelay $0x1  }
0x3c0: {  	s3 =	sadd.s32 $0xFFFFFFFF, s3  }
0x3c1: {  	v10 =	vimm.s32 $0x0;
	p0 =	por $0x0, $0x0;
	p1 =	por $0x0, $0x0;
	s6 =	simm.s32 $0x4010;
	v14 =	vshrl.u32 v11, $0x4  }
0x3c2: {  	v13 =	vld [tilespmem:s6+$0x0];
	p2 =	seq.s32 s3, $0x1  }
.Ltmp63:
0x3c3: {  	_ = 	snop;
	(pc) =	sbr.rel @p2 .LBB2_118-.Ltmp63, $4  }
0x3c4: {  	_ = 	snop  }
0x3c5: {  	vm0 =	vle.u32 v14, v9  }
0x3c6: {  	v12 =	vsel vm0, $0x1, v0  }
0x3c7: {  	s3 =	sadd.s32 $0xFFFFFFFF, s3;
	s6 =	simm.s32 $0x4020;
	p0 =	por $0x1, $0x1;
	vm0 =	vmmov vm0;
	(xrf0) =	vadd.scan.msk.s32 $0xffff, v12;
	v14 =	vshrl.u32 v13, $0x4  }
0x3c8: {  	_ =	sdelay $0x2  }
0x3c9: {  	v17 =	vld [tilespmem:s6+$0x0];
	vm1 =	vle.u32 v14, v9;
	p2 =	seq.s32 s3, $0x1  }
.Ltmp64:
0x3ca: {  	v12 =	vsel vm0, $0xFFFFFFFF, v0;
	v14 =	vsel vm1, $0x1, v0;
	(pc) =	sbr.rel @p2 .LBB2_120-.Ltmp64, $4  }
0x3cb: {  	v12 =	vadd.s32 v12, v10;
	v15, _, _ =	vpop (xrf0);
	(xrf0) =	vadd.scan.msk.s32 $0xffff, v14  }
0x3cc: {  	v12 =	vadd.s32 v15, v12  }
0x3cd: {  	v16 =	vmpcnt.ones.xlane vm0;
	v12 =	vsel vm0, v12, v6  }
0x3ce: {  	s3 =	sadd.s32 $0xFFFFFFFF, s3;
	s6 =	simm.s32 $0x4030;
	p1 =	por $0x1, $0x1;
	v14 =	vshrl.u32 v17, $0x4;
	v15 =	vimm.s32 $0x0;
	vm0 =	vmmov vm1  }
.LBB2_121:
0x3cf: {  	v18 =	vld [tilespmem:s6+$0x0];
	p2 =	seq.s32 s3, $0x1;
	s3 =	sadd.s32 $0xFFFFFFFF, s3;
	vm1 =	vle.u32 v14, v9  }
.Ltmp65:
0x3d0: {  	v19 =	vsel vm0, $0xFFFFFFFF, v0;
	v14 =	vsel vm1, $0x1, v0;
	v15 =	vadd.s32 v15, v16;
	(pc) =	sbr.rel @!p2 .LBB2_121-.Ltmp65, $4  }
0x3d1: {  	(xrf0) =	vadd.scan.msk.s32 $0xffff, v14;
	v14 =	vadd.s32 v19, v15;
	v16, _, _ =	vpop (xrf0)  }
0x3d2: {  	v14 =	vadd.s32 v16, v14;
	[tilespmem:v12+s11+$0x0] =	vst.idx.msk $0xffff, v11;
	v11 =	vmov v13;
	v13 =	vmov v17  }
0x3d3: {  	v12 =	vsel vm0, v14, v6  }
0x3d4: {  	s6 =	sadd.s32 $0x10, s6;
	v16 =	vmpcnt.ones.xlane vm0;
	vm0 =	vmmov vm1;
	v14 =	vshrl.u32 v18, $0x4;
	v17 =	vmovc v18  }
0x3d5: {  	v18 =	vmov v11;
	v19 =	vmov v13;
	v11 =	vmov v17  }
.LBB2_123:
0x3d6: {  	vm1 =	vle.u32 v14, v9  }
0x3d7: {  	v13 =	vsel vm1, $0x1, v0  }
0x3d8: {  	(xrf0) =	vadd.scan.msk.s32 $0xffff, v13  }
0x3d9: {  	v13 =	vmpcnt.ones.xlane @p0 vm0  }
0x3da: {  	v14 =	vadd.s32 @p1 v15, v16  }
0x3db: {  	v15 =	vsel @p0 vm0, $0xFFFFFFFF, v0;
	v14 =	vpsel p1, v14, v10;
	v13 =	vpsel p0, v13, v0  }
0x3dc: {  	v16, _, _ =	vpop @p0 (xrf0);
	vm1 =	vmmov vm1;
	v15 =	vadd.s32 @p0 v15, v14;
	v13 =	vadd.s32 @p0 v14, v13  }
0x3dd: {  	v60 =	vsel vm1, $0xFFFFFFFF, v0;
	v14 =	vadd.s32 @p0 v16, v15;
	v10 =	vpsel p0, v13, v10  }
0x3de: {  	v13 =	vsel @p0 vm0, v14, v6;
	v61 =	vadd.s32 v60, v10;
	v62, _, _ =	vpop (xrf0)  }
0x3df: {  	v13 =	vpsel p0, v13, v0;
	v14 =	vadd.s32 v62, v61  }
0x3e0: {  	v14 =	vsel vm1, v14, v6;
	_ =	sdelay $0x1  }
0x3e1: {  	v15 =	vmov @p0 v19  }
0x3e2: {  	[tilespmem:v12+s11+$0x0] =	vst.idx.msk @p1 $0xffff, v18;
	v63 =	vmpcnt.ones.xlane vm1;
	v12 =	vpsel p0, v15, v0  }
0x3e3: {  	[tilespmem:v13+s11+$0x0] =	vst.idx.msk @p0 $0xffff, v12  }
0x3e4: {  	v10 =	vadd.s32 v10, v63;
	[tilespmem:v14+s11+$0x0] =	vst.idx.msk $0xffff, v11  }
.Ltmp66:
0x3e5: {  	(pc) =	sbr.rel .LBB2_109-.Ltmp66, $2  }
0x3e6: {  	_ =	sdelay $0x2  }
0x3e7: {  	v10 =	vxor.u32 $0x80000000, v10  }
.LBB2_104:
0x3e8: {  	v10 =	vimm.s32 $0x80000000  }
.LBB2_109:
0x3e9: {  	(xrf0) =	vmax.scan.msk.u32 $0xffff, v10;
	_ =	sdelay $0x5  }
0x3ea: {  	v10, _, _ =	vpop (xrf0)  }
0x3eb: {  	(v2sf) =	vpush v10, $0xF;
	_ =	sdelay $0xe  }
0x3ec: {  	s3 =	spop (v2sf)  }
0x3ed: {  	s4 =	sxor.u32 $0x80000000, s3;
	s3 =	sadd.s32 $0x8000000F, s3  }
0x3ee: {  	s3 =	sshra.s32 s3, $0x4  }
0x3ef: {  	v10 =	vadd.s32 s4, v2;
	p0 =	sgt.s32 s3, $0x0  }
.Ltmp67:
0x3f0: {  	_ = 	snop;
	(pc) =	sbr.rel @!p0 .LBB2_113-.Ltmp67, $2  }
0x3f1: {  	_ =	sdelay $0x2  }
0x3f2: {  	[tilespmem:v10+s11+$0x0] =	vst.idx.msk $0xffff, v7  }
0x3f3: {  	s6 =	simm.s32 $0x6080  }
0x3f4: {  	p1 =	seq.s32 s3, $0x1;
	v10 =	vld [tilespmem:s6+$0x0]  }
.Ltmp68:
0x3f5: {  	_ = 	snop;
	(pc) =	sbr.rel @p1 .LBB2_112-.Ltmp68, $2  }
0x3f6: {  	_ =	sdelay $0x2  }
0x3f7: {  	s7 =	simm.s32 $0x6090;
	s6 =	sadd.s32 $0xFFFFFFFF, s3;
	v11 =	vand.u32 $0xF, v10  }
.LBB2_111:
0x3f8: {  	v12 =	vld [tilespmem:s7+$0x0];
	p1 =	seq.s32 s6, $0x1;
	s6 =	sadd.s32 $0xFFFFFFFF, s6;
	v13 =	vor.u32 v8, v11  }
.Ltmp69:
0x3f9: {  	(pc) =	sbr.rel @!p1 .LBB2_111-.Ltmp69, $4  }
0x3fa: {  	v10 =	vshrl.u32 v10, $0x4  }
0x3fb: {  	vm0 =	veq.s32 v10, v9  }
0x3fc: {  	v14 =	vsel vm0, $0x1, v0  }
0x3fd: {  	s7 =	sadd.s32 $0x10, s7;
	v11 =	vand.u32 $0xF, v12;
	[tilespmem:v13+s10+$0x0] =	vst.idx.add.s32.msk $0xffff, v14;
	v10 =	vmov v12  }
.LBB2_112:
0x3fe: {  	v11 =	vor.u32 v8, v11;
	_ =	sdelay $0x1  }
0x3ff: {  	v10 =	vshrl.u32 v10, $0x4  }
0x400: {  	vm0 =	veq.s32 v10, v9  }
0x401: {  	v9 =	vsel vm0, $0x1, v0  }
0x402: {  	[tilespmem:v11+s10+$0x0] =	vst.idx.add.s32.msk $0xffff, v9  }
.LBB2_113:
0x403: {  	v9 =	vld [tilespmem:$0x9100]  }
0x404: {  	v10 =	vld [tilespmem:$0x9110]  }
0x405: {  	v11 =	vld [tilespmem:$0x9120]  }
0x406: {  	v12 =	vld [tilespmem:$0x9130]  }
0x407: {  	v13 =	vld [tilespmem:$0x9140]  }
0x408: {  	v14 =	vld [tilespmem:$0x9150]  }
0x409: {  	v9 =	vadd.s32 v9, v10;
	v10 =	vld [tilespmem:$0x9160]  }
0x40a: {  	v9 =	vadd.s32 v11, v9;
	v11 =	vld [tilespmem:$0x9170]  }
0x40b: {  	v58 =	vld [tilespmem:$0x9180];
	v9 =	vadd.s32 v12, v9  }
0x40c: {  	v59 =	vld [tilespmem:$0x9190];
	v9 =	vadd.s32 v13, v9  }
0x40d: {  	v60 =	vld [tilespmem:$0x91A0];
	v9 =	vadd.s32 v14, v9  }
0x40e: {  	v9 =	vadd.s32 v10, v9;
	v10 =	vld [tilespmem:$0x91B0]  }
0x40f: {  	v9 =	vadd.s32 v11, v9;
	v11 =	vld [tilespmem:$0x91C0]  }
0x410: {  	v61 =	vld [tilespmem:$0x91D0];
	v9 =	vadd.s32 v58, v9  }
0x411: {  	v62 =	vld [tilespmem:$0x91E0];
	v9 =	vadd.s32 v59, v9  }
0x412: {  	v63 =	vld [tilespmem:$0x91F0];
	v9 =	vadd.s32 v60, v9  }
0x413: {  	v9 =	vadd.s32 v10, v9  }
0x414: {  	v9 =	vadd.s32 v11, v9  }
0x415: {  	v9 =	vadd.s32 v61, v9  }
0x416: {  	v9 =	vadd.s32 v62, v9  }
0x417: {  	v9 =	vadd.s32 v63, v9  }
0x418: {  	(xrf0) =	vadd.scan.msk.s32 $0xffff, v9;
	_ =	sdelay $0x5  }
0x419: {  	s1 =	ssub.s32 s18, s1;
	v9, _, _ =	vpop (xrf0)  }
0x41a: {  	vm0 =	vlt.s32 v9, s1  }
0x41b: {  	v9 =	vsel vm0, $0x1, v0  }
0x41c: {  	(xrf0) =	vadd.scan.msk.s32 $0xffff, v9;
	_ =	sdelay $0x5  }
0x41d: {  	v9, _, _ =	vpop (xrf0)  }
0x41e: {  	(v2sf) =	vpush v9, $0xF;
	_ =	sdelay $0x1  }
0x41f: {  	[tilespmem:$0x9100] =	vst v0  }
0x420: {  	[tilespmem:$0x9110] =	vst v0  }
0x421: {  	[tilespmem:$0x9120] =	vst v0  }
0x422: {  	[tilespmem:$0x9130] =	vst v0  }
0x423: {  	[tilespmem:$0x9140] =	vst v0  }
0x424: {  	[tilespmem:$0x9150] =	vst v0  }
0x425: {  	[tilespmem:$0x9180] =	vst v0  }
0x426: {  	[tilespmem:$0x9190] =	vst v0  }
0x427: {  	[tilespmem:$0x91A0] =	vst v0  }
0x428: {  	[tilespmem:$0x91D0] =	vst v0  }
0x429: {  	[tilespmem:$0x91E0] =	vst v0  }
.Ltmp70:
0x42a: {  	[tilespmem:$0x91F0] =	vst v0;
	(pc) =	sbr.rel @!p0 .LBB2_114-.Ltmp70, $4  }
0x42b: {  	[tilespmem:$0x9160] =	vst v0  }
0x42c: {  	s0 =	sshll.u32 s0, $0x4;
	[tilespmem:$0x9170] =	vst v0;
	s31 =	spop (v2sf)  }
0x42d: {  	[tilespmem:$0x91B0] =	vst v0;
	s0 =	sadd.s32 s0, s31  }
0x42e: {  	[tilespmem:$0x91C0] =	vst v0;
	v9 =	vmov s0  }
0x42f: {  	s0 =	simm.s32 $0x6080  }
0x430: {  	p2 =	seq.s32 s3, $0x1;
	v11 =	vld [tilespmem:s0+$0x0]  }
.Ltmp71:
0x431: {  	_ = 	snop;
	(pc) =	sbr.rel @p2 .LBB2_129-.Ltmp71, $3  }
0x432: {  	_ =	sdelay $0x1  }
0x433: {  	s1 =	simm.s32 $0x6090  }
0x434: {  	v10 =	vimm.s32 $0x0;
	p0 =	por $0x0, $0x0;
	p1 =	por $0x0, $0x0;
	s0 =	sadd.s32 $0xFFFFFFFF, s3;
	vm0 =	vlt.u32 v11, v9  }
0x435: {  	v13 =	vld [tilespmem:s1+$0x0];
	p2 =	seq.s32 s0, $0x1  }
.Ltmp72:
0x436: {  	_ = 	snop;
	(pc) =	sbr.rel @p2 .LBB2_131-.Ltmp72, $3  }
0x437: {  	_ =	sdelay $0x1  }
0x438: {  	v12 =	vsel vm0, $0x1, v0  }
0x439: {  	vm1 =	vmmov vm0;
	s0 =	sadd.s32 $0xFFFFFFFF, s0;
	s1 =	simm.s32 $0x60A0;
	p0 =	por $0x1, $0x1;
	(xrf0) =	vadd.scan.msk.s32 $0xffff, v12;
	vm0 =	vlt.u32 v13, v9  }
0x43a: {  	_ =	sdelay $0x3  }
0x43b: {  	v16 =	vld [tilespmem:s1+$0x0];
	v12 =	vsel vm1, $0xFFFFFFFF, v0;
	p2 =	seq.s32 s0, $0x1;
	v15 =	vsel vm0, $0x1, v0  }
.Ltmp73:
0x43c: {  	v12 =	vadd.s32 v12, v10;
	v14, _, _ =	vpop (xrf0);
	(xrf0) =	vadd.scan.msk.s32 $0xffff, v15;
	(pc) =	sbr.rel @p2 .LBB2_133-.Ltmp73, $4  }
0x43d: {  	v17 =	vor.u32 $0x40, v2;
	v12 =	vadd.s32 v14, v12  }
0x43e: {  	v12 =	vsel vm1, v12, v17  }
0x43f: {  	v14 =	vmpcnt.ones.xlane vm1  }
0x440: {  	s0 =	sadd.s32 $0xFFFFFFFF, s0;
	s1 =	simm.s32 $0x60B0;
	p1 =	por $0x1, $0x1;
	v15 =	vimm.s32 $0x0;
	vm1 =	vmmov vm0;
	vm0 =	vlt.u32 v16, v9  }
.LBB2_134:
0x441: {  	v18 =	vld [tilespmem:s1+$0x0];
	p2 =	seq.s32 s0, $0x1;
	s0 =	sadd.s32 $0xFFFFFFFF, s0;
	v21 =	vsel vm0, $0x1, v0;
	v20 =	vsel vm1, $0xFFFFFFFF, v0;
	v15 =	vadd.s32 v15, v14  }
.Ltmp74:
0x442: {  	(xrf0) =	vadd.scan.msk.s32 $0xffff, v21;
	v14 =	vadd.s32 v20, v15;
	v19, _, _ =	vpop (xrf0);
	(pc) =	sbr.rel @!p2 .LBB2_134-.Ltmp74, $4  }
0x443: {  	v14 =	vadd.s32 v19, v14;
	[tilespmem:v12+s12+$0x0] =	vst.idx.msk $0xffff, v11;
	v11 =	vmov v13;
	v13 =	vmov v16  }
0x444: {  	v12 =	vsel vm1, v14, v17  }
0x445: {  	v14 =	vmpcnt.ones.xlane vm1;
	vm1 =	vmmov vm0  }
0x446: {  	s1 =	sadd.s32 $0x10, s1;
	vm0 =	vlt.u32 v18, v9;
	v16 =	vmov v18  }
0x447: {  	v17 =	vmov v11;
	v18 =	vmov v13;
	v11 =	vmov v16  }
.LBB2_136:
0x448: {  	v13 =	vsel vm0, $0x1, v0  }
0x449: {  	(xrf0) =	vadd.scan.msk.s32 $0xffff, v13  }
0x44a: {  	v13 =	vadd.s32 @p1 v15, v14;
	v14 =	vmpcnt.ones.xlane @p0 vm1  }
0x44b: {  	vm15 =	vmmov vm0  }
0x44c: {  	v15 =	vsel @p0 vm1, $0xFFFFFFFF, v0;
	v13 =	vpsel p1, v13, v10;
	v14 =	vpsel p0, v14, v0  }
0x44d: {  	v16, _, _ =	vpop @p0 (xrf0);
	v59 =	vsel vm15, $0xFFFFFFFF, v0;
	v15 =	vadd.s32 @p0 v15, v13;
	v13 =	vadd.s32 @p0 v13, v14  }
0x44e: {  	v15 =	vadd.s32 @p0 v16, v15;
	v14 =	vor.u32 @p0 $0x40, v2;
	v10 =	vpsel p0, v13, v10  }
0x44f: {  	v13 =	vsel @p0 vm1, v15, v14;
	v60 =	vadd.s32 v59, v10;
	v61, _, _ =	vpop (xrf0)  }
0x450: {  	v62 =	vor.u32 $0x40, v2;
	v13 =	vpsel p0, v13, v0;
	v14 =	vadd.s32 v61, v60  }
0x451: {  	v14 =	vsel vm15, v14, v62;
	_ =	sdelay $0x1  }
0x452: {  	v15 =	vmov @p0 v18  }
0x453: {  	[tilespmem:v12+s12+$0x0] =	vst.idx.msk @p1 $0xffff, v17;
	v63 =	vmpcnt.ones.xlane vm15;
	v12 =	vpsel p0, v15, v0  }
0x454: {  	[tilespmem:v13+s12+$0x0] =	vst.idx.msk @p0 $0xffff, v12  }
0x455: {  	v10 =	vadd.s32 v10, v63;
	[tilespmem:v14+s12+$0x0] =	vst.idx.msk $0xffff, v11  }
.Ltmp75:
0x456: {  	(pc) =	sbr.rel .LBB2_125-.Ltmp75, $2  }
0x457: {  	_ =	sdelay $0x2  }
0x458: {  	v10 =	vxor.u32 $0x80000000, v10  }
.LBB2_13:
0x459: {  	p0 =	por $0x0, $0x0  }
0x45a: {  	s0 =	simm.s32 @!p0 $0x0  }
0x45b: {  	s0 =	simm.s32 @p0 $0x1;
	p0 =	por $0x0, $0x0  }
.Ltmp76:
0x45c: {  	[smem:$0x7FA] =	sst s0;
	s0 =	simm.s32 @!p0 $0x0;
	(pc) =	sbr.rel .LBB2_26-.Ltmp76, $4  }
0x45d: {  	s0 =	simm.s32 @p0 $0x1;
	p0 =	por $0x0, $0x0  }
0x45e: {  	s30 =	simm.s32 $0x0;
	[smem:$0x7FB] =	sst s0;
	s0 =	simm.s32 @!p0 $0x0  }
0x45f: {  	s31 =	simm.s32 $0x0;
	s6 =	simm.s32 $0x0;
	s0 =	simm.s32 @p0 $0x1  }
0x460: {  	v10 =	vmov v15;
	p6 =	por $0x0, $0x0;
	s28 =	simm.s32 $0x0;
	[smem:$0x7FC] =	sst s0  }
.LBB2_15:
0x461: {  	p0 =	por $0x0, $0x0  }
0x462: {  	s0 =	simm.s32 @!p0 $0x0  }
0x463: {  	s0 =	simm.s32 @p0 $0x1;
	p0 =	por $0x1, $0x1  }
.Ltmp77:
0x464: {  	[smem:$0x7FA] =	sst s0;
	s0 =	simm.s32 @!p0 $0x0;
	(pc) =	sbr.rel .LBB2_26-.Ltmp77, $4  }
0x465: {  	s30 =	simm.s32 $0x0;
	s0 =	simm.s32 @p0 $0x1;
	p0 =	por $0x0, $0x0  }
0x466: {  	s31 =	simm.s32 $0x0;
	[smem:$0x7FB] =	sst s0;
	s0 =	simm.s32 @!p0 $0x0  }
0x467: {  	s23 =	simm.s32 $0x0;
	s6 =	simm.s32 $0x10;
	s0 =	simm.s32 @p0 $0x1  }
0x468: {  	v12 =	vmov v14;
	v16 =	vmov v15;
	v10 =	vmov v18;
	p6 =	por $0x0, $0x0;
	s28 =	simm.s32 $0x0;
	[smem:$0x7FC] =	sst s0  }
.LBB2_17:
0x469: {  	p0 =	por $0x0, $0x0  }
0x46a: {  	s30 =	simm.s32 $0x0;
	s0 =	simm.s32 @!p0 $0x0  }
0x46b: {  	s31 =	simm.s32 $0x0;
	s0 =	simm.s32 @p0 $0x1;
	p0 =	por $0x1, $0x1  }
.Ltmp78:
0x46c: {  	[smem:$0x7FA] =	sst s0;
	s0 =	simm.s32 @!p0 $0x0;
	(pc) =	sbr.rel .LBB2_26-.Ltmp78, $4  }
0x46d: {  	s24 =	simm.s32 $0x0;
	s0 =	simm.s32 @p0 $0x1;
	p0 =	por $0x0, $0x0  }
0x46e: {  	s14 =	simm.s32 $0x0;
	[smem:$0x7FB] =	sst s0;
	s0 =	simm.s32 @!p0 $0x0  }
0x46f: {  	s23 =	simm.s32 $0x10;
	s6 =	simm.s32 $0x20;
	s0 =	simm.s32 @p0 $0x1  }
0x470: {  	v10 =	vmov v11;
	v12 =	vmov v19;
	v16 =	vmov v18;
	p6 =	por $0x0, $0x0;
	s28 =	simm.s32 $0x0;
	[smem:$0x7FC] =	sst s0  }
.LBB2_19:
0x471: {  	p0 =	por $0x0, $0x0;
	s31 =	simm.s32 $0x0  }
0x472: {  	s22 =	simm.s32 $0x0;
	s14 =	simm.s32 $0x10;
	s0 =	simm.s32 @!p0 $0x0  }
0x473: {  	s30 =	smov.u32 s8;
	s0 =	simm.s32 @p0 $0x1;
	p0 =	por $0x1, $0x1  }
.Ltmp79:
0x474: {  	[smem:$0x7FA] =	sst s0;
	s0 =	simm.s32 @!p0 $0x0;
	(pc) =	sbr.rel .LBB2_26-.Ltmp79, $4  }
0x475: {  	s25 =	smov.u32 s8;
	s0 =	simm.s32 @p0 $0x1;
	p0 =	por $0x1, $0x1  }
0x476: {  	s24 =	smov.u32 s8;
	[smem:$0x7FB] =	sst s0;
	s0 =	simm.s32 @!p0 $0x0  }
0x477: {  	s23 =	simm.s32 $0x20;
	p6 =	por $0x0, $0x0;
	s0 =	simm.s32 @p0 $0x1  }
0x478: {  	v12 =	vmovc v13;
	v16 =	vmov v11;
	v14 =	vmov v19;
	v15 =	vmov v18;
	s28 =	simm.s32 $0x0;
	[smem:$0x7FC] =	sst s0;
	s0 =	simm.s32 $0x0  }
.LBB2_21:
0x479: {  	p0 =	por $0x1, $0x1;
	s31 =	simm.s32 $0x0;
	s21 =	simm.s32 $0x0  }
0x47a: {  	s14 =	simm.s32 $0x20;
	s23 =	simm.s32 $0x30;
	s7 =	smov.u32 s15  }
0x47b: {  	s30 =	smov.u32 s16;
	s25 =	smov.u32 s16;
	s22 =	smov.u32 s8  }
.Ltmp80:
0x47c: {  	s24 =	smov.u32 s16;
	s0 =	simm.s32 @!p0 $0x0;
	(pc) =	sbr.rel .LBB2_26-.Ltmp80, $4  }
0x47d: {  	s13 =	smov.u32 s3;
	s0 =	simm.s32 @p0 $0x1;
	p0 =	por $0x1, $0x1  }
0x47e: {  	s6 =	simm.s32 $0x40;
	[smem:$0x7FA] =	sst s0;
	s0 =	simm.s32 @!p0 $0x0  }
0x47f: {  	p6 =	por $0x0, $0x0;
	s19 =	smov.u32 s8;
	s0 =	simm.s32 @p0 $0x1  }
0x480: {  	v12 =	vmovc v14;
	v16 =	vmovc v10;
	v14 =	vmov v13;
	v15 =	vmov v11;
	v10 =	vmov v17;
	s28 =	simm.s32 $0x0;
	[smem:$0x7FB] =	sst s0;
	s0 =	simm.s32 $0x10  }
.LBB2_23:
0x481: {  	p1 =	por $0x1, $0x1;
	s31 =	simm.s32 $0x0  }
0x482: {  	s1 =	smov.u32 s3;
	s25 =	smov.u32 s30;
	s21 =	smov.u32 s8  }
.Ltmp81:
0x483: {  	s22 =	smov.u32 s16;
	s24 =	smov.u32 s30;
	(pc) =	sbr.rel .LBB2_26-.Ltmp81, $4  }
0x484: {  	s14 =	simm.s32 $0x30;
	s6 =	simm.s32 $0x50;
	p6 =	por $0x0, $0x0  }
0x485: {  	s19 =	smov.u32 s16;
	s26 =	smov.u32 s5;
	s0 =	simm.s32 @!p1 $0x0  }
0x486: {  	s5 =	smov.u32 s2;
	s2 =	simm.s32 $0x0;
	s0 =	simm.s32 @p1 $0x1  }
0x487: {  	v15 =	vmov v10;
	v16 =	vmov v17;
	v10 =	vmov v18;
	p4 =	por $0x1, $0x1;
	[smem:$0x7FB] =	sst s0;
	s0 =	simm.s32 $0x20  }
.LBB2_30:
.Ltmp82:
0x488: {  	(pc) =	sbr.rel .LBB2_35-.Ltmp82, $2  }
0x489: {  	_ =	sdelay $0x2  }
0x48a: {  	_ = 	snop  }
.LBB2_41:
.Ltmp83:
0x48b: {  	(pc) =	sbr.rel .LBB2_48-.Ltmp83, $2  }
0x48c: {  	_ =	sdelay $0x2  }
0x48d: {  	v15 =	vimm.s32 $0x0  }
.LBB2_39:
.Ltmp84:
0x48e: {  	(pc) =	sbr.rel .LBB2_53-.Ltmp84, $2  }
0x48f: {  	_ =	sdelay $0x2  }
0x490: {  	_ = 	snop  }
.LBB2_59:
.Ltmp85:
0x491: {  	(pc) =	sbr.rel .LBB2_66-.Ltmp85, $2  }
0x492: {  	_ =	sdelay $0x2  }
0x493: {  	v15 =	vimm.s32 $0x0  }
.LBB2_57:
.Ltmp86:
0x494: {  	(pc) =	sbr.rel .LBB2_71-.Ltmp86, $2  }
0x495: {  	_ =	sdelay $0x2  }
0x496: {  	_ = 	snop  }
.LBB2_77:
.Ltmp87:
0x497: {  	(pc) =	sbr.rel .LBB2_84-.Ltmp87, $2  }
0x498: {  	_ =	sdelay $0x2  }
0x499: {  	v15 =	vimm.s32 $0x0  }
.LBB2_75:
.Ltmp88:
0x49a: {  	(pc) =	sbr.rel .LBB2_89-.Ltmp88, $2  }
0x49b: {  	_ =	sdelay $0x2  }
0x49c: {  	_ = 	snop  }
.LBB2_95:
.Ltmp89:
0x49d: {  	(pc) =	sbr.rel .LBB2_102-.Ltmp89, $2  }
0x49e: {  	_ =	sdelay $0x2  }
0x49f: {  	v15 =	vimm.s32 $0x0  }
.LBB2_93:
.Ltmp90:
0x4a0: {  	(pc) =	sbr.rel .LBB2_107-.Ltmp90, $2  }
0x4a1: {  	_ =	sdelay $0x2  }
0x4a2: {  	_ = 	snop  }
.LBB2_116:
.Ltmp91:
0x4a3: {  	(pc) =	sbr.rel .LBB2_123-.Ltmp91, $2  }
0x4a4: {  	_ =	sdelay $0x2  }
0x4a5: {  	v15 =	vimm.s32 $0x0  }
.LBB2_129:
.Ltmp92:
0x4a6: {  	(pc) =	sbr.rel .LBB2_136-.Ltmp92, $2  }
0x4a7: {  	_ =	sdelay $0x2  }
0x4a8: {  	v15 =	vimm.s32 $0x0  }
.LBB2_43:
.Ltmp93:
0x4a9: {  	(pc) =	sbr.rel .LBB2_48-.Ltmp93, $2  }
0x4aa: {  	_ =	sdelay $0x2  }
0x4ab: {  	v19 =	vmov v11;
	v15 =	vimm.s32 $0x0;
	v11 =	vmov v13  }
.LBB2_61:
.Ltmp94:
0x4ac: {  	(pc) =	sbr.rel .LBB2_66-.Ltmp94, $2  }
0x4ad: {  	_ =	sdelay $0x2  }
0x4ae: {  	v19 =	vmov v11;
	v15 =	vimm.s32 $0x0;
	v11 =	vmov v13  }
.LBB2_79:
.Ltmp95:
0x4af: {  	(pc) =	sbr.rel .LBB2_84-.Ltmp95, $2  }
0x4b0: {  	_ =	sdelay $0x2  }
0x4b1: {  	v19 =	vmov v11;
	v15 =	vimm.s32 $0x0;
	v11 =	vmov v13  }
.LBB2_97:
.Ltmp96:
0x4b2: {  	(pc) =	sbr.rel .LBB2_102-.Ltmp96, $2  }
0x4b3: {  	_ =	sdelay $0x2  }
0x4b4: {  	v19 =	vmov v11;
	v15 =	vimm.s32 $0x0;
	v11 =	vmov v13  }
.LBB2_118:
.Ltmp97:
0x4b5: {  	(pc) =	sbr.rel .LBB2_123-.Ltmp97, $2  }
0x4b6: {  	_ =	sdelay $0x2  }
0x4b7: {  	v19 =	vmov v11;
	v15 =	vimm.s32 $0x0;
	v11 =	vmov v13  }
.LBB2_131:
.Ltmp98:
0x4b8: {  	(pc) =	sbr.rel .LBB2_136-.Ltmp98, $2  }
0x4b9: {  	_ =	sdelay $0x2  }
0x4ba: {  	v18 =	vmov v11;
	v15 =	vimm.s32 $0x0;
	v11 =	vmov v13  }
.LBB2_45:
.Ltmp99:
0x4bb: {  	(pc) =	sbr.rel .LBB2_48-.Ltmp99, $2  }
0x4bc: {  	_ =	sdelay $0x2  }
0x4bd: {  	v18 =	vmovc v11;
	v15 =	vimm.s32 $0x0;
	v19 =	vmov v13;
	v11 =	vmov v17  }
.LBB2_63:
.Ltmp100:
0x4be: {  	(pc) =	sbr.rel .LBB2_66-.Ltmp100, $2  }
0x4bf: {  	_ =	sdelay $0x2  }
0x4c0: {  	v18 =	vmovc v11;
	v15 =	vimm.s32 $0x0;
	v19 =	vmov v13;
	v11 =	vmov v17  }
.LBB2_81:
.Ltmp101:
0x4c1: {  	(pc) =	sbr.rel .LBB2_84-.Ltmp101, $2  }
0x4c2: {  	_ =	sdelay $0x2  }
0x4c3: {  	v18 =	vmovc v11;
	v15 =	vimm.s32 $0x0;
	v19 =	vmov v13;
	v11 =	vmov v17  }
.LBB2_99:
.Ltmp102:
0x4c4: {  	(pc) =	sbr.rel .LBB2_102-.Ltmp102, $2  }
0x4c5: {  	_ =	sdelay $0x2  }
0x4c6: {  	v18 =	vmovc v11;
	v15 =	vimm.s32 $0x0;
	v19 =	vmov v13;
	v11 =	vmov v17  }
.LBB2_120:
.Ltmp103:
0x4c7: {  	(pc) =	sbr.rel .LBB2_123-.Ltmp103, $2  }
0x4c8: {  	_ =	sdelay $0x2  }
0x4c9: {  	v18 =	vmovc v11;
	v15 =	vimm.s32 $0x0;
	v19 =	vmov v13;
	v11 =	vmov v17  }
.LBB2_133:
.Ltmp104:
0x4ca: {  	(pc) =	sbr.rel .LBB2_136-.Ltmp104, $2  }
0x4cb: {  	_ =	sdelay $0x2  }
0x4cc: {  	v17 =	vmovc v11;
	v15 =	vimm.s32 $0x0;
	v18 =	vmov v13;
	v11 =	vmov v16  }
.LBB2_127:
0x4cd: {  	_ =	sfence.sel $0x180000  }
0x4ce: {  	[bflag:$0x0] =	sbarrier.arrive $0xFFFF  }
0x4cf: {  	_ =	strace $0x90000047  }
0x4d0: {  	s0 =	stileid.u32;
	[bflag:$0x2] =	sbarrier.arrive $0xFFFF  }
0x4d1: {  	p0 =	sne.s32 s0, $0x0;
	s0 =	rddreg [dreg:$0x2]  }
0x4d2: {  	s0 =	sadd.s32 @!p0 $0x100000, s0  }
0x4d3: {  	[sflag:s0] =	ssyncadd.tile.s32 @!p0 $0x1;
	_ =	shalt  }
.Lfunc_end2:
_tile_overlayer_lowered:
.L_overlay_start_2:
0x4d4: {  	(tag) =	ssettag $0x2  }
0x4d5: {  	s0 =	rddreg [dreg:$0x0];
	s2 =	stileid.u32  }
0x4d6: {  	s1 =	rddreg [dreg:$0x1];
	p0 =	sne.s32 s2, $0x0  }
0x4d7: {  	s3 =	rddreg [dreg:$0x2];
	[bflag:$0x3] =	sbarrier.arrive $0xFFFF;
	s2 =	simm.s32 @!p0 $0x1C03  }
0x4d8: {  	[timem:s3], [sflag:s2] =	dma.local @!p0 [hbm:s0], s1  }
0x4d9: {  	s0 =	simm.s32 @!p0 $0x3  }
0x4da: {  	_ =	swait.ge @!p0 [sflag:s0], s1  }
0x4db: {  	s1 =	ssub.s32 @!p0 $0x0, s1;
	[sflag:s0] =	ssyncset.done @!p0 $0x0  }
0x4dc: {  	[sflag:s0] =	ssyncadd.s32 @!p0 s1  }
0x4dd: {  	[bflag:$0x3] =	sbarrier.arrive $0xFFFF  }
0x4de: {  	_ =	shalt  }

</sc_bundles>
